<compile_context>
chip_gen: v7x
topology: tpu7x:2x2x1
jax: 0.10.2.dev20260603
libtpu: 0.0.44.dev20260713+nightly
codegen_flags: <defaults>
</compile_context>

<pallas_src>
import functools

import jax
import jax.numpy as jnp
from jax import lax
from jax.experimental import pallas as pl
from jax.experimental.pallas import tpu as pltpu
from jax.experimental.pallas import tpu_sc as plsc

N = 10000
E = 320000
D = 128

NC = 2
NS = 16
NW = NC * NS
LANES = 16

CHUNK = 80
E_PER_W = E // NW
STEPS = E_PER_W // CHUNK
LEAD = 1
DR = 3
DI = 4
UNROLL = 12
MID0 = DR - LEAD
NMID = ((STEPS - LEAD - 2) - MID0 + 1) // UNROLL * UNROLL
NP = 10240
ROWS_PER_TILE = NP // NS
WB = 40


def _sc_aggregate(feat_hbm, src_hbm, dst_hbm, partial_hbm, deg_hbm,
                  srcb, dstb, rows, hist_v, acc_sh, semg, semi, semsc):
    c = lax.axis_index("c")
    s = lax.axis_index("s")
    wid = c * NS + s
    ebase = wid * E_PER_W

    zeros16 = jnp.zeros((LANES,), jnp.float32)
    ones16 = jnp.ones((LANES,), jnp.float32)

    def zero_rows0(k, _):
        i = k // (D // LANES)
        j = k % (D // LANES)
        rows[0][i, pl.ds(j * LANES, LANES)] = zeros16
        return 0
    lax.fori_loop(0, CHUNK * (D // LANES), zero_rows0, 0)

    def zero_hist(k, _):
        hist_v[pl.ds(k * LANES, LANES)] = zeros16
        return 0
    lax.fori_loop(0, N // LANES, zero_hist, 0)

    for t in range(ROWS_PER_TILE // WB):
        pltpu.sync_copy(rows[0].at[pl.ds(0, WB)],
                        acc_sh.at[pl.ds(s * ROWS_PER_TILE + t * WB, WB)])

    plsc.subcore_barrier()

    def prefetch_idx(i, q):
        pltpu.async_copy(src_hbm.at[pl.ds(ebase + i * CHUNK, CHUNK)], srcb[q], semi[q])
        pltpu.async_copy(dst_hbm.at[pl.ds(ebase + i * CHUNK, CHUNK)], dstb[q], semi[q])

    def wait_idx(q):
        pltpu.make_async_copy(src_hbm.at[pl.ds(0, CHUNK)], srcb[q], semi[q]).wait()
        pltpu.make_async_copy(dst_hbm.at[pl.ds(0, CHUNK)], dstb[q], semi[q]).wait()

    def step(i, si, wait_scatter, issue_ahead, prefetch_ahead):
        p = si % DR
        q = si % DI
        gs = (si + LEAD) % DR
        gq = (si + LEAD) % DI
        if issue_ahead:
            if wait_scatter:
                pltpu.make_async_copy(rows[gs], acc_sh.at[pl.ds(0, CHUNK)], semsc[gs]).wait()
            wait_idx(gq)
            pltpu.async_copy(feat_hbm.at[srcb[gq]], rows[gs], semg[gs])
        pltpu.make_async_copy(feat_hbm.at[srcb[q]], rows[p], semg[p]).wait()
        pltpu.async_copy(rows[p], acc_sh.at[dstb[q]], semsc[p], add=True)
        for j in range(CHUNK // LANES):
            idx = dstb[q][pl.ds(j * LANES, LANES)]
            plsc.addupdate_scatter(hist_v, [idx], ones16)
        if prefetch_ahead:
            prefetch_idx(i + LEAD + 1, (si + LEAD + 1) % DI)

    for j in range(LEAD):
        pltpu.sync_copy(src_hbm.at[pl.ds(ebase + j * CHUNK, CHUNK)], srcb[j])
        pltpu.sync_copy(dst_hbm.at[pl.ds(ebase + j * CHUNK, CHUNK)], dstb[j])
        pltpu.async_copy(feat_hbm.at[srcb[j]], rows[j], semg[j])
    prefetch_idx(LEAD, LEAD)

    for i in range(MID0):
        step(i, i, False, True, True)

    def group(gidx, _):
        i0 = MID0 + gidx * UNROLL
        for k in range(UNROLL):
            step(i0 + k, MID0 + k, True, True, True)
        return 0

    lax.fori_loop(0, NMID // UNROLL, group, 0)

    for i in range(MID0 + NMID, STEPS):
        step(i, i, i >= DR - LEAD, i + LEAD <= STEPS - 1, i + LEAD + 1 <= STEPS - 1)

    for i in range(STEPS - DR, STEPS):
        p = i % DR
        pltpu.make_async_copy(rows[p], acc_sh.at[pl.ds(0, CHUNK)], semsc[p]).wait()

    plsc.subcore_barrier()

    for t in range(ROWS_PER_TILE // WB):
        r0 = s * ROWS_PER_TILE + t * WB
        pltpu.sync_copy(acc_sh.at[pl.ds(r0, WB)], partial_hbm.at[c, pl.ds(r0, WB)])
    pltpu.sync_copy(hist_v, deg_hbm.at[pl.ds(wid * N, N)])


_sc_call = functools.partial(
    pl.kernel,
    out_type=[
        jax.ShapeDtypeStruct((NC, NP, D), jnp.float32),
        jax.ShapeDtypeStruct((NW * N,), jnp.float32),
    ],
    mesh=plsc.VectorSubcoreMesh(core_axis_name="c", subcore_axis_name="s"),
    compiler_params=pltpu.CompilerParams(needs_layout_passes=False),
    scratch_types=[
        [pltpu.VMEM((CHUNK,), jnp.int32)] * DI,
        [pltpu.VMEM((CHUNK,), jnp.int32)] * DI,
        [pltpu.VMEM((CHUNK, D), jnp.float32)] * DR,
        pltpu.VMEM((N,), jnp.float32),
        pltpu.VMEM_SHARED((NP, D), jnp.float32),
        [pltpu.SemaphoreType.DMA] * DR,
        [pltpu.SemaphoreType.DMA] * DI,
        [pltpu.SemaphoreType.DMA] * DR,
    ],
)(_sc_aggregate)


ROWS_BLK = 400


def _tc_combine(partial_ref, deg_ref, w_ref, out_ref):
    p = partial_ref[...]
    summed = p[0] + p[1]
    deg = jnp.sum(deg_ref[...], axis=1)
    deg = jnp.maximum(deg, 1.0)
    mean = summed / deg[:, None]
    out_ref[...] = lax.dot_general(
        mean, w_ref[...], (((1,), (1,)), ((), ())),
        preferred_element_type=jnp.float32)


def _combine(partial, deg, W):
    return pl.pallas_call(
        _tc_combine,
        grid=(N // ROWS_BLK,),
        in_specs=[
            pl.BlockSpec((NC, ROWS_BLK, D), lambda i: (0, i, 0)),
            pl.BlockSpec((ROWS_BLK, NW), lambda i: (i, 0)),
            pl.BlockSpec((D, D), lambda i: (0, 0)),
        ],
        out_specs=pl.BlockSpec((ROWS_BLK, D), lambda i: (i, 0)),
        out_shape=jax.ShapeDtypeStruct((N, D), jnp.float32),
    )(partial, deg, W)


def kernel(feat, edge_index, W):
    src = edge_index[0]
    dst = edge_index[1]
    partial, deg = _sc_call(feat, src, dst)
    return _combine(partial, deg.reshape(NW, N).T, W)

# --- scband reference (transcript-rebuilt; emitter-appended) ---
"""Pipeline reference for scband-sparse-message-passing-86715389706547 (READ-ONLY COPY).

The authoritative reference and input builder live on the scoring server;
editing this copy changes nothing except your own understanding.
"""

import jax, jax.numpy as jnp
import numpy as np

N_NODES = 10000
N_EDGES = 320000
D_IN = 128
D_OUT = 128


def setup_inputs(seed: int = 0) -> dict:
    key = jax.random.key(seed)
    k1, k2, k3 = jax.random.split(key, 3)
    feat = jax.random.normal(k1, (N_NODES, D_IN), dtype=jnp.float32)
    edge_index = jax.random.randint(k2, (2, N_EDGES), 0, N_NODES, dtype=jnp.int32)
    # nn.Linear(in_size, out_size, bias=False) weight: [out, in]
    W = jax.random.normal(k3, (D_OUT, D_IN), dtype=jnp.float32) * (1.0 / np.sqrt(D_IN))
    return {"feat": feat, "edge_index": edge_index, "W": W}


def reference(feat, edge_index, W):
    # block.srcdata['h'] = linear(feat)
    h = feat @ W.T
    src = edge_index[0]
    dst = edge_index[1]
    # update_all(copy_u('h','m'), mean('m','h')):
    # gather source features along edges, mean-reduce by destination node
    msg = jnp.take(h, src, axis=0)
    summed = jax.ops.segment_sum(msg, dst, num_segments=N_NODES)
    deg = jax.ops.segment_sum(jnp.ones((N_EDGES,), dtype=h.dtype), dst, num_segments=N_NODES)
    deg = jnp.maximum(deg, 1.0)  # nodes with no in-edges get 0 (DGL semantics)
    return summed / deg[:, None]

if __name__ == "__main__":
    import jax
    _d = setup_inputs()
    print(jax.jit(kernel)(*tuple(_d.values())))

</pallas_src>

<mosaic_0001>
#map = affine_map<(d0, d1) -> (0, 0)>
#map1 = affine_map<(d0, d1) -> (0)>
#map2 = affine_map<(d0, d1) -> (0, 0, 0)>
module attributes {stable_mosaic.version = 14 : i64} {
  func.func @_sc_aggregate(%arg0: i32, %arg1: i32, %arg2: memref<10000x128xf32, #tpu.memory_space<hbm>>, %arg3: memref<320000xi32, #tpu.memory_space<hbm>>, %arg4: memref<320000xi32, #tpu.memory_space<hbm>>, %arg5: memref<2x10240x128xf32, #tpu.memory_space<hbm>>, %arg6: memref<320000xf32, #tpu.memory_space<hbm>>, %arg7: memref<80xi32, #tpu.memory_space<vmem>>, %arg8: memref<80xi32, #tpu.memory_space<vmem>>, %arg9: memref<80xi32, #tpu.memory_space<vmem>>, %arg10: memref<80xi32, #tpu.memory_space<vmem>>, %arg11: memref<80xi32, #tpu.memory_space<vmem>>, %arg12: memref<80xi32, #tpu.memory_space<vmem>>, %arg13: memref<80xi32, #tpu.memory_space<vmem>>, %arg14: memref<80xi32, #tpu.memory_space<vmem>>, %arg15: memref<80x128xf32, #tpu.memory_space<vmem>>, %arg16: memref<80x128xf32, #tpu.memory_space<vmem>>, %arg17: memref<80x128xf32, #tpu.memory_space<vmem>>, %arg18: memref<10000xf32, #tpu.memory_space<vmem>>, %arg19: memref<10240x128xf32, #tpu.memory_space<vmem_shared>>, %arg20: memref<!tpu.dma_semaphore, #tpu.memory_space<semaphore_mem>>, %arg21: memref<!tpu.dma_semaphore, #tpu.memory_space<semaphore_mem>>, %arg22: memref<!tpu.dma_semaphore, #tpu.memory_space<semaphore_mem>>, %arg23: memref<!tpu.dma_semaphore, #tpu.memory_space<semaphore_mem>>, %arg24: memref<!tpu.dma_semaphore, #tpu.memory_space<semaphore_mem>>, %arg25: memref<!tpu.dma_semaphore, #tpu.memory_space<semaphore_mem>>, %arg26: memref<!tpu.dma_semaphore, #tpu.memory_space<semaphore_mem>>, %arg27: memref<!tpu.dma_semaphore, #tpu.memory_space<semaphore_mem>>, %arg28: memref<!tpu.dma_semaphore, #tpu.memory_space<semaphore_mem>>, %arg29: memref<!tpu.dma_semaphore, #tpu.memory_space<semaphore_mem>>) attributes {dimension_semantics = [#tpu.dimension_semantics<core_parallel>, #tpu.dimension_semantics<subcore_parallel>], iteration_bounds = array<i64: 2, 16>, scalar_prefetch = 0 : i64, scratch_operands = 23 : i64, tpu.core_type = #tpu.core_type<sc_vector_subcore>, window_params = [{transform_indices = #map}, {transform_indices = #map1}, {transform_indices = #map1}, {transform_indices = #map2}, {transform_indices = #map1}]} {
    %mul3A = arith.constant 16 : i32
    %mul3A_0 = arith.muli %arg0, %mul3A : i32
    %add3A = arith.addi %mul3A_0, %arg1 : i32
    %mul3A_1 = arith.constant 10000 : i32
    %mul3A_2 = arith.muli %add3A, %mul3A_1 : i32
    %broadcast_in_dim3A = arith.constant 0.000000e+00 : f32
    %broadcast_in_dim3A_3 = vector.broadcast %broadcast_in_dim3A : f32 to vector<16xf32>
    %broadcast_in_dim3A_4 = arith.constant 1.000000e+00 : f32
    %broadcast_in_dim3A_5 = vector.broadcast %broadcast_in_dim3A_4 : f32 to vector<16xf32>
    %scan3A = arith.constant 0 : i32
    %scan3A_6 = arith.constant 0 : i32
    %scan3A_7 = arith.constant 640 : i32
    %scan3A_8 = arith.addi %scan3A_6, %scan3A_7 : i32
    %scan3A_9 = arith.constant 1 : i32
    %scan3A_10 = scf.for %scan3A_347 = %scan3A_6 to %scan3A_8 step %scan3A_9 iter_args(%scan3A_348 = %scan3A) -> (i32)  : i32 {
      %jit3A = arith.constant 8 : i32
      %div3A = arith.divsi %scan3A_347, %jit3A : i32
      %sign3A = arith.constant 0 : i32
      %sign3A_349 = arith.cmpi sgt, %scan3A_347, %sign3A : i32
      %sign3A_350 = arith.extui %sign3A_349 : i1 to i32
      %sign3A_351 = arith.constant 0 : i32
      %sign3A_352 = arith.cmpi slt, %scan3A_347, %sign3A_351 : i32
      %sign3A_353 = arith.extui %sign3A_352 : i1 to i32
      %sign3A_354 = arith.subi %sign3A_350, %sign3A_353 : i32
      %sign3A_355 = arith.constant 0 : i32
      %sign3A_356 = arith.cmpi sgt, %jit3A, %sign3A_355 : i32
      %sign3A_357 = arith.extui %sign3A_356 : i1 to i32
      %sign3A_358 = arith.constant 0 : i32
      %sign3A_359 = arith.cmpi slt, %jit3A, %sign3A_358 : i32
      %sign3A_360 = arith.extui %sign3A_359 : i1 to i32
      %sign3A_361 = arith.subi %sign3A_357, %sign3A_360 : i32
      %ne3A = arith.cmpi ne, %sign3A_354, %sign3A_361 : i32
      %rem3A = arith.remsi %scan3A_347, %jit3A : i32
      %ne3A_362 = arith.constant 0 : i32
      %ne3A_363 = arith.cmpi ne, %rem3A, %ne3A_362 : i32
      %and3A = arith.andi %ne3A, %ne3A_363 : i1
      %sub3A = arith.constant 1 : i32
      %sub3A_364 = arith.subi %div3A, %sub3A : i32
      %select_n3A = arith.select %and3A, %sub3A_364, %div3A : i32
      %jit3A_365 = arith.constant 8 : i32
      %eq3A = arith.constant 0 : i32
      %eq3A_366 = arith.cmpi eq, %jit3A_365, %eq3A : i32
      %jit3A_367 = arith.constant 1 : i32
      %select_n3A_368 = arith.select %eq3A_366, %jit3A_367, %jit3A_365 : i32
      %rem3A_369 = arith.remsi %scan3A_347, %select_n3A_368 : i32
      %ne3A_370 = arith.constant 0 : i32
      %ne3A_371 = arith.cmpi ne, %rem3A_369, %ne3A_370 : i32
      %lt3A = arith.constant 0 : i32
      %lt3A_372 = arith.cmpi slt, %rem3A_369, %lt3A : i32
      %lt3A_373 = arith.constant 0 : i32
      %lt3A_374 = arith.cmpi slt, %select_n3A_368, %lt3A_373 : i32
      %ne3A_375 = arith.xori %lt3A_372, %lt3A_374 : i1
      %and3A_376 = arith.andi %ne3A_375, %ne3A_371 : i1
      %add3A_377 = arith.addi %rem3A_369, %select_n3A_368 : i32
      %select_n3A_378 = arith.select %and3A_376, %add3A_377, %rem3A_369 : i32
      %mul3A_379 = arith.constant 16 : i32
      %mul3A_380 = arith.muli %select_n3A_378, %mul3A_379 : i32
      %swap3A = arith.index_cast %select_n3A : i32 to index
      %swap3A_381 = arith.index_cast %mul3A_380 : i32 to index
      %swap3A_382 = tpu.vector_load %arg15[%swap3A, %swap3A_381] {strides = array<i32>} : memref<80x128xf32, #tpu.memory_space<vmem>>, vector<16xf32>,
      tpu.vector_store %arg15[%swap3A, %swap3A_381], %broadcast_in_dim3A_3 {strides = array<i32>} : memref<80x128xf32, #tpu.memory_space<vmem>>, vector<16xf32>,
      %scan3A_383 = arith.constant 0 : i32
      scf.yield %scan3A_383 : i32
    }
    %scan3A_11 = arith.constant 640 : i32
    %scan3A_12 = arith.constant 0 : i32
    %scan3A_13 = arith.constant 0 : i32
    %scan3A_14 = arith.constant 625 : i32
    %scan3A_15 = arith.addi %scan3A_13, %scan3A_14 : i32
    %scan3A_16 = arith.constant 1 : i32
    %scan3A_17 = scf.for %scan3A_347 = %scan3A_13 to %scan3A_15 step %scan3A_16 iter_args(%scan3A_348 = %scan3A_12) -> (i32)  : i32 {
      %mul3A_349 = arith.constant 16 : i32
      %mul3A_350 = arith.muli %scan3A_347, %mul3A_349 : i32
      %swap3A = arith.index_cast %mul3A_350 : i32 to index
      %swap3A_351 = tpu.vector_load %arg18[%swap3A] {strides = array<i32>} : memref<10000xf32, #tpu.memory_space<vmem>>, vector<16xf32>,
      tpu.vector_store %arg18[%swap3A], %broadcast_in_dim3A_3 {strides = array<i32>} : memref<10000xf32, #tpu.memory_space<vmem>>, vector<16xf32>,
      %scan3A_352 = arith.constant 0 : i32
      scf.yield %scan3A_352 : i32
    }
    %scan3A_18 = arith.constant 625 : i32
    %mul3A_19 = arith.constant 640 : i32
    %mul3A_20 = arith.muli %arg1, %mul3A_19 : i32
    %add3A_21 = arith.constant 0 : i32
    %add3A_22 = arith.addi %mul3A_20, %add3A_21 : i32
    "tpu.region"() ({
      %run_scoped3A = tpu.sem_alloc : memref<!tpu.dma_semaphore, #tpu.memory_space<semaphore_mem>>
      %dma_start3A_347 = arith.constant 0 : i32
      %dma_start3A_348 = arith.constant 0 : i32
      %dma_start3A_349 = tpu.memref_slice %arg15[%dma_start3A_347, %dma_start3A_348] : memref<80x128xf32, #tpu.memory_space<vmem>> -> memref<40x128xf32, #tpu.memory_space<vmem>>
      %dma_start3A_350 = arith.constant 0 : i32
      %dma_start3A_351 = tpu.memref_slice %arg19[%add3A_22, %dma_start3A_350] : memref<10240x128xf32, #tpu.memory_space<vmem_shared>> -> memref<40x128xf32, #tpu.memory_space<vmem_shared>>
      %dma_start3A_352 = arith.constant 0 : i32
      %dma_start3A_353 = tpu.memref_slice %arg19[%add3A_22, %dma_start3A_352] : memref<10240x128xf32, #tpu.memory_space<vmem_shared>> -> memref<40x128xf32, #tpu.memory_space<vmem_shared>>
      %dma_start3A_354 = arith.constant 0 : i32
      %dma_start3A_355 = arith.constant 0 : i32
      %dma_start3A_356 = tpu.memref_slice %arg15[%dma_start3A_354, %dma_start3A_355] : memref<80x128xf32, #tpu.memory_space<vmem>> -> memref<40x128xf32, #tpu.memory_space<vmem>>
      tpu.enqueue_dma source(%dma_start3A_356 : memref<40x128xf32, #tpu.memory_space<vmem>>) target(%dma_start3A_353 : memref<40x128xf32, #tpu.memory_space<vmem_shared>>) target_semaphore(%run_scoped3A : memref<!tpu.dma_semaphore, #tpu.memory_space<semaphore_mem>>)
      %dma_wait3A_357 = arith.constant 0 : i32
      %dma_wait3A_358 = arith.constant 0 : i32
      %dma_wait3A_359 = tpu.memref_slice %arg15[%dma_wait3A_357, %dma_wait3A_358] : memref<80x128xf32, #tpu.memory_space<vmem>> -> memref<40x128xf32, #tpu.memory_space<vmem>>
      %dma_wait3A_360 = arith.constant 0 : i32
      %dma_wait3A_361 = tpu.memref_slice %arg19[%add3A_22, %dma_wait3A_360] : memref<10240x128xf32, #tpu.memory_space<vmem_shared>> -> memref<40x128xf32, #tpu.memory_space<vmem_shared>>
      %dma_wait3A_362 = arith.constant 0 : i32
      %dma_wait3A_363 = tpu.memref_slice %arg19[%add3A_22, %dma_wait3A_362] : memref<10240x128xf32, #tpu.memory_space<vmem_shared>> -> memref<40x128xf32, #tpu.memory_space<vmem_shared>>
      %dma_wait3A_364 = arith.constant 0 : i32
      %dma_wait3A_365 = arith.constant 0 : i32
      %dma_wait3A_366 = tpu.memref_slice %arg15[%dma_wait3A_364, %dma_wait3A_365] : memref<80x128xf32, #tpu.memory_space<vmem>> -> memref<40x128xf32, #tpu.memory_space<vmem>>
      tpu.wait_dma2 semaphore(%run_scoped3A : memref<!tpu.dma_semaphore, #tpu.memory_space<semaphore_mem>>) src(%dma_wait3A_366 : memref<40x128xf32, #tpu.memory_space<vmem>>) dst(%dma_wait3A_363 : memref<40x128xf32, #tpu.memory_space<vmem_shared>>)
      tpu.yield
    }) : () -> ()
    %mul3A_23 = arith.constant 640 : i32
    %mul3A_24 = arith.muli %arg1, %mul3A_23 : i32
    %add3A_25 = arith.constant 40 : i32
    %add3A_26 = arith.addi %mul3A_24, %add3A_25 : i32
    "tpu.region"() ({
      %run_scoped3A = tpu.sem_alloc : memref<!tpu.dma_semaphore, #tpu.memory_space<semaphore_mem>>
      %dma_start3A_347 = arith.constant 0 : i32
      %dma_start3A_348 = arith.constant 0 : i32
      %dma_start3A_349 = tpu.memref_slice %arg15[%dma_start3A_347, %dma_start3A_348] : memref<80x128xf32, #tpu.memory_space<vmem>> -> memref<40x128xf32, #tpu.memory_space<vmem>>
      %dma_start3A_350 = arith.constant 0 : i32
      %dma_start3A_351 = tpu.memref_slice %arg19[%add3A_26, %dma_start3A_350] : memref<10240x128xf32, #tpu.memory_space<vmem_shared>> -> memref<40x128xf32, #tpu.memory_space<vmem_shared>>
      %dma_start3A_352 = arith.constant 0 : i32
      %dma_start3A_353 = tpu.memref_slice %arg19[%add3A_26, %dma_start3A_352] : memref<10240x128xf32, #tpu.memory_space<vmem_shared>> -> memref<40x128xf32, #tpu.memory_space<vmem_shared>>
      %dma_start3A_354 = arith.constant 0 : i32
      %dma_start3A_355 = arith.constant 0 : i32
      %dma_start3A_356 = tpu.memref_slice %arg15[%dma_start3A_354, %dma_start3A_355] : memref<80x128xf32, #tpu.memory_space<vmem>> -> memref<40x128xf32, #tpu.memory_space<vmem>>
      tpu.enqueue_dma source(%dma_start3A_356 : memref<40x128xf32, #tpu.memory_space<vmem>>) target(%dma_start3A_353 : memref<40x128xf32, #tpu.memory_space<vmem_shared>>) target_semaphore(%run_scoped3A : memref<!tpu.dma_semaphore, #tpu.memory_space<semaphore_mem>>)
      %dma_wait3A_357 = arith.constant 0 : i32
      %dma_wait3A_358 = arith.constant 0 : i32
      %dma_wait3A_359 = tpu.memref_slice %arg15[%dma_wait3A_357, %dma_wait3A_358] : memref<80x128xf32, #tpu.memory_space<vmem>> -> memref<40x128xf32, #tpu.memory_space<vmem>>
      %dma_wait3A_360 = arith.constant 0 : i32
      %dma_wait3A_361 = tpu.memref_slice %arg19[%add3A_26, %dma_wait3A_360] : memref<10240x128xf32, #tpu.memory_space<vmem_shared>> -> memref<40x128xf32, #tpu.memory_space<vmem_shared>>
      %dma_wait3A_362 = arith.constant 0 : i32
      %dma_wait3A_363 = tpu.memref_slice %arg19[%add3A_26, %dma_wait3A_362] : memref<10240x128xf32, #tpu.memory_space<vmem_shared>> -> memref<40x128xf32, #tpu.memory_space<vmem_shared>>
      %dma_wait3A_364 = arith.constant 0 : i32
      %dma_wait3A_365 = arith.constant 0 : i32
      %dma_wait3A_366 = tpu.memref_slice %arg15[%dma_wait3A_364, %dma_wait3A_365] : memref<80x128xf32, #tpu.memory_space<vmem>> -> memref<40x128xf32, #tpu.memory_space<vmem>>
      tpu.wait_dma2 semaphore(%run_scoped3A : memref<!tpu.dma_semaphore, #tpu.memory_space<semaphore_mem>>) src(%dma_wait3A_366 : memref<40x128xf32, #tpu.memory_space<vmem>>) dst(%dma_wait3A_363 : memref<40x128xf32, #tpu.memory_space<vmem_shared>>)
      tpu.yield
    }) : () -> ()
    %mul3A_27 = arith.constant 640 : i32
    %mul3A_28 = arith.muli %arg1, %mul3A_27 : i32
    %add3A_29 = arith.constant 80 : i32
    %add3A_30 = arith.addi %mul3A_28, %add3A_29 : i32
    "tpu.region"() ({
      %run_scoped3A = tpu.sem_alloc : memref<!tpu.dma_semaphore, #tpu.memory_space<semaphore_mem>>
      %dma_start3A_347 = arith.constant 0 : i32
      %dma_start3A_348 = arith.constant 0 : i32
      %dma_start3A_349 = tpu.memref_slice %arg15[%dma_start3A_347, %dma_start3A_348] : memref<80x128xf32, #tpu.memory_space<vmem>> -> memref<40x128xf32, #tpu.memory_space<vmem>>
      %dma_start3A_350 = arith.constant 0 : i32
      %dma_start3A_351 = tpu.memref_slice %arg19[%add3A_30, %dma_start3A_350] : memref<10240x128xf32, #tpu.memory_space<vmem_shared>> -> memref<40x128xf32, #tpu.memory_space<vmem_shared>>
      %dma_start3A_352 = arith.constant 0 : i32
      %dma_start3A_353 = tpu.memref_slice %arg19[%add3A_30, %dma_start3A_352] : memref<10240x128xf32, #tpu.memory_space<vmem_shared>> -> memref<40x128xf32, #tpu.memory_space<vmem_shared>>
      %dma_start3A_354 = arith.constant 0 : i32
      %dma_start3A_355 = arith.constant 0 : i32
      %dma_start3A_356 = tpu.memref_slice %arg15[%dma_start3A_354, %dma_start3A_355] : memref<80x128xf32, #tpu.memory_space<vmem>> -> memref<40x128xf32, #tpu.memory_space<vmem>>
      tpu.enqueue_dma source(%dma_start3A_356 : memref<40x128xf32, #tpu.memory_space<vmem>>) target(%dma_start3A_353 : memref<40x128xf32, #tpu.memory_space<vmem_shared>>) target_semaphore(%run_scoped3A : memref<!tpu.dma_semaphore, #tpu.memory_space<semaphore_mem>>)
      %dma_wait3A_357 = arith.constant 0 : i32
      %dma_wait3A_358 = arith.constant 0 : i32
      %dma_wait3A_359 = tpu.memref_slice %arg15[%dma_wait3A_357, %dma_wait3A_358] : memref<80x128xf32, #tpu.memory_space<vmem>> -> memref<40x128xf32, #tpu.memory_space<vmem>>
      %dma_wait3A_360 = arith.constant 0 : i32
      %dma_wait3A_361 = tpu.memref_slice %arg19[%add3A_30, %dma_wait3A_360] : memref<10240x128xf32, #tpu.memory_space<vmem_shared>> -> memref<40x128xf32, #tpu.memory_space<vmem_shared>>
      %dma_wait3A_362 = arith.constant 0 : i32
      %dma_wait3A_363 = tpu.memref_slice %arg19[%add3A_30, %dma_wait3A_362] : memref<10240x128xf32, #tpu.memory_space<vmem_shared>> -> memref<40x128xf32, #tpu.memory_space<vmem_shared>>
      %dma_wait3A_364 = arith.constant 0 : i32
      %dma_wait3A_365 = arith.constant 0 : i32
      %dma_wait3A_366 = tpu.memref_slice %arg15[%dma_wait3A_364, %dma_wait3A_365] : memref<80x128xf32, #tpu.memory_space<vmem>> -> memref<40x128xf32, #tpu.memory_space<vmem>>
      tpu.wait_dma2 semaphore(%run_scoped3A : memref<!tpu.dma_semaphore, #tpu.memory_space<semaphore_mem>>) src(%dma_wait3A_366 : memref<40x128xf32, #tpu.memory_space<vmem>>) dst(%dma_wait3A_363 : memref<40x128xf32, #tpu.memory_space<vmem_shared>>)
      tpu.yield
    }) : () -> ()
    %mul3A_31 = arith.constant 640 : i32
    %mul3A_32 = arith.muli %arg1, %mul3A_31 : i32
    %add3A_33 = arith.constant 120 : i32
    %add3A_34 = arith.addi %mul3A_32, %add3A_33 : i32
    "tpu.region"() ({
      %run_scoped3A = tpu.sem_alloc : memref<!tpu.dma_semaphore, #tpu.memory_space<semaphore_mem>>
      %dma_start3A_347 = arith.constant 0 : i32
      %dma_start3A_348 = arith.constant 0 : i32
      %dma_start3A_349 = tpu.memref_slice %arg15[%dma_start3A_347, %dma_start3A_348] : memref<80x128xf32, #tpu.memory_space<vmem>> -> memref<40x128xf32, #tpu.memory_space<vmem>>
      %dma_start3A_350 = arith.constant 0 : i32
      %dma_start3A_351 = tpu.memref_slice %arg19[%add3A_34, %dma_start3A_350] : memref<10240x128xf32, #tpu.memory_space<vmem_shared>> -> memref<40x128xf32, #tpu.memory_space<vmem_shared>>
      %dma_start3A_352 = arith.constant 0 : i32
      %dma_start3A_353 = tpu.memref_slice %arg19[%add3A_34, %dma_start3A_352] : memref<10240x128xf32, #tpu.memory_space<vmem_shared>> -> memref<40x128xf32, #tpu.memory_space<vmem_shared>>
      %dma_start3A_354 = arith.constant 0 : i32
      %dma_start3A_355 = arith.constant 0 : i32
      %dma_start3A_356 = tpu.memref_slice %arg15[%dma_start3A_354, %dma_start3A_355] : memref<80x128xf32, #tpu.memory_space<vmem>> -> memref<40x128xf32, #tpu.memory_space<vmem>>
      tpu.enqueue_dma source(%dma_start3A_356 : memref<40x128xf32, #tpu.memory_space<vmem>>) target(%dma_start3A_353 : memref<40x128xf32, #tpu.memory_space<vmem_shared>>) target_semaphore(%run_scoped3A : memref<!tpu.dma_semaphore, #tpu.memory_space<semaphore_mem>>)
      %dma_wait3A_357 = arith.constant 0 : i32
      %dma_wait3A_358 = arith.constant 0 : i32
      %dma_wait3A_359 = tpu.memref_slice %arg15[%dma_wait3A_357, %dma_wait3A_358] : memref<80x128xf32, #tpu.memory_space<vmem>> -> memref<40x128xf32, #tpu.memory_space<vmem>>
      %dma_wait3A_360 = arith.constant 0 : i32
      %dma_wait3A_361 = tpu.memref_slice %arg19[%add3A_34, %dma_wait3A_360] : memref<10240x128xf32, #tpu.memory_space<vmem_shared>> -> memref<40x128xf32, #tpu.memory_space<vmem_shared>>
      %dma_wait3A_362 = arith.constant 0 : i32
      %dma_wait3A_363 = tpu.memref_slice %arg19[%add3A_34, %dma_wait3A_362] : memref<10240x128xf32, #tpu.memory_space<vmem_shared>> -> memref<40x128xf32, #tpu.memory_space<vmem_shared>>
      %dma_wait3A_364 = arith.constant 0 : i32
      %dma_wait3A_365 = arith.constant 0 : i32
      %dma_wait3A_366 = tpu.memref_slice %arg15[%dma_wait3A_364, %dma_wait3A_365] : memref<80x128xf32, #tpu.memory_space<vmem>> -> memref<40x128xf32, #tpu.memory_space<vmem>>
      tpu.wait_dma2 semaphore(%run_scoped3A : memref<!tpu.dma_semaphore, #tpu.memory_space<semaphore_mem>>) src(%dma_wait3A_366 : memref<40x128xf32, #tpu.memory_space<vmem>>) dst(%dma_wait3A_363 : memref<40x128xf32, #tpu.memory_space<vmem_shared>>)
      tpu.yield
    }) : () -> ()
    %mul3A_35 = arith.constant 640 : i32
    %mul3A_36 = arith.muli %arg1, %mul3A_35 : i32
    %add3A_37 = arith.constant 160 : i32
    %add3A_38 = arith.addi %mul3A_36, %add3A_37 : i32
    "tpu.region"() ({
      %run_scoped3A = tpu.sem_alloc : memref<!tpu.dma_semaphore, #tpu.memory_space<semaphore_mem>>
      %dma_start3A_347 = arith.constant 0 : i32
      %dma_start3A_348 = arith.constant 0 : i32
      %dma_start3A_349 = tpu.memref_slice %arg15[%dma_start3A_347, %dma_start3A_348] : memref<80x128xf32, #tpu.memory_space<vmem>> -> memref<40x128xf32, #tpu.memory_space<vmem>>
      %dma_start3A_350 = arith.constant 0 : i32
      %dma_start3A_351 = tpu.memref_slice %arg19[%add3A_38, %dma_start3A_350] : memref<10240x128xf32, #tpu.memory_space<vmem_shared>> -> memref<40x128xf32, #tpu.memory_space<vmem_shared>>
      %dma_start3A_352 = arith.constant 0 : i32
      %dma_start3A_353 = tpu.memref_slice %arg19[%add3A_38, %dma_start3A_352] : memref<10240x128xf32, #tpu.memory_space<vmem_shared>> -> memref<40x128xf32, #tpu.memory_space<vmem_shared>>
      %dma_start3A_354 = arith.constant 0 : i32
      %dma_start3A_355 = arith.constant 0 : i32
      %dma_start3A_356 = tpu.memref_slice %arg15[%dma_start3A_354, %dma_start3A_355] : memref<80x128xf32, #tpu.memory_space<vmem>> -> memref<40x128xf32, #tpu.memory_space<vmem>>
      tpu.enqueue_dma source(%dma_start3A_356 : memref<40x128xf32, #tpu.memory_space<vmem>>) target(%dma_start3A_353 : memref<40x128xf32, #tpu.memory_space<vmem_shared>>) target_semaphore(%run_scoped3A : memref<!tpu.dma_semaphore, #tpu.memory_space<semaphore_mem>>)
      %dma_wait3A_357 = arith.constant 0 : i32
      %dma_wait3A_358 = arith.constant 0 : i32
      %dma_wait3A_359 = tpu.memref_slice %arg15[%dma_wait3A_357, %dma_wait3A_358] : memref<80x128xf32, #tpu.memory_space<vmem>> -> memref<40x128xf32, #tpu.memory_space<vmem>>
      %dma_wait3A_360 = arith.constant 0 : i32
      %dma_wait3A_361 = tpu.memref_slice %arg19[%add3A_38, %dma_wait3A_360] : memref<10240x128xf32, #tpu.memory_space<vmem_shared>> -> memref<40x128xf32, #tpu.memory_space<vmem_shared>>
      %dma_wait3A_362 = arith.constant 0 : i32
      %dma_wait3A_363 = tpu.memref_slice %arg19[%add3A_38, %dma_wait3A_362] : memref<10240x128xf32, #tpu.memory_space<vmem_shared>> -> memref<40x128xf32, #tpu.memory_space<vmem_shared>>
      %dma_wait3A_364 = arith.constant 0 : i32
      %dma_wait3A_365 = arith.constant 0 : i32
      %dma_wait3A_366 = tpu.memref_slice %arg15[%dma_wait3A_364, %dma_wait3A_365] : memref<80x128xf32, #tpu.memory_space<vmem>> -> memref<40x128xf32, #tpu.memory_space<vmem>>
      tpu.wait_dma2 semaphore(%run_scoped3A : memref<!tpu.dma_semaphore, #tpu.memory_space<semaphore_mem>>) src(%dma_wait3A_366 : memref<40x128xf32, #tpu.memory_space<vmem>>) dst(%dma_wait3A_363 : memref<40x128xf32, #tpu.memory_space<vmem_shared>>)
      tpu.yield
    }) : () -> ()
    %mul3A_39 = arith.constant 640 : i32
    %mul3A_40 = arith.muli %arg1, %mul3A_39 : i32
    %add3A_41 = arith.constant 200 : i32
    %add3A_42 = arith.addi %mul3A_40, %add3A_41 : i32
    "tpu.region"() ({
      %run_scoped3A = tpu.sem_alloc : memref<!tpu.dma_semaphore, #tpu.memory_space<semaphore_mem>>
      %dma_start3A_347 = arith.constant 0 : i32
      %dma_start3A_348 = arith.constant 0 : i32
      %dma_start3A_349 = tpu.memref_slice %arg15[%dma_start3A_347, %dma_start3A_348] : memref<80x128xf32, #tpu.memory_space<vmem>> -> memref<40x128xf32, #tpu.memory_space<vmem>>
      %dma_start3A_350 = arith.constant 0 : i32
      %dma_start3A_351 = tpu.memref_slice %arg19[%add3A_42, %dma_start3A_350] : memref<10240x128xf32, #tpu.memory_space<vmem_shared>> -> memref<40x128xf32, #tpu.memory_space<vmem_shared>>
      %dma_start3A_352 = arith.constant 0 : i32
      %dma_start3A_353 = tpu.memref_slice %arg19[%add3A_42, %dma_start3A_352] : memref<10240x128xf32, #tpu.memory_space<vmem_shared>> -> memref<40x128xf32, #tpu.memory_space<vmem_shared>>
      %dma_start3A_354 = arith.constant 0 : i32
      %dma_start3A_355 = arith.constant 0 : i32
      %dma_start3A_356 = tpu.memref_slice %arg15[%dma_start3A_354, %dma_start3A_355] : memref<80x128xf32, #tpu.memory_space<vmem>> -> memref<40x128xf32, #tpu.memory_space<vmem>>
      tpu.enqueue_dma source(%dma_start3A_356 : memref<40x128xf32, #tpu.memory_space<vmem>>) target(%dma_start3A_353 : memref<40x128xf32, #tpu.memory_space<vmem_shared>>) target_semaphore(%run_scoped3A : memref<!tpu.dma_semaphore, #tpu.memory_space<semaphore_mem>>)
      %dma_wait3A_357 = arith.constant 0 : i32
      %dma_wait3A_358 = arith.constant 0 : i32
      %dma_wait3A_359 = tpu.memref_slice %arg15[%dma_wait3A_357, %dma_wait3A_358] : memref<80x128xf32, #tpu.memory_space<vmem>> -> memref<40x128xf32, #tpu.memory_space<vmem>>
      %dma_wait3A_360 = arith.constant 0 : i32
      %dma_wait3A_361 = tpu.memref_slice %arg19[%add3A_42, %dma_wait3A_360] : memref<10240x128xf32, #tpu.memory_space<vmem_shared>> -> memref<40x128xf32, #tpu.memory_space<vmem_shared>>
      %dma_wait3A_362 = arith.constant 0 : i32
      %dma_wait3A_363 = tpu.memref_slice %arg19[%add3A_42, %dma_wait3A_362] : memref<10240x128xf32, #tpu.memory_space<vmem_shared>> -> memref<40x128xf32, #tpu.memory_space<vmem_shared>>
      %dma_wait3A_364 = arith.constant 0 : i32
      %dma_wait3A_365 = arith.constant 0 : i32
      %dma_wait3A_366 = tpu.memref_slice %arg15[%dma_wait3A_364, %dma_wait3A_365] : memref<80x128xf32, #tpu.memory_space<vmem>> -> memref<40x128xf32, #tpu.memory_space<vmem>>
      tpu.wait_dma2 semaphore(%run_scoped3A : memref<!tpu.dma_semaphore, #tpu.memory_space<semaphore_mem>>) src(%dma_wait3A_366 : memref<40x128xf32, #tpu.memory_space<vmem>>) dst(%dma_wait3A_363 : memref<40x128xf32, #tpu.memory_space<vmem_shared>>)
      tpu.yield
    }) : () -> ()
    %mul3A_43 = arith.constant 640 : i32
    %mul3A_44 = arith.muli %arg1, %mul3A_43 : i32
    %add3A_45 = arith.constant 240 : i32
    %add3A_46 = arith.addi %mul3A_44, %add3A_45 : i32
    "tpu.region"() ({
      %run_scoped3A = tpu.sem_alloc : memref<!tpu.dma_semaphore, #tpu.memory_space<semaphore_mem>>
      %dma_start3A_347 = arith.constant 0 : i32
      %dma_start3A_348 = arith.constant 0 : i32
      %dma_start3A_349 = tpu.memref_slice %arg15[%dma_start3A_347, %dma_start3A_348] : memref<80x128xf32, #tpu.memory_space<vmem>> -> memref<40x128xf32, #tpu.memory_space<vmem>>
      %dma_start3A_350 = arith.constant 0 : i32
      %dma_start3A_351 = tpu.memref_slice %arg19[%add3A_46, %dma_start3A_350] : memref<10240x128xf32, #tpu.memory_space<vmem_shared>> -> memref<40x128xf32, #tpu.memory_space<vmem_shared>>
      %dma_start3A_352 = arith.constant 0 : i32
      %dma_start3A_353 = tpu.memref_slice %arg19[%add3A_46, %dma_start3A_352] : memref<10240x128xf32, #tpu.memory_space<vmem_shared>> -> memref<40x128xf32, #tpu.memory_space<vmem_shared>>
      %dma_start3A_354 = arith.constant 0 : i32
      %dma_start3A_355 = arith.constant 0 : i32
      %dma_start3A_356 = tpu.memref_slice %arg15[%dma_start3A_354, %dma_start3A_355] : memref<80x128xf32, #tpu.memory_space<vmem>> -> memref<40x128xf32, #tpu.memory_space<vmem>>
      tpu.enqueue_dma source(%dma_start3A_356 : memref<40x128xf32, #tpu.memory_space<vmem>>) target(%dma_start3A_353 : memref<40x128xf32, #tpu.memory_space<vmem_shared>>) target_semaphore(%run_scoped3A : memref<!tpu.dma_semaphore, #tpu.memory_space<semaphore_mem>>)
      %dma_wait3A_357 = arith.constant 0 : i32
      %dma_wait3A_358 = arith.constant 0 : i32
      %dma_wait3A_359 = tpu.memref_slice %arg15[%dma_wait3A_357, %dma_wait3A_358] : memref<80x128xf32, #tpu.memory_space<vmem>> -> memref<40x128xf32, #tpu.memory_space<vmem>>
      %dma_wait3A_360 = arith.constant 0 : i32
      %dma_wait3A_361 = tpu.memref_slice %arg19[%add3A_46, %dma_wait3A_360] : memref<10240x128xf32, #tpu.memory_space<vmem_shared>> -> memref<40x128xf32, #tpu.memory_space<vmem_shared>>
      %dma_wait3A_362 = arith.constant 0 : i32
      %dma_wait3A_363 = tpu.memref_slice %arg19[%add3A_46, %dma_wait3A_362] : memref<10240x128xf32, #tpu.memory_space<vmem_shared>> -> memref<40x128xf32, #tpu.memory_space<vmem_shared>>
      %dma_wait3A_364 = arith.constant 0 : i32
      %dma_wait3A_365 = arith.constant 0 : i32
      %dma_wait3A_366 = tpu.memref_slice %arg15[%dma_wait3A_364, %dma_wait3A_365] : memref<80x128xf32, #tpu.memory_space<vmem>> -> memref<40x128xf32, #tpu.memory_space<vmem>>
      tpu.wait_dma2 semaphore(%run_scoped3A : memref<!tpu.dma_semaphore, #tpu.memory_space<semaphore_mem>>) src(%dma_wait3A_366 : memref<40x128xf32, #tpu.memory_space<vmem>>) dst(%dma_wait3A_363 : memref<40x128xf32, #tpu.memory_space<vmem_shared>>)
      tpu.yield
    }) : () -> ()
    %mul3A_47 = arith.constant 640 : i32
    %mul3A_48 = arith.muli %arg1, %mul3A_47 : i32
    %add3A_49 = arith.constant 280 : i32
    %add3A_50 = arith.addi %mul3A_48, %add3A_49 : i32
    "tpu.region"() ({
      %run_scoped3A = tpu.sem_alloc : memref<!tpu.dma_semaphore, #tpu.memory_space<semaphore_mem>>
      %dma_start3A_347 = arith.constant 0 : i32
      %dma_start3A_348 = arith.constant 0 : i32
      %dma_start3A_349 = tpu.memref_slice %arg15[%dma_start3A_347, %dma_start3A_348] : memref<80x128xf32, #tpu.memory_space<vmem>> -> memref<40x128xf32, #tpu.memory_space<vmem>>
      %dma_start3A_350 = arith.constant 0 : i32
      %dma_start3A_351 = tpu.memref_slice %arg19[%add3A_50, %dma_start3A_350] : memref<10240x128xf32, #tpu.memory_space<vmem_shared>> -> memref<40x128xf32, #tpu.memory_space<vmem_shared>>
      %dma_start3A_352 = arith.constant 0 : i32
      %dma_start3A_353 = tpu.memref_slice %arg19[%add3A_50, %dma_start3A_352] : memref<10240x128xf32, #tpu.memory_space<vmem_shared>> -> memref<40x128xf32, #tpu.memory_space<vmem_shared>>
      %dma_start3A_354 = arith.constant 0 : i32
      %dma_start3A_355 = arith.constant 0 : i32
      %dma_start3A_356 = tpu.memref_slice %arg15[%dma_start3A_354, %dma_start3A_355] : memref<80x128xf32, #tpu.memory_space<vmem>> -> memref<40x128xf32, #tpu.memory_space<vmem>>
      tpu.enqueue_dma source(%dma_start3A_356 : memref<40x128xf32, #tpu.memory_space<vmem>>) target(%dma_start3A_353 : memref<40x128xf32, #tpu.memory_space<vmem_shared>>) target_semaphore(%run_scoped3A : memref<!tpu.dma_semaphore, #tpu.memory_space<semaphore_mem>>)
      %dma_wait3A_357 = arith.constant 0 : i32
      %dma_wait3A_358 = arith.constant 0 : i32
      %dma_wait3A_359 = tpu.memref_slice %arg15[%dma_wait3A_357, %dma_wait3A_358] : memref<80x128xf32, #tpu.memory_space<vmem>> -> memref<40x128xf32, #tpu.memory_space<vmem>>
      %dma_wait3A_360 = arith.constant 0 : i32
      %dma_wait3A_361 = tpu.memref_slice %arg19[%add3A_50, %dma_wait3A_360] : memref<10240x128xf32, #tpu.memory_space<vmem_shared>> -> memref<40x128xf32, #tpu.memory_space<vmem_shared>>
      %dma_wait3A_362 = arith.constant 0 : i32
      %dma_wait3A_363 = tpu.memref_slice %arg19[%add3A_50, %dma_wait3A_362] : memref<10240x128xf32, #tpu.memory_space<vmem_shared>> -> memref<40x128xf32, #tpu.memory_space<vmem_shared>>
      %dma_wait3A_364 = arith.constant 0 : i32
      %dma_wait3A_365 = arith.constant 0 : i32
      %dma_wait3A_366 = tpu.memref_slice %arg15[%dma_wait3A_364, %dma_wait3A_365] : memref<80x128xf32, #tpu.memory_space<vmem>> -> memref<40x128xf32, #tpu.memory_space<vmem>>
      tpu.wait_dma2 semaphore(%run_scoped3A : memref<!tpu.dma_semaphore, #tpu.memory_space<semaphore_mem>>) src(%dma_wait3A_366 : memref<40x128xf32, #tpu.memory_space<vmem>>) dst(%dma_wait3A_363 : memref<40x128xf32, #tpu.memory_space<vmem_shared>>)
      tpu.yield
    }) : () -> ()
    %mul3A_51 = arith.constant 640 : i32
    %mul3A_52 = arith.muli %arg1, %mul3A_51 : i32
    %add3A_53 = arith.constant 320 : i32
    %add3A_54 = arith.addi %mul3A_52, %add3A_53 : i32
    "tpu.region"() ({
      %run_scoped3A = tpu.sem_alloc : memref<!tpu.dma_semaphore, #tpu.memory_space<semaphore_mem>>
      %dma_start3A_347 = arith.constant 0 : i32
      %dma_start3A_348 = arith.constant 0 : i32
      %dma_start3A_349 = tpu.memref_slice %arg15[%dma_start3A_347, %dma_start3A_348] : memref<80x128xf32, #tpu.memory_space<vmem>> -> memref<40x128xf32, #tpu.memory_space<vmem>>
      %dma_start3A_350 = arith.constant 0 : i32
      %dma_start3A_351 = tpu.memref_slice %arg19[%add3A_54, %dma_start3A_350] : memref<10240x128xf32, #tpu.memory_space<vmem_shared>> -> memref<40x128xf32, #tpu.memory_space<vmem_shared>>
      %dma_start3A_352 = arith.constant 0 : i32
      %dma_start3A_353 = tpu.memref_slice %arg19[%add3A_54, %dma_start3A_352] : memref<10240x128xf32, #tpu.memory_space<vmem_shared>> -> memref<40x128xf32, #tpu.memory_space<vmem_shared>>
      %dma_start3A_354 = arith.constant 0 : i32
      %dma_start3A_355 = arith.constant 0 : i32
      %dma_start3A_356 = tpu.memref_slice %arg15[%dma_start3A_354, %dma_start3A_355] : memref<80x128xf32, #tpu.memory_space<vmem>> -> memref<40x128xf32, #tpu.memory_space<vmem>>
      tpu.enqueue_dma source(%dma_start3A_356 : memref<40x128xf32, #tpu.memory_space<vmem>>) target(%dma_start3A_353 : memref<40x128xf32, #tpu.memory_space<vmem_shared>>) target_semaphore(%run_scoped3A : memref<!tpu.dma_semaphore, #tpu.memory_space<semaphore_mem>>)
      %dma_wait3A_357 = arith.constant 0 : i32
      %dma_wait3A_358 = arith.constant 0 : i32
      %dma_wait3A_359 = tpu.memref_slice %arg15[%dma_wait3A_357, %dma_wait3A_358] : memref<80x128xf32, #tpu.memory_space<vmem>> -> memref<40x128xf32, #tpu.memory_space<vmem>>
      %dma_wait3A_360 = arith.constant 0 : i32
      %dma_wait3A_361 = tpu.memref_slice %arg19[%add3A_54, %dma_wait3A_360] : memref<10240x128xf32, #tpu.memory_space<vmem_shared>> -> memref<40x128xf32, #tpu.memory_space<vmem_shared>>
      %dma_wait3A_362 = arith.constant 0 : i32
      %dma_wait3A_363 = tpu.memref_slice %arg19[%add3A_54, %dma_wait3A_362] : memref<10240x128xf32, #tpu.memory_space<vmem_shared>> -> memref<40x128xf32, #tpu.memory_space<vmem_shared>>
      %dma_wait3A_364 = arith.constant 0 : i32
      %dma_wait3A_365 = arith.constant 0 : i32
      %dma_wait3A_366 = tpu.memref_slice %arg15[%dma_wait3A_364, %dma_wait3A_365] : memref<80x128xf32, #tpu.memory_space<vmem>> -> memref<40x128xf32, #tpu.memory_space<vmem>>
      tpu.wait_dma2 semaphore(%run_scoped3A : memref<!tpu.dma_semaphore, #tpu.memory_space<semaphore_mem>>) src(%dma_wait3A_366 : memref<40x128xf32, #tpu.memory_space<vmem>>) dst(%dma_wait3A_363 : memref<40x128xf32, #tpu.memory_space<vmem_shared>>)
      tpu.yield
    }) : () -> ()
    %mul3A_55 = arith.constant 640 : i32
    %mul3A_56 = arith.muli %arg1, %mul3A_55 : i32
    %add3A_57 = arith.constant 360 : i32
    %add3A_58 = arith.addi %mul3A_56, %add3A_57 : i32
    "tpu.region"() ({
      %run_scoped3A = tpu.sem_alloc : memref<!tpu.dma_semaphore, #tpu.memory_space<semaphore_mem>>
      %dma_start3A_347 = arith.constant 0 : i32
      %dma_start3A_348 = arith.constant 0 : i32
      %dma_start3A_349 = tpu.memref_slice %arg15[%dma_start3A_347, %dma_start3A_348] : memref<80x128xf32, #tpu.memory_space<vmem>> -> memref<40x128xf32, #tpu.memory_space<vmem>>
      %dma_start3A_350 = arith.constant 0 : i32
      %dma_start3A_351 = tpu.memref_slice %arg19[%add3A_58, %dma_start3A_350] : memref<10240x128xf32, #tpu.memory_space<vmem_shared>> -> memref<40x128xf32, #tpu.memory_space<vmem_shared>>
      %dma_start3A_352 = arith.constant 0 : i32
      %dma_start3A_353 = tpu.memref_slice %arg19[%add3A_58, %dma_start3A_352] : memref<10240x128xf32, #tpu.memory_space<vmem_shared>> -> memref<40x128xf32, #tpu.memory_space<vmem_shared>>
      %dma_start3A_354 = arith.constant 0 : i32
      %dma_start3A_355 = arith.constant 0 : i32
      %dma_start3A_356 = tpu.memref_slice %arg15[%dma_start3A_354, %dma_start3A_355] : memref<80x128xf32, #tpu.memory_space<vmem>> -> memref<40x128xf32, #tpu.memory_space<vmem>>
      tpu.enqueue_dma source(%dma_start3A_356 : memref<40x128xf32, #tpu.memory_space<vmem>>) target(%dma_start3A_353 : memref<40x128xf32, #tpu.memory_space<vmem_shared>>) target_semaphore(%run_scoped3A : memref<!tpu.dma_semaphore, #tpu.memory_space<semaphore_mem>>)
      %dma_wait3A_357 = arith.constant 0 : i32
      %dma_wait3A_358 = arith.constant 0 : i32
      %dma_wait3A_359 = tpu.memref_slice %arg15[%dma_wait3A_357, %dma_wait3A_358] : memref<80x128xf32, #tpu.memory_space<vmem>> -> memref<40x128xf32, #tpu.memory_space<vmem>>
      %dma_wait3A_360 = arith.constant 0 : i32
      %dma_wait3A_361 = tpu.memref_slice %arg19[%add3A_58, %dma_wait3A_360] : memref<10240x128xf32, #tpu.memory_space<vmem_shared>> -> memref<40x128xf32, #tpu.memory_space<vmem_shared>>
      %dma_wait3A_362 = arith.constant 0 : i32
      %dma_wait3A_363 = tpu.memref_slice %arg19[%add3A_58, %dma_wait3A_362] : memref<10240x128xf32, #tpu.memory_space<vmem_shared>> -> memref<40x128xf32, #tpu.memory_space<vmem_shared>>
      %dma_wait3A_364 = arith.constant 0 : i32
      %dma_wait3A_365 = arith.constant 0 : i32
      %dma_wait3A_366 = tpu.memref_slice %arg15[%dma_wait3A_364, %dma_wait3A_365] : memref<80x128xf32, #tpu.memory_space<vmem>> -> memref<40x128xf32, #tpu.memory_space<vmem>>
      tpu.wait_dma2 semaphore(%run_scoped3A : memref<!tpu.dma_semaphore, #tpu.memory_space<semaphore_mem>>) src(%dma_wait3A_366 : memref<40x128xf32, #tpu.memory_space<vmem>>) dst(%dma_wait3A_363 : memref<40x128xf32, #tpu.memory_space<vmem_shared>>)
      tpu.yield
    }) : () -> ()
    %mul3A_59 = arith.constant 640 : i32
    %mul3A_60 = arith.muli %arg1, %mul3A_59 : i32
    %add3A_61 = arith.constant 400 : i32
    %add3A_62 = arith.addi %mul3A_60, %add3A_61 : i32
    "tpu.region"() ({
      %run_scoped3A = tpu.sem_alloc : memref<!tpu.dma_semaphore, #tpu.memory_space<semaphore_mem>>
      %dma_start3A_347 = arith.constant 0 : i32
      %dma_start3A_348 = arith.constant 0 : i32
      %dma_start3A_349 = tpu.memref_slice %arg15[%dma_start3A_347, %dma_start3A_348] : memref<80x128xf32, #tpu.memory_space<vmem>> -> memref<40x128xf32, #tpu.memory_space<vmem>>
      %dma_start3A_350 = arith.constant 0 : i32
      %dma_start3A_351 = tpu.memref_slice %arg19[%add3A_62, %dma_start3A_350] : memref<10240x128xf32, #tpu.memory_space<vmem_shared>> -> memref<40x128xf32, #tpu.memory_space<vmem_shared>>
      %dma_start3A_352 = arith.constant 0 : i32
      %dma_start3A_353 = tpu.memref_slice %arg19[%add3A_62, %dma_start3A_352] : memref<10240x128xf32, #tpu.memory_space<vmem_shared>> -> memref<40x128xf32, #tpu.memory_space<vmem_shared>>
      %dma_start3A_354 = arith.constant 0 : i32
      %dma_start3A_355 = arith.constant 0 : i32
      %dma_start3A_356 = tpu.memref_slice %arg15[%dma_start3A_354, %dma_start3A_355] : memref<80x128xf32, #tpu.memory_space<vmem>> -> memref<40x128xf32, #tpu.memory_space<vmem>>
      tpu.enqueue_dma source(%dma_start3A_356 : memref<40x128xf32, #tpu.memory_space<vmem>>) target(%dma_start3A_353 : memref<40x128xf32, #tpu.memory_space<vmem_shared>>) target_semaphore(%run_scoped3A : memref<!tpu.dma_semaphore, #tpu.memory_space<semaphore_mem>>)
      %dma_wait3A_357 = arith.constant 0 : i32
      %dma_wait3A_358 = arith.constant 0 : i32
      %dma_wait3A_359 = tpu.memref_slice %arg15[%dma_wait3A_357, %dma_wait3A_358] : memref<80x128xf32, #tpu.memory_space<vmem>> -> memref<40x128xf32, #tpu.memory_space<vmem>>
      %dma_wait3A_360 = arith.constant 0 : i32
      %dma_wait3A_361 = tpu.memref_slice %arg19[%add3A_62, %dma_wait3A_360] : memref<10240x128xf32, #tpu.memory_space<vmem_shared>> -> memref<40x128xf32, #tpu.memory_space<vmem_shared>>
      %dma_wait3A_362 = arith.constant 0 : i32
      %dma_wait3A_363 = tpu.memref_slice %arg19[%add3A_62, %dma_wait3A_362] : memref<10240x128xf32, #tpu.memory_space<vmem_shared>> -> memref<40x128xf32, #tpu.memory_space<vmem_shared>>
      %dma_wait3A_364 = arith.constant 0 : i32
      %dma_wait3A_365 = arith.constant 0 : i32
      %dma_wait3A_366 = tpu.memref_slice %arg15[%dma_wait3A_364, %dma_wait3A_365] : memref<80x128xf32, #tpu.memory_space<vmem>> -> memref<40x128xf32, #tpu.memory_space<vmem>>
      tpu.wait_dma2 semaphore(%run_scoped3A : memref<!tpu.dma_semaphore, #tpu.memory_space<semaphore_mem>>) src(%dma_wait3A_366 : memref<40x128xf32, #tpu.memory_space<vmem>>) dst(%dma_wait3A_363 : memref<40x128xf32, #tpu.memory_space<vmem_shared>>)
      tpu.yield
    }) : () -> ()
    %mul3A_63 = arith.constant 640 : i32
    %mul3A_64 = arith.muli %arg1, %mul3A_63 : i32
    %add3A_65 = arith.constant 440 : i32
    %add3A_66 = arith.addi %mul3A_64, %add3A_65 : i32
    "tpu.region"() ({
      %run_scoped3A = tpu.sem_alloc : memref<!tpu.dma_semaphore, #tpu.memory_space<semaphore_mem>>
      %dma_start3A_347 = arith.constant 0 : i32
      %dma_start3A_348 = arith.constant 0 : i32
      %dma_start3A_349 = tpu.memref_slice %arg15[%dma_start3A_347, %dma_start3A_348] : memref<80x128xf32, #tpu.memory_space<vmem>> -> memref<40x128xf32, #tpu.memory_space<vmem>>
      %dma_start3A_350 = arith.constant 0 : i32
      %dma_start3A_351 = tpu.memref_slice %arg19[%add3A_66, %dma_start3A_350] : memref<10240x128xf32, #tpu.memory_space<vmem_shared>> -> memref<40x128xf32, #tpu.memory_space<vmem_shared>>
      %dma_start3A_352 = arith.constant 0 : i32
      %dma_start3A_353 = tpu.memref_slice %arg19[%add3A_66, %dma_start3A_352] : memref<10240x128xf32, #tpu.memory_space<vmem_shared>> -> memref<40x128xf32, #tpu.memory_space<vmem_shared>>
      %dma_start3A_354 = arith.constant 0 : i32
      %dma_start3A_355 = arith.constant 0 : i32
      %dma_start3A_356 = tpu.memref_slice %arg15[%dma_start3A_354, %dma_start3A_355] : memref<80x128xf32, #tpu.memory_space<vmem>> -> memref<40x128xf32, #tpu.memory_space<vmem>>
      tpu.enqueue_dma source(%dma_start3A_356 : memref<40x128xf32, #tpu.memory_space<vmem>>) target(%dma_start3A_353 : memref<40x128xf32, #tpu.memory_space<vmem_shared>>) target_semaphore(%run_scoped3A : memref<!tpu.dma_semaphore, #tpu.memory_space<semaphore_mem>>)
      %dma_wait3A_357 = arith.constant 0 : i32
      %dma_wait3A_358 = arith.constant 0 : i32
      %dma_wait3A_359 = tpu.memref_slice %arg15[%dma_wait3A_357, %dma_wait3A_358] : memref<80x128xf32, #tpu.memory_space<vmem>> -> memref<40x128xf32, #tpu.memory_space<vmem>>
      %dma_wait3A_360 = arith.constant 0 : i32
      %dma_wait3A_361 = tpu.memref_slice %arg19[%add3A_66, %dma_wait3A_360] : memref<10240x128xf32, #tpu.memory_space<vmem_shared>> -> memref<40x128xf32, #tpu.memory_space<vmem_shared>>
      %dma_wait3A_362 = arith.constant 0 : i32
      %dma_wait3A_363 = tpu.memref_slice %arg19[%add3A_66, %dma_wait3A_362] : memref<10240x128xf32, #tpu.memory_space<vmem_shared>> -> memref<40x128xf32, #tpu.memory_space<vmem_shared>>
      %dma_wait3A_364 = arith.constant 0 : i32
      %dma_wait3A_365 = arith.constant 0 : i32
      %dma_wait3A_366 = tpu.memref_slice %arg15[%dma_wait3A_364, %dma_wait3A_365] : memref<80x128xf32, #tpu.memory_space<vmem>> -> memref<40x128xf32, #tpu.memory_space<vmem>>
      tpu.wait_dma2 semaphore(%run_scoped3A : memref<!tpu.dma_semaphore, #tpu.memory_space<semaphore_mem>>) src(%dma_wait3A_366 : memref<40x128xf32, #tpu.memory_space<vmem>>) dst(%dma_wait3A_363 : memref<40x128xf32, #tpu.memory_space<vmem_shared>>)
      tpu.yield
    }) : () -> ()
    %mul3A_67 = arith.constant 640 : i32
    %mul3A_68 = arith.muli %arg1, %mul3A_67 : i32
    %add3A_69 = arith.constant 480 : i32
    %add3A_70 = arith.addi %mul3A_68, %add3A_69 : i32
    "tpu.region"() ({
      %run_scoped3A = tpu.sem_alloc : memref<!tpu.dma_semaphore, #tpu.memory_space<semaphore_mem>>
      %dma_start3A_347 = arith.constant 0 : i32
      %dma_start3A_348 = arith.constant 0 : i32
      %dma_start3A_349 = tpu.memref_slice %arg15[%dma_start3A_347, %dma_start3A_348] : memref<80x128xf32, #tpu.memory_space<vmem>> -> memref<40x128xf32, #tpu.memory_space<vmem>>
      %dma_start3A_350 = arith.constant 0 : i32
      %dma_start3A_351 = tpu.memref_slice %arg19[%add3A_70, %dma_start3A_350] : memref<10240x128xf32, #tpu.memory_space<vmem_shared>> -> memref<40x128xf32, #tpu.memory_space<vmem_shared>>
      %dma_start3A_352 = arith.constant 0 : i32
      %dma_start3A_353 = tpu.memref_slice %arg19[%add3A_70, %dma_start3A_352] : memref<10240x128xf32, #tpu.memory_space<vmem_shared>> -> memref<40x128xf32, #tpu.memory_space<vmem_shared>>
      %dma_start3A_354 = arith.constant 0 : i32
      %dma_start3A_355 = arith.constant 0 : i32
      %dma_start3A_356 = tpu.memref_slice %arg15[%dma_start3A_354, %dma_start3A_355] : memref<80x128xf32, #tpu.memory_space<vmem>> -> memref<40x128xf32, #tpu.memory_space<vmem>>
      tpu.enqueue_dma source(%dma_start3A_356 : memref<40x128xf32, #tpu.memory_space<vmem>>) target(%dma_start3A_353 : memref<40x128xf32, #tpu.memory_space<vmem_shared>>) target_semaphore(%run_scoped3A : memref<!tpu.dma_semaphore, #tpu.memory_space<semaphore_mem>>)
      %dma_wait3A_357 = arith.constant 0 : i32
      %dma_wait3A_358 = arith.constant 0 : i32
      %dma_wait3A_359 = tpu.memref_slice %arg15[%dma_wait3A_357, %dma_wait3A_358] : memref<80x128xf32, #tpu.memory_space<vmem>> -> memref<40x128xf32, #tpu.memory_space<vmem>>
      %dma_wait3A_360 = arith.constant 0 : i32
      %dma_wait3A_361 = tpu.memref_slice %arg19[%add3A_70, %dma_wait3A_360] : memref<10240x128xf32, #tpu.memory_space<vmem_shared>> -> memref<40x128xf32, #tpu.memory_space<vmem_shared>>
      %dma_wait3A_362 = arith.constant 0 : i32
      %dma_wait3A_363 = tpu.memref_slice %arg19[%add3A_70, %dma_wait3A_362] : memref<10240x128xf32, #tpu.memory_space<vmem_shared>> -> memref<40x128xf32, #tpu.memory_space<vmem_shared>>
      %dma_wait3A_364 = arith.constant 0 : i32
      %dma_wait3A_365 = arith.constant 0 : i32
      %dma_wait3A_366 = tpu.memref_slice %arg15[%dma_wait3A_364, %dma_wait3A_365] : memref<80x128xf32, #tpu.memory_space<vmem>> -> memref<40x128xf32, #tpu.memory_space<vmem>>
      tpu.wait_dma2 semaphore(%run_scoped3A : memref<!tpu.dma_semaphore, #tpu.memory_space<semaphore_mem>>) src(%dma_wait3A_366 : memref<40x128xf32, #tpu.memory_space<vmem>>) dst(%dma_wait3A_363 : memref<40x128xf32, #tpu.memory_space<vmem_shared>>)
      tpu.yield
    }) : () -> ()
    %mul3A_71 = arith.constant 640 : i32
    %mul3A_72 = arith.muli %arg1, %mul3A_71 : i32
    %add3A_73 = arith.constant 520 : i32
    %add3A_74 = arith.addi %mul3A_72, %add3A_73 : i32
    "tpu.region"() ({
      %run_scoped3A = tpu.sem_alloc : memref<!tpu.dma_semaphore, #tpu.memory_space<semaphore_mem>>
      %dma_start3A_347 = arith.constant 0 : i32
      %dma_start3A_348 = arith.constant 0 : i32
      %dma_start3A_349 = tpu.memref_slice %arg15[%dma_start3A_347, %dma_start3A_348] : memref<80x128xf32, #tpu.memory_space<vmem>> -> memref<40x128xf32, #tpu.memory_space<vmem>>
      %dma_start3A_350 = arith.constant 0 : i32
      %dma_start3A_351 = tpu.memref_slice %arg19[%add3A_74, %dma_start3A_350] : memref<10240x128xf32, #tpu.memory_space<vmem_shared>> -> memref<40x128xf32, #tpu.memory_space<vmem_shared>>
      %dma_start3A_352 = arith.constant 0 : i32
      %dma_start3A_353 = tpu.memref_slice %arg19[%add3A_74, %dma_start3A_352] : memref<10240x128xf32, #tpu.memory_space<vmem_shared>> -> memref<40x128xf32, #tpu.memory_space<vmem_shared>>
      %dma_start3A_354 = arith.constant 0 : i32
      %dma_start3A_355 = arith.constant 0 : i32
      %dma_start3A_356 = tpu.memref_slice %arg15[%dma_start3A_354, %dma_start3A_355] : memref<80x128xf32, #tpu.memory_space<vmem>> -> memref<40x128xf32, #tpu.memory_space<vmem>>
      tpu.enqueue_dma source(%dma_start3A_356 : memref<40x128xf32, #tpu.memory_space<vmem>>) target(%dma_start3A_353 : memref<40x128xf32, #tpu.memory_space<vmem_shared>>) target_semaphore(%run_scoped3A : memref<!tpu.dma_semaphore, #tpu.memory_space<semaphore_mem>>)
      %dma_wait3A_357 = arith.constant 0 : i32
      %dma_wait3A_358 = arith.constant 0 : i32
      %dma_wait3A_359 = tpu.memref_slice %arg15[%dma_wait3A_357, %dma_wait3A_358] : memref<80x128xf32, #tpu.memory_space<vmem>> -> memref<40x128xf32, #tpu.memory_space<vmem>>
      %dma_wait3A_360 = arith.constant 0 : i32
      %dma_wait3A_361 = tpu.memref_slice %arg19[%add3A_74, %dma_wait3A_360] : memref<10240x128xf32, #tpu.memory_space<vmem_shared>> -> memref<40x128xf32, #tpu.memory_space<vmem_shared>>
      %dma_wait3A_362 = arith.constant 0 : i32
      %dma_wait3A_363 = tpu.memref_slice %arg19[%add3A_74, %dma_wait3A_362] : memref<10240x128xf32, #tpu.memory_space<vmem_shared>> -> memref<40x128xf32, #tpu.memory_space<vmem_shared>>
      %dma_wait3A_364 = arith.constant 0 : i32
      %dma_wait3A_365 = arith.constant 0 : i32
      %dma_wait3A_366 = tpu.memref_slice %arg15[%dma_wait3A_364, %dma_wait3A_365] : memref<80x128xf32, #tpu.memory_space<vmem>> -> memref<40x128xf32, #tpu.memory_space<vmem>>
      tpu.wait_dma2 semaphore(%run_scoped3A : memref<!tpu.dma_semaphore, #tpu.memory_space<semaphore_mem>>) src(%dma_wait3A_366 : memref<40x128xf32, #tpu.memory_space<vmem>>) dst(%dma_wait3A_363 : memref<40x128xf32, #tpu.memory_space<vmem_shared>>)
      tpu.yield
    }) : () -> ()
    %mul3A_75 = arith.constant 640 : i32
    %mul3A_76 = arith.muli %arg1, %mul3A_75 : i32
    %add3A_77 = arith.constant 560 : i32
    %add3A_78 = arith.addi %mul3A_76, %add3A_77 : i32
    "tpu.region"() ({
      %run_scoped3A = tpu.sem_alloc : memref<!tpu.dma_semaphore, #tpu.memory_space<semaphore_mem>>
      %dma_start3A_347 = arith.constant 0 : i32
      %dma_start3A_348 = arith.constant 0 : i32
      %dma_start3A_349 = tpu.memref_slice %arg15[%dma_start3A_347, %dma_start3A_348] : memref<80x128xf32, #tpu.memory_space<vmem>> -> memref<40x128xf32, #tpu.memory_space<vmem>>
      %dma_start3A_350 = arith.constant 0 : i32
      %dma_start3A_351 = tpu.memref_slice %arg19[%add3A_78, %dma_start3A_350] : memref<10240x128xf32, #tpu.memory_space<vmem_shared>> -> memref<40x128xf32, #tpu.memory_space<vmem_shared>>
      %dma_start3A_352 = arith.constant 0 : i32
      %dma_start3A_353 = tpu.memref_slice %arg19[%add3A_78, %dma_start3A_352] : memref<10240x128xf32, #tpu.memory_space<vmem_shared>> -> memref<40x128xf32, #tpu.memory_space<vmem_shared>>
      %dma_start3A_354 = arith.constant 0 : i32
      %dma_start3A_355 = arith.constant 0 : i32
      %dma_start3A_356 = tpu.memref_slice %arg15[%dma_start3A_354, %dma_start3A_355] : memref<80x128xf32, #tpu.memory_space<vmem>> -> memref<40x128xf32, #tpu.memory_space<vmem>>
      tpu.enqueue_dma source(%dma_start3A_356 : memref<40x128xf32, #tpu.memory_space<vmem>>) target(%dma_start3A_353 : memref<40x128xf32, #tpu.memory_space<vmem_shared>>) target_semaphore(%run_scoped3A : memref<!tpu.dma_semaphore, #tpu.memory_space<semaphore_mem>>)
      %dma_wait3A_357 = arith.constant 0 : i32
      %dma_wait3A_358 = arith.constant 0 : i32
      %dma_wait3A_359 = tpu.memref_slice %arg15[%dma_wait3A_357, %dma_wait3A_358] : memref<80x128xf32, #tpu.memory_space<vmem>> -> memref<40x128xf32, #tpu.memory_space<vmem>>
      %dma_wait3A_360 = arith.constant 0 : i32
      %dma_wait3A_361 = tpu.memref_slice %arg19[%add3A_78, %dma_wait3A_360] : memref<10240x128xf32, #tpu.memory_space<vmem_shared>> -> memref<40x128xf32, #tpu.memory_space<vmem_shared>>
      %dma_wait3A_362 = arith.constant 0 : i32
      %dma_wait3A_363 = tpu.memref_slice %arg19[%add3A_78, %dma_wait3A_362] : memref<10240x128xf32, #tpu.memory_space<vmem_shared>> -> memref<40x128xf32, #tpu.memory_space<vmem_shared>>
      %dma_wait3A_364 = arith.constant 0 : i32
      %dma_wait3A_365 = arith.constant 0 : i32
      %dma_wait3A_366 = tpu.memref_slice %arg15[%dma_wait3A_364, %dma_wait3A_365] : memref<80x128xf32, #tpu.memory_space<vmem>> -> memref<40x128xf32, #tpu.memory_space<vmem>>
      tpu.wait_dma2 semaphore(%run_scoped3A : memref<!tpu.dma_semaphore, #tpu.memory_space<semaphore_mem>>) src(%dma_wait3A_366 : memref<40x128xf32, #tpu.memory_space<vmem>>) dst(%dma_wait3A_363 : memref<40x128xf32, #tpu.memory_space<vmem_shared>>)
      tpu.yield
    }) : () -> ()
    %mul3A_79 = arith.constant 640 : i32
    %mul3A_80 = arith.muli %arg1, %mul3A_79 : i32
    %add3A_81 = arith.constant 600 : i32
    %add3A_82 = arith.addi %mul3A_80, %add3A_81 : i32
    "tpu.region"() ({
      %run_scoped3A = tpu.sem_alloc : memref<!tpu.dma_semaphore, #tpu.memory_space<semaphore_mem>>
      %dma_start3A_347 = arith.constant 0 : i32
      %dma_start3A_348 = arith.constant 0 : i32
      %dma_start3A_349 = tpu.memref_slice %arg15[%dma_start3A_347, %dma_start3A_348] : memref<80x128xf32, #tpu.memory_space<vmem>> -> memref<40x128xf32, #tpu.memory_space<vmem>>
      %dma_start3A_350 = arith.constant 0 : i32
      %dma_start3A_351 = tpu.memref_slice %arg19[%add3A_82, %dma_start3A_350] : memref<10240x128xf32, #tpu.memory_space<vmem_shared>> -> memref<40x128xf32, #tpu.memory_space<vmem_shared>>
      %dma_start3A_352 = arith.constant 0 : i32
      %dma_start3A_353 = tpu.memref_slice %arg19[%add3A_82, %dma_start3A_352] : memref<10240x128xf32, #tpu.memory_space<vmem_shared>> -> memref<40x128xf32, #tpu.memory_space<vmem_shared>>
      %dma_start3A_354 = arith.constant 0 : i32
      %dma_start3A_355 = arith.constant 0 : i32
      %dma_start3A_356 = tpu.memref_slice %arg15[%dma_start3A_354, %dma_start3A_355] : memref<80x128xf32, #tpu.memory_space<vmem>> -> memref<40x128xf32, #tpu.memory_space<vmem>>
      tpu.enqueue_dma source(%dma_start3A_356 : memref<40x128xf32, #tpu.memory_space<vmem>>) target(%dma_start3A_353 : memref<40x128xf32, #tpu.memory_space<vmem_shared>>) target_semaphore(%run_scoped3A : memref<!tpu.dma_semaphore, #tpu.memory_space<semaphore_mem>>)
      %dma_wait3A_357 = arith.constant 0 : i32
      %dma_wait3A_358 = arith.constant 0 : i32
      %dma_wait3A_359 = tpu.memref_slice %arg15[%dma_wait3A_357, %dma_wait3A_358] : memref<80x128xf32, #tpu.memory_space<vmem>> -> memref<40x128xf32, #tpu.memory_space<vmem>>
      %dma_wait3A_360 = arith.constant 0 : i32
      %dma_wait3A_361 = tpu.memref_slice %arg19[%add3A_82, %dma_wait3A_360] : memref<10240x128xf32, #tpu.memory_space<vmem_shared>> -> memref<40x128xf32, #tpu.memory_space<vmem_shared>>
      %dma_wait3A_362 = arith.constant 0 : i32
      %dma_wait3A_363 = tpu.memref_slice %arg19[%add3A_82, %dma_wait3A_362] : memref<10240x128xf32, #tpu.memory_space<vmem_shared>> -> memref<40x128xf32, #tpu.memory_space<vmem_shared>>
      %dma_wait3A_364 = arith.constant 0 : i32
      %dma_wait3A_365 = arith.constant 0 : i32
      %dma_wait3A_366 = tpu.memref_slice %arg15[%dma_wait3A_364, %dma_wait3A_365] : memref<80x128xf32, #tpu.memory_space<vmem>> -> memref<40x128xf32, #tpu.memory_space<vmem>>
      tpu.wait_dma2 semaphore(%run_scoped3A : memref<!tpu.dma_semaphore, #tpu.memory_space<semaphore_mem>>) src(%dma_wait3A_366 : memref<40x128xf32, #tpu.memory_space<vmem>>) dst(%dma_wait3A_363 : memref<40x128xf32, #tpu.memory_space<vmem_shared>>)
      tpu.yield
    }) : () -> ()
    %barrier3A = arith.constant 0 : index
    tpu.barrier barrier_id(%barrier3A)
    %add3A_83 = arith.constant 0 : i32
    %add3A_84 = arith.addi %mul3A_2, %add3A_83 : i32
    "tpu.region"() ({
      %run_scoped3A = tpu.sem_alloc : memref<!tpu.dma_semaphore, #tpu.memory_space<semaphore_mem>>
      %dma_start3A_347 = tpu.memref_slice %arg3[%add3A_84] : memref<320000xi32, #tpu.memory_space<hbm>> -> memref<80xi32, #tpu.memory_space<hbm>>
      %dma_start3A_348 = tpu.memref_slice %arg3[%add3A_84] : memref<320000xi32, #tpu.memory_space<hbm>> -> memref<80xi32, #tpu.memory_space<hbm>>
      tpu.enqueue_dma source(%dma_start3A_348 : memref<80xi32, #tpu.memory_space<hbm>>) target(%arg7 : memref<80xi32, #tpu.memory_space<vmem>>) target_semaphore(%run_scoped3A : memref<!tpu.dma_semaphore, #tpu.memory_space<semaphore_mem>>)
      %dma_wait3A_349 = tpu.memref_slice %arg3[%add3A_84] : memref<320000xi32, #tpu.memory_space<hbm>> -> memref<80xi32, #tpu.memory_space<hbm>>
      %dma_wait3A_350 = tpu.memref_slice %arg3[%add3A_84] : memref<320000xi32, #tpu.memory_space<hbm>> -> memref<80xi32, #tpu.memory_space<hbm>>
      tpu.wait_dma2 semaphore(%run_scoped3A : memref<!tpu.dma_semaphore, #tpu.memory_space<semaphore_mem>>) src(%dma_wait3A_350 : memref<80xi32, #tpu.memory_space<hbm>>) dst(%arg7 : memref<80xi32, #tpu.memory_space<vmem>>)
      tpu.yield
    }) : () -> ()
    %add3A_85 = arith.constant 0 : i32
    %add3A_86 = arith.addi %mul3A_2, %add3A_85 : i32
    "tpu.region"() ({
      %run_scoped3A = tpu.sem_alloc : memref<!tpu.dma_semaphore, #tpu.memory_space<semaphore_mem>>
      %dma_start3A_347 = tpu.memref_slice %arg4[%add3A_86] : memref<320000xi32, #tpu.memory_space<hbm>> -> memref<80xi32, #tpu.memory_space<hbm>>
      %dma_start3A_348 = tpu.memref_slice %arg4[%add3A_86] : memref<320000xi32, #tpu.memory_space<hbm>> -> memref<80xi32, #tpu.memory_space<hbm>>
      tpu.enqueue_dma source(%dma_start3A_348 : memref<80xi32, #tpu.memory_space<hbm>>) target(%arg11 : memref<80xi32, #tpu.memory_space<vmem>>) target_semaphore(%run_scoped3A : memref<!tpu.dma_semaphore, #tpu.memory_space<semaphore_mem>>)
      %dma_wait3A_349 = tpu.memref_slice %arg4[%add3A_86] : memref<320000xi32, #tpu.memory_space<hbm>> -> memref<80xi32, #tpu.memory_space<hbm>>
      %dma_wait3A_350 = tpu.memref_slice %arg4[%add3A_86] : memref<320000xi32, #tpu.memory_space<hbm>> -> memref<80xi32, #tpu.memory_space<hbm>>
      tpu.wait_dma2 semaphore(%run_scoped3A : memref<!tpu.dma_semaphore, #tpu.memory_space<semaphore_mem>>) src(%dma_wait3A_350 : memref<80xi32, #tpu.memory_space<hbm>>) dst(%arg11 : memref<80xi32, #tpu.memory_space<vmem>>)
      tpu.yield
    }) : () -> ()
    %dma_start3A = arith.constant 0 : i32
    %dma_start3A_87 = arith.constant 0 : i32
    %dma_start3A_88 = tpu.memref_slice %arg2[%dma_start3A, %dma_start3A_87] : memref<10000x128xf32, #tpu.memory_space<hbm>> -> memref<10000x128xf32, #tpu.memory_space<hbm>>
    tpu.enqueue_indirect_dma source(%dma_start3A_88 : memref<10000x128xf32, #tpu.memory_space<hbm>>) target(%arg15 : memref<80x128xf32, #tpu.memory_space<vmem>>) offsets(%arg7 : memref<80xi32, #tpu.memory_space<vmem>>) semaphore(%arg20 : memref<!tpu.dma_semaphore, #tpu.memory_space<semaphore_mem>>)
    %add3A_89 = arith.constant 80 : i32
    %add3A_90 = arith.addi %mul3A_2, %add3A_89 : i32
    %dma_start3A_91 = tpu.memref_slice %arg3[%add3A_90] : memref<320000xi32, #tpu.memory_space<hbm>> -> memref<80xi32, #tpu.memory_space<hbm>>
    %dma_start3A_92 = tpu.memref_slice %arg3[%add3A_90] : memref<320000xi32, #tpu.memory_space<hbm>> -> memref<80xi32, #tpu.memory_space<hbm>>
    tpu.enqueue_dma source(%dma_start3A_92 : memref<80xi32, #tpu.memory_space<hbm>>) target(%arg8 : memref<80xi32, #tpu.memory_space<vmem>>) target_semaphore(%arg24 : memref<!tpu.dma_semaphore, #tpu.memory_space<semaphore_mem>>)
    %add3A_93 = arith.constant 80 : i32
    %add3A_94 = arith.addi %mul3A_2, %add3A_93 : i32
    %dma_start3A_95 = tpu.memref_slice %arg4[%add3A_94] : memref<320000xi32, #tpu.memory_space<hbm>> -> memref<80xi32, #tpu.memory_space<hbm>>
    %dma_start3A_96 = tpu.memref_slice %arg4[%add3A_94] : memref<320000xi32, #tpu.memory_space<hbm>> -> memref<80xi32, #tpu.memory_space<hbm>>
    tpu.enqueue_dma source(%dma_start3A_96 : memref<80xi32, #tpu.memory_space<hbm>>) target(%arg12 : memref<80xi32, #tpu.memory_space<vmem>>) target_semaphore(%arg24 : memref<!tpu.dma_semaphore, #tpu.memory_space<semaphore_mem>>)
    %dma_wait3A = arith.constant 0 : i32
    %dma_wait3A_97 = tpu.memref_slice %arg3[%dma_wait3A] : memref<320000xi32, #tpu.memory_space<hbm>> -> memref<80xi32, #tpu.memory_space<hbm>>
    %dma_wait3A_98 = arith.constant 0 : i32
    %dma_wait3A_99 = tpu.memref_slice %arg3[%dma_wait3A_98] : memref<320000xi32, #tpu.memory_space<hbm>> -> memref<80xi32, #tpu.memory_space<hbm>>
    tpu.wait_dma2 semaphore(%arg24 : memref<!tpu.dma_semaphore, #tpu.memory_space<semaphore_mem>>) src(%dma_wait3A_99 : memref<80xi32, #tpu.memory_space<hbm>>) dst(%arg8 : memref<80xi32, #tpu.memory_space<vmem>>)
    %dma_wait3A_100 = arith.constant 0 : i32
    %dma_wait3A_101 = tpu.memref_slice %arg4[%dma_wait3A_100] : memref<320000xi32, #tpu.memory_space<hbm>> -> memref<80xi32, #tpu.memory_space<hbm>>
    %dma_wait3A_102 = arith.constant 0 : i32
    %dma_wait3A_103 = tpu.memref_slice %arg4[%dma_wait3A_102] : memref<320000xi32, #tpu.memory_space<hbm>> -> memref<80xi32, #tpu.memory_space<hbm>>
    tpu.wait_dma2 semaphore(%arg24 : memref<!tpu.dma_semaphore, #tpu.memory_space<semaphore_mem>>) src(%dma_wait3A_103 : memref<80xi32, #tpu.memory_space<hbm>>) dst(%arg12 : memref<80xi32, #tpu.memory_space<vmem>>)
    %dma_start3A_104 = arith.constant 0 : i32
    %dma_start3A_105 = arith.constant 0 : i32
    %dma_start3A_106 = tpu.memref_slice %arg2[%dma_start3A_104, %dma_start3A_105] : memref<10000x128xf32, #tpu.memory_space<hbm>> -> memref<10000x128xf32, #tpu.memory_space<hbm>>
    tpu.enqueue_indirect_dma source(%dma_start3A_106 : memref<10000x128xf32, #tpu.memory_space<hbm>>) target(%arg16 : memref<80x128xf32, #tpu.memory_space<vmem>>) offsets(%arg8 : memref<80xi32, #tpu.memory_space<vmem>>) semaphore(%arg21 : memref<!tpu.dma_semaphore, #tpu.memory_space<semaphore_mem>>)
    %dma_wait3A_107 = arith.constant 0 : i32
    %dma_wait3A_108 = arith.constant 0 : i32
    %dma_wait3A_109 = tpu.memref_slice %arg2[%dma_wait3A_107, %dma_wait3A_108] : memref<10000x128xf32, #tpu.memory_space<hbm>> -> memref<10000x128xf32, #tpu.memory_space<hbm>>
    tpu.wait_indirect_dma semaphore(%arg20 : memref<!tpu.dma_semaphore, #tpu.memory_space<semaphore_mem>>) src(%dma_wait3A_109 : memref<10000x128xf32, #tpu.memory_space<hbm>>) dst(%arg15 : memref<80x128xf32, #tpu.memory_space<vmem>>)
    %dma_start3A_110 = arith.constant 0 : i32
    %dma_start3A_111 = arith.constant 0 : i32
    %dma_start3A_112 = tpu.memref_slice %arg19[%dma_start3A_110, %dma_start3A_111] : memref<10240x128xf32, #tpu.memory_space<vmem_shared>> -> memref<10240x128xf32, #tpu.memory_space<vmem_shared>>
    tpu.enqueue_indirect_dma source(%arg15 : memref<80x128xf32, #tpu.memory_space<vmem>>) target(%dma_start3A_112 : memref<10240x128xf32, #tpu.memory_space<vmem_shared>>) offsets(%arg11 : memref<80xi32, #tpu.memory_space<vmem>>) semaphore(%arg27 : memref<!tpu.dma_semaphore, #tpu.memory_space<semaphore_mem>>) {add = true}
    %get3A = arith.constant 0 : index
    %get3A_113 = tpu.vector_load %arg11[%get3A] {strides = array<i32>} : memref<80xi32, #tpu.memory_space<vmem>>, vector<16xi32>,
    tpu.vector_store_idx %arg18[%get3A_113], %broadcast_in_dim3A_5 {add = true} : memref<10000xf32, #tpu.memory_space<vmem>>[vector<16xi32>], vector<16xf32>,
    %get3A_114 = arith.constant 16 : index
    %get3A_115 = tpu.vector_load %arg11[%get3A_114] {strides = array<i32>} : memref<80xi32, #tpu.memory_space<vmem>>, vector<16xi32>,
    tpu.vector_store_idx %arg18[%get3A_115], %broadcast_in_dim3A_5 {add = true} : memref<10000xf32, #tpu.memory_space<vmem>>[vector<16xi32>], vector<16xf32>,
    %get3A_116 = arith.constant 32 : index
    %get3A_117 = tpu.vector_load %arg11[%get3A_116] {strides = array<i32>} : memref<80xi32, #tpu.memory_space<vmem>>, vector<16xi32>,
    tpu.vector_store_idx %arg18[%get3A_117], %broadcast_in_dim3A_5 {add = true} : memref<10000xf32, #tpu.memory_space<vmem>>[vector<16xi32>], vector<16xf32>,
    %get3A_118 = arith.constant 48 : index
    %get3A_119 = tpu.vector_load %arg11[%get3A_118] {strides = array<i32>} : memref<80xi32, #tpu.memory_space<vmem>>, vector<16xi32>,
    tpu.vector_store_idx %arg18[%get3A_119], %broadcast_in_dim3A_5 {add = true} : memref<10000xf32, #tpu.memory_space<vmem>>[vector<16xi32>], vector<16xf32>,
    %get3A_120 = arith.constant 64 : index
    %get3A_121 = tpu.vector_load %arg11[%get3A_120] {strides = array<i32>} : memref<80xi32, #tpu.memory_space<vmem>>, vector<16xi32>,
    tpu.vector_store_idx %arg18[%get3A_121], %broadcast_in_dim3A_5 {add = true} : memref<10000xf32, #tpu.memory_space<vmem>>[vector<16xi32>], vector<16xf32>,
    %add3A_122 = arith.constant 160 : i32
    %add3A_123 = arith.addi %mul3A_2, %add3A_122 : i32
    %dma_start3A_124 = tpu.memref_slice %arg3[%add3A_123] : memref<320000xi32, #tpu.memory_space<hbm>> -> memref<80xi32, #tpu.memory_space<hbm>>
    %dma_start3A_125 = tpu.memref_slice %arg3[%add3A_123] : memref<320000xi32, #tpu.memory_space<hbm>> -> memref<80xi32, #tpu.memory_space<hbm>>
    tpu.enqueue_dma source(%dma_start3A_125 : memref<80xi32, #tpu.memory_space<hbm>>) target(%arg9 : memref<80xi32, #tpu.memory_space<vmem>>) target_semaphore(%arg25 : memref<!tpu.dma_semaphore, #tpu.memory_space<semaphore_mem>>)
    %add3A_126 = arith.constant 160 : i32
    %add3A_127 = arith.addi %mul3A_2, %add3A_126 : i32
    %dma_start3A_128 = tpu.memref_slice %arg4[%add3A_127] : memref<320000xi32, #tpu.memory_space<hbm>> -> memref<80xi32, #tpu.memory_space<hbm>>
    %dma_start3A_129 = tpu.memref_slice %arg4[%add3A_127] : memref<320000xi32, #tpu.memory_space<hbm>> -> memref<80xi32, #tpu.memory_space<hbm>>
    tpu.enqueue_dma source(%dma_start3A_129 : memref<80xi32, #tpu.memory_space<hbm>>) target(%arg13 : memref<80xi32, #tpu.memory_space<vmem>>) target_semaphore(%arg25 : memref<!tpu.dma_semaphore, #tpu.memory_space<semaphore_mem>>)
    %dma_wait3A_130 = arith.constant 0 : i32
    %dma_wait3A_131 = tpu.memref_slice %arg3[%dma_wait3A_130] : memref<320000xi32, #tpu.memory_space<hbm>> -> memref<80xi32, #tpu.memory_space<hbm>>
    %dma_wait3A_132 = arith.constant 0 : i32
    %dma_wait3A_133 = tpu.memref_slice %arg3[%dma_wait3A_132] : memref<320000xi32, #tpu.memory_space<hbm>> -> memref<80xi32, #tpu.memory_space<hbm>>
    tpu.wait_dma2 semaphore(%arg25 : memref<!tpu.dma_semaphore, #tpu.memory_space<semaphore_mem>>) src(%dma_wait3A_133 : memref<80xi32, #tpu.memory_space<hbm>>) dst(%arg9 : memref<80xi32, #tpu.memory_space<vmem>>)
    %dma_wait3A_134 = arith.constant 0 : i32
    %dma_wait3A_135 = tpu.memref_slice %arg4[%dma_wait3A_134] : memref<320000xi32, #tpu.memory_space<hbm>> -> memref<80xi32, #tpu.memory_space<hbm>>
    %dma_wait3A_136 = arith.constant 0 : i32
    %dma_wait3A_137 = tpu.memref_slice %arg4[%dma_wait3A_136] : memref<320000xi32, #tpu.memory_space<hbm>> -> memref<80xi32, #tpu.memory_space<hbm>>
    tpu.wait_dma2 semaphore(%arg25 : memref<!tpu.dma_semaphore, #tpu.memory_space<semaphore_mem>>) src(%dma_wait3A_137 : memref<80xi32, #tpu.memory_space<hbm>>) dst(%arg13 : memref<80xi32, #tpu.memory_space<vmem>>)
    %dma_start3A_138 = arith.constant 0 : i32
    %dma_start3A_139 = arith.constant 0 : i32
    %dma_start3A_140 = tpu.memref_slice %arg2[%dma_start3A_138, %dma_start3A_139] : memref<10000x128xf32, #tpu.memory_space<hbm>> -> memref<10000x128xf32, #tpu.memory_space<hbm>>
    tpu.enqueue_indirect_dma source(%dma_start3A_140 : memref<10000x128xf32, #tpu.memory_space<hbm>>) target(%arg17 : memref<80x128xf32, #tpu.memory_space<vmem>>) offsets(%arg9 : memref<80xi32, #tpu.memory_space<vmem>>) semaphore(%arg22 : memref<!tpu.dma_semaphore, #tpu.memory_space<semaphore_mem>>)
    %dma_wait3A_141 = arith.constant 0 : i32
    %dma_wait3A_142 = arith.constant 0 : i32
    %dma_wait3A_143 = tpu.memref_slice %arg2[%dma_wait3A_141, %dma_wait3A_142] : memref<10000x128xf32, #tpu.memory_space<hbm>> -> memref<10000x128xf32, #tpu.memory_space<hbm>>
    tpu.wait_indirect_dma semaphore(%arg21 : memref<!tpu.dma_semaphore, #tpu.memory_space<semaphore_mem>>) src(%dma_wait3A_143 : memref<10000x128xf32, #tpu.memory_space<hbm>>) dst(%arg16 : memref<80x128xf32, #tpu.memory_space<vmem>>)
    %dma_start3A_144 = arith.constant 0 : i32
    %dma_start3A_145 = arith.constant 0 : i32
    %dma_start3A_146 = tpu.memref_slice %arg19[%dma_start3A_144, %dma_start3A_145] : memref<10240x128xf32, #tpu.memory_space<vmem_shared>> -> memref<10240x128xf32, #tpu.memory_space<vmem_shared>>
    tpu.enqueue_indirect_dma source(%arg16 : memref<80x128xf32, #tpu.memory_space<vmem>>) target(%dma_start3A_146 : memref<10240x128xf32, #tpu.memory_space<vmem_shared>>) offsets(%arg12 : memref<80xi32, #tpu.memory_space<vmem>>) semaphore(%arg28 : memref<!tpu.dma_semaphore, #tpu.memory_space<semaphore_mem>>) {add = true}
    %get3A_147 = arith.constant 0 : index
    %get3A_148 = tpu.vector_load %arg12[%get3A_147] {strides = array<i32>} : memref<80xi32, #tpu.memory_space<vmem>>, vector<16xi32>,
    tpu.vector_store_idx %arg18[%get3A_148], %broadcast_in_dim3A_5 {add = true} : memref<10000xf32, #tpu.memory_space<vmem>>[vector<16xi32>], vector<16xf32>,
    %get3A_149 = arith.constant 16 : index
    %get3A_150 = tpu.vector_load %arg12[%get3A_149] {strides = array<i32>} : memref<80xi32, #tpu.memory_space<vmem>>, vector<16xi32>,
    tpu.vector_store_idx %arg18[%get3A_150], %broadcast_in_dim3A_5 {add = true} : memref<10000xf32, #tpu.memory_space<vmem>>[vector<16xi32>], vector<16xf32>,
    %get3A_151 = arith.constant 32 : index
    %get3A_152 = tpu.vector_load %arg12[%get3A_151] {strides = array<i32>} : memref<80xi32, #tpu.memory_space<vmem>>, vector<16xi32>,
    tpu.vector_store_idx %arg18[%get3A_152], %broadcast_in_dim3A_5 {add = true} : memref<10000xf32, #tpu.memory_space<vmem>>[vector<16xi32>], vector<16xf32>,
    %get3A_153 = arith.constant 48 : index
    %get3A_154 = tpu.vector_load %arg12[%get3A_153] {strides = array<i32>} : memref<80xi32, #tpu.memory_space<vmem>>, vector<16xi32>,
    tpu.vector_store_idx %arg18[%get3A_154], %broadcast_in_dim3A_5 {add = true} : memref<10000xf32, #tpu.memory_space<vmem>>[vector<16xi32>], vector<16xf32>,
    %get3A_155 = arith.constant 64 : index
    %get3A_156 = tpu.vector_load %arg12[%get3A_155] {strides = array<i32>} : memref<80xi32, #tpu.memory_space<vmem>>, vector<16xi32>,
    tpu.vector_store_idx %arg18[%get3A_156], %broadcast_in_dim3A_5 {add = true} : memref<10000xf32, #tpu.memory_space<vmem>>[vector<16xi32>], vector<16xf32>,
    %add3A_157 = arith.constant 240 : i32
    %add3A_158 = arith.addi %mul3A_2, %add3A_157 : i32
    %dma_start3A_159 = tpu.memref_slice %arg3[%add3A_158] : memref<320000xi32, #tpu.memory_space<hbm>> -> memref<80xi32, #tpu.memory_space<hbm>>
    %dma_start3A_160 = tpu.memref_slice %arg3[%add3A_158] : memref<320000xi32, #tpu.memory_space<hbm>> -> memref<80xi32, #tpu.memory_space<hbm>>
    tpu.enqueue_dma source(%dma_start3A_160 : memref<80xi32, #tpu.memory_space<hbm>>) target(%arg10 : memref<80xi32, #tpu.memory_space<vmem>>) target_semaphore(%arg26 : memref<!tpu.dma_semaphore, #tpu.memory_space<semaphore_mem>>)
    %add3A_161 = arith.constant 240 : i32
    %add3A_162 = arith.addi %mul3A_2, %add3A_161 : i32
    %dma_start3A_163 = tpu.memref_slice %arg4[%add3A_162] : memref<320000xi32, #tpu.memory_space<hbm>> -> memref<80xi32, #tpu.memory_space<hbm>>
    %dma_start3A_164 = tpu.memref_slice %arg4[%add3A_162] : memref<320000xi32, #tpu.memory_space<hbm>> -> memref<80xi32, #tpu.memory_space<hbm>>
    tpu.enqueue_dma source(%dma_start3A_164 : memref<80xi32, #tpu.memory_space<hbm>>) target(%arg14 : memref<80xi32, #tpu.memory_space<vmem>>) target_semaphore(%arg26 : memref<!tpu.dma_semaphore, #tpu.memory_space<semaphore_mem>>)
    %scan3A_165 = arith.constant 0 : i32
    %scan3A_166 = arith.constant 0 : i32
    %scan3A_167 = arith.constant 10 : i32
    %scan3A_168 = arith.addi %scan3A_166, %scan3A_167 : i32
    %scan3A_169 = arith.constant 1 : i32
    %scan3A_170 = scf.for %scan3A_347 = %scan3A_166 to %scan3A_168 step %scan3A_169 iter_args(%scan3A_348 = %scan3A_165) -> (i32)  : i32 {
      %mul3A_349 = arith.constant 12 : i32
      %mul3A_350 = arith.muli %scan3A_347, %mul3A_349 : i32
      %add3A_351 = arith.constant 2 : i32
      %add3A_352 = arith.addi %add3A_351, %mul3A_350 : i32
      %add3A_353 = arith.constant 0 : i32
      %add3A_354 = arith.addi %add3A_352, %add3A_353 : i32
      %dma_wait3A_355 = arith.constant 0 : i32
      %dma_wait3A_356 = arith.constant 0 : i32
      %dma_wait3A_357 = tpu.memref_slice %arg19[%dma_wait3A_355, %dma_wait3A_356] : memref<10240x128xf32, #tpu.memory_space<vmem_shared>> -> memref<80x128xf32, #tpu.memory_space<vmem_shared>>
      %dma_wait3A_358 = arith.constant 0 : i32
      %dma_wait3A_359 = arith.constant 0 : i32
      %dma_wait3A_360 = tpu.memref_slice %arg19[%dma_wait3A_358, %dma_wait3A_359] : memref<10240x128xf32, #tpu.memory_space<vmem_shared>> -> memref<80x128xf32, #tpu.memory_space<vmem_shared>>
      tpu.wait_dma2 semaphore(%arg27 : memref<!tpu.dma_semaphore, #tpu.memory_space<semaphore_mem>>) src(%arg15 : memref<80x128xf32, #tpu.memory_space<vmem>>) dst(%dma_wait3A_360 : memref<80x128xf32, #tpu.memory_space<vmem_shared>>)
      %dma_wait3A_361 = arith.constant 0 : i32
      %dma_wait3A_362 = tpu.memref_slice %arg3[%dma_wait3A_361] : memref<320000xi32, #tpu.memory_space<hbm>> -> memref<80xi32, #tpu.memory_space<hbm>>
      %dma_wait3A_363 = arith.constant 0 : i32
      %dma_wait3A_364 = tpu.memref_slice %arg3[%dma_wait3A_363] : memref<320000xi32, #tpu.memory_space<hbm>> -> memref<80xi32, #tpu.memory_space<hbm>>
      tpu.wait_dma2 semaphore(%arg26 : memref<!tpu.dma_semaphore, #tpu.memory_space<semaphore_mem>>) src(%dma_wait3A_364 : memref<80xi32, #tpu.memory_space<hbm>>) dst(%arg10 : memref<80xi32, #tpu.memory_space<vmem>>)
      %dma_wait3A_365 = arith.constant 0 : i32
      %dma_wait3A_366 = tpu.memref_slice %arg4[%dma_wait3A_365] : memref<320000xi32, #tpu.memory_space<hbm>> -> memref<80xi32, #tpu.memory_space<hbm>>
      %dma_wait3A_367 = arith.constant 0 : i32
      %dma_wait3A_368 = tpu.memref_slice %arg4[%dma_wait3A_367] : memref<320000xi32, #tpu.memory_space<hbm>> -> memref<80xi32, #tpu.memory_space<hbm>>
      tpu.wait_dma2 semaphore(%arg26 : memref<!tpu.dma_semaphore, #tpu.memory_space<semaphore_mem>>) src(%dma_wait3A_368 : memref<80xi32, #tpu.memory_space<hbm>>) dst(%arg14 : memref<80xi32, #tpu.memory_space<vmem>>)
      %dma_start3A_369 = arith.constant 0 : i32
      %dma_start3A_370 = arith.constant 0 : i32
      %dma_start3A_371 = tpu.memref_slice %arg2[%dma_start3A_369, %dma_start3A_370] : memref<10000x128xf32, #tpu.memory_space<hbm>> -> memref<10000x128xf32, #tpu.memory_space<hbm>>
      tpu.enqueue_indirect_dma source(%dma_start3A_371 : memref<10000x128xf32, #tpu.memory_space<hbm>>) target(%arg15 : memref<80x128xf32, #tpu.memory_space<vmem>>) offsets(%arg10 : memref<80xi32, #tpu.memory_space<vmem>>) semaphore(%arg20 : memref<!tpu.dma_semaphore, #tpu.memory_space<semaphore_mem>>)
      %dma_wait3A_372 = arith.constant 0 : i32
      %dma_wait3A_373 = arith.constant 0 : i32
      %dma_wait3A_374 = tpu.memref_slice %arg2[%dma_wait3A_372, %dma_wait3A_373] : memref<10000x128xf32, #tpu.memory_space<hbm>> -> memref<10000x128xf32, #tpu.memory_space<hbm>>
      tpu.wait_indirect_dma semaphore(%arg22 : memref<!tpu.dma_semaphore, #tpu.memory_space<semaphore_mem>>) src(%dma_wait3A_374 : memref<10000x128xf32, #tpu.memory_space<hbm>>) dst(%arg17 : memref<80x128xf32, #tpu.memory_space<vmem>>)
      %dma_start3A_375 = arith.constant 0 : i32
      %dma_start3A_376 = arith.constant 0 : i32
      %dma_start3A_377 = tpu.memref_slice %arg19[%dma_start3A_375, %dma_start3A_376] : memref<10240x128xf32, #tpu.memory_space<vmem_shared>> -> memref<10240x128xf32, #tpu.memory_space<vmem_shared>>
      tpu.enqueue_indirect_dma source(%arg17 : memref<80x128xf32, #tpu.memory_space<vmem>>) target(%dma_start3A_377 : memref<10240x128xf32, #tpu.memory_space<vmem_shared>>) offsets(%arg13 : memref<80xi32, #tpu.memory_space<vmem>>) semaphore(%arg29 : memref<!tpu.dma_semaphore, #tpu.memory_space<semaphore_mem>>) {add = true}
      %get3A_378 = arith.constant 0 : index
      %get3A_379 = tpu.vector_load %arg13[%get3A_378] {strides = array<i32>} : memref<80xi32, #tpu.memory_space<vmem>>, vector<16xi32>,
      tpu.vector_store_idx %arg18[%get3A_379], %broadcast_in_dim3A_5 {add = true} : memref<10000xf32, #tpu.memory_space<vmem>>[vector<16xi32>], vector<16xf32>,
      %get3A_380 = arith.constant 16 : index
      %get3A_381 = tpu.vector_load %arg13[%get3A_380] {strides = array<i32>} : memref<80xi32, #tpu.memory_space<vmem>>, vector<16xi32>,
      tpu.vector_store_idx %arg18[%get3A_381], %broadcast_in_dim3A_5 {add = true} : memref<10000xf32, #tpu.memory_space<vmem>>[vector<16xi32>], vector<16xf32>,
      %get3A_382 = arith.constant 32 : index
      %get3A_383 = tpu.vector_load %arg13[%get3A_382] {strides = array<i32>} : memref<80xi32, #tpu.memory_space<vmem>>, vector<16xi32>,
      tpu.vector_store_idx %arg18[%get3A_383], %broadcast_in_dim3A_5 {add = true} : memref<10000xf32, #tpu.memory_space<vmem>>[vector<16xi32>], vector<16xf32>,
      %get3A_384 = arith.constant 48 : index
      %get3A_385 = tpu.vector_load %arg13[%get3A_384] {strides = array<i32>} : memref<80xi32, #tpu.memory_space<vmem>>, vector<16xi32>,
      tpu.vector_store_idx %arg18[%get3A_385], %broadcast_in_dim3A_5 {add = true} : memref<10000xf32, #tpu.memory_space<vmem>>[vector<16xi32>], vector<16xf32>,
      %get3A_386 = arith.constant 64 : index
      %get3A_387 = tpu.vector_load %arg13[%get3A_386] {strides = array<i32>} : memref<80xi32, #tpu.memory_space<vmem>>, vector<16xi32>,
      tpu.vector_store_idx %arg18[%get3A_387], %broadcast_in_dim3A_5 {add = true} : memref<10000xf32, #tpu.memory_space<vmem>>[vector<16xi32>], vector<16xf32>,
      %add3A_388 = arith.constant 1 : i32
      %add3A_389 = arith.addi %add3A_354, %add3A_388 : i32
      %add3A_390 = arith.constant 1 : i32
      %add3A_391 = arith.addi %add3A_389, %add3A_390 : i32
      %mul3A_392 = arith.constant 80 : i32
      %mul3A_393 = arith.muli %add3A_391, %mul3A_392 : i32
      %add3A_394 = arith.addi %mul3A_2, %mul3A_393 : i32
      %dma_start3A_395 = tpu.memref_slice %arg3[%add3A_394] : memref<320000xi32, #tpu.memory_space<hbm>> -> memref<80xi32, #tpu.memory_space<hbm>>
      %dma_start3A_396 = tpu.memref_slice %arg3[%add3A_394] : memref<320000xi32, #tpu.memory_space<hbm>> -> memref<80xi32, #tpu.memory_space<hbm>>
      tpu.enqueue_dma source(%dma_start3A_396 : memref<80xi32, #tpu.memory_space<hbm>>) target(%arg7 : memref<80xi32, #tpu.memory_space<vmem>>) target_semaphore(%arg23 : memref<!tpu.dma_semaphore, #tpu.memory_space<semaphore_mem>>)
      %mul3A_397 = arith.constant 80 : i32
      %mul3A_398 = arith.muli %add3A_391, %mul3A_397 : i32
      %add3A_399 = arith.addi %mul3A_2, %mul3A_398 : i32
      %dma_start3A_400 = tpu.memref_slice %arg4[%add3A_399] : memref<320000xi32, #tpu.memory_space<hbm>> -> memref<80xi32, #tpu.memory_space<hbm>>
      %dma_start3A_401 = tpu.memref_slice %arg4[%add3A_399] : memref<320000xi32, #tpu.memory_space<hbm>> -> memref<80xi32, #tpu.memory_space<hbm>>
      tpu.enqueue_dma source(%dma_start3A_401 : memref<80xi32, #tpu.memory_space<hbm>>) target(%arg11 : memref<80xi32, #tpu.memory_space<vmem>>) target_semaphore(%arg23 : memref<!tpu.dma_semaphore, #tpu.memory_space<semaphore_mem>>)
      %add3A_402 = arith.constant 1 : i32
      %add3A_403 = arith.addi %add3A_352, %add3A_402 : i32
      %dma_wait3A_404 = arith.constant 0 : i32
      %dma_wait3A_405 = arith.constant 0 : i32
      %dma_wait3A_406 = tpu.memref_slice %arg19[%dma_wait3A_404, %dma_wait3A_405] : memref<10240x128xf32, #tpu.memory_space<vmem_shared>> -> memref<80x128xf32, #tpu.memory_space<vmem_shared>>
      %dma_wait3A_407 = arith.constant 0 : i32
      %dma_wait3A_408 = arith.constant 0 : i32
      %dma_wait3A_409 = tpu.memref_slice %arg19[%dma_wait3A_407, %dma_wait3A_408] : memref<10240x128xf32, #tpu.memory_space<vmem_shared>> -> memref<80x128xf32, #tpu.memory_space<vmem_shared>>
      tpu.wait_dma2 semaphore(%arg28 : memref<!tpu.dma_semaphore, #tpu.memory_space<semaphore_mem>>) src(%arg16 : memref<80x128xf32, #tpu.memory_space<vmem>>) dst(%dma_wait3A_409 : memref<80x128xf32, #tpu.memory_space<vmem_shared>>)
      %dma_wait3A_410 = arith.constant 0 : i32
      %dma_wait3A_411 = tpu.memref_slice %arg3[%dma_wait3A_410] : memref<320000xi32, #tpu.memory_space<hbm>> -> memref<80xi32, #tpu.memory_space<hbm>>
      %dma_wait3A_412 = arith.constant 0 : i32
      %dma_wait3A_413 = tpu.memref_slice %arg3[%dma_wait3A_412] : memref<320000xi32, #tpu.memory_space<hbm>> -> memref<80xi32, #tpu.memory_space<hbm>>
      tpu.wait_dma2 semaphore(%arg23 : memref<!tpu.dma_semaphore, #tpu.memory_space<semaphore_mem>>) src(%dma_wait3A_413 : memref<80xi32, #tpu.memory_space<hbm>>) dst(%arg7 : memref<80xi32, #tpu.memory_space<vmem>>)
      %dma_wait3A_414 = arith.constant 0 : i32
      %dma_wait3A_415 = tpu.memref_slice %arg4[%dma_wait3A_414] : memref<320000xi32, #tpu.memory_space<hbm>> -> memref<80xi32, #tpu.memory_space<hbm>>
      %dma_wait3A_416 = arith.constant 0 : i32
      %dma_wait3A_417 = tpu.memref_slice %arg4[%dma_wait3A_416] : memref<320000xi32, #tpu.memory_space<hbm>> -> memref<80xi32, #tpu.memory_space<hbm>>
      tpu.wait_dma2 semaphore(%arg23 : memref<!tpu.dma_semaphore, #tpu.memory_space<semaphore_mem>>) src(%dma_wait3A_417 : memref<80xi32, #tpu.memory_space<hbm>>) dst(%arg11 : memref<80xi32, #tpu.memory_space<vmem>>)
      %dma_start3A_418 = arith.constant 0 : i32
      %dma_start3A_419 = arith.constant 0 : i32
      %dma_start3A_420 = tpu.memref_slice %arg2[%dma_start3A_418, %dma_start3A_419] : memref<10000x128xf32, #tpu.memory_space<hbm>> -> memref<10000x128xf32, #tpu.memory_space<hbm>>
      tpu.enqueue_indirect_dma source(%dma_start3A_420 : memref<10000x128xf32, #tpu.memory_space<hbm>>) target(%arg16 : memref<80x128xf32, #tpu.memory_space<vmem>>) offsets(%arg7 : memref<80xi32, #tpu.memory_space<vmem>>) semaphore(%arg21 : memref<!tpu.dma_semaphore, #tpu.memory_space<semaphore_mem>>)
      %dma_wait3A_421 = arith.constant 0 : i32
      %dma_wait3A_422 = arith.constant 0 : i32
      %dma_wait3A_423 = tpu.memref_slice %arg2[%dma_wait3A_421, %dma_wait3A_422] : memref<10000x128xf32, #tpu.memory_space<hbm>> -> memref<10000x128xf32, #tpu.memory_space<hbm>>
      tpu.wait_indirect_dma semaphore(%arg20 : memref<!tpu.dma_semaphore, #tpu.memory_space<semaphore_mem>>) src(%dma_wait3A_423 : memref<10000x128xf32, #tpu.memory_space<hbm>>) dst(%arg15 : memref<80x128xf32, #tpu.memory_space<vmem>>)
      %dma_start3A_424 = arith.constant 0 : i32
      %dma_start3A_425 = arith.constant 0 : i32
      %dma_start3A_426 = tpu.memref_slice %arg19[%dma_start3A_424, %dma_start3A_425] : memref<10240x128xf32, #tpu.memory_space<vmem_shared>> -> memref<10240x128xf32, #tpu.memory_space<vmem_shared>>
      tpu.enqueue_indirect_dma source(%arg15 : memref<80x128xf32, #tpu.memory_space<vmem>>) target(%dma_start3A_426 : memref<10240x128xf32, #tpu.memory_space<vmem_shared>>) offsets(%arg14 : memref<80xi32, #tpu.memory_space<vmem>>) semaphore(%arg27 : memref<!tpu.dma_semaphore, #tpu.memory_space<semaphore_mem>>) {add = true}
      %get3A_427 = arith.constant 0 : index
      %get3A_428 = tpu.vector_load %arg14[%get3A_427] {strides = array<i32>} : memref<80xi32, #tpu.memory_space<vmem>>, vector<16xi32>,
      tpu.vector_store_idx %arg18[%get3A_428], %broadcast_in_dim3A_5 {add = true} : memref<10000xf32, #tpu.memory_space<vmem>>[vector<16xi32>], vector<16xf32>,
      %get3A_429 = arith.constant 16 : index
      %get3A_430 = tpu.vector_load %arg14[%get3A_429] {strides = array<i32>} : memref<80xi32, #tpu.memory_space<vmem>>, vector<16xi32>,
      tpu.vector_store_idx %arg18[%get3A_430], %broadcast_in_dim3A_5 {add = true} : memref<10000xf32, #tpu.memory_space<vmem>>[vector<16xi32>], vector<16xf32>,
      %get3A_431 = arith.constant 32 : index
      %get3A_432 = tpu.vector_load %arg14[%get3A_431] {strides = array<i32>} : memref<80xi32, #tpu.memory_space<vmem>>, vector<16xi32>,
      tpu.vector_store_idx %arg18[%get3A_432], %broadcast_in_dim3A_5 {add = true} : memref<10000xf32, #tpu.memory_space<vmem>>[vector<16xi32>], vector<16xf32>,
      %get3A_433 = arith.constant 48 : index
      %get3A_434 = tpu.vector_load %arg14[%get3A_433] {strides = array<i32>} : memref<80xi32, #tpu.memory_space<vmem>>, vector<16xi32>,
      tpu.vector_store_idx %arg18[%get3A_434], %broadcast_in_dim3A_5 {add = true} : memref<10000xf32, #tpu.memory_space<vmem>>[vector<16xi32>], vector<16xf32>,
      %get3A_435 = arith.constant 64 : index
      %get3A_436 = tpu.vector_load %arg14[%get3A_435] {strides = array<i32>} : memref<80xi32, #tpu.memory_space<vmem>>, vector<16xi32>,
      tpu.vector_store_idx %arg18[%get3A_436], %broadcast_in_dim3A_5 {add = true} : memref<10000xf32, #tpu.memory_space<vmem>>[vector<16xi32>], vector<16xf32>,
      %add3A_437 = arith.constant 1 : i32
      %add3A_438 = arith.addi %add3A_403, %add3A_437 : i32
      %add3A_439 = arith.constant 1 : i32
      %add3A_440 = arith.addi %add3A_438, %add3A_439 : i32
      %mul3A_441 = arith.constant 80 : i32
      %mul3A_442 = arith.muli %add3A_440, %mul3A_441 : i32
      %add3A_443 = arith.addi %mul3A_2, %mul3A_442 : i32
      %dma_start3A_444 = tpu.memref_slice %arg3[%add3A_443] : memref<320000xi32, #tpu.memory_space<hbm>> -> memref<80xi32, #tpu.memory_space<hbm>>
      %dma_start3A_445 = tpu.memref_slice %arg3[%add3A_443] : memref<320000xi32, #tpu.memory_space<hbm>> -> memref<80xi32, #tpu.memory_space<hbm>>
      tpu.enqueue_dma source(%dma_start3A_445 : memref<80xi32, #tpu.memory_space<hbm>>) target(%arg8 : memref<80xi32, #tpu.memory_space<vmem>>) target_semaphore(%arg24 : memref<!tpu.dma_semaphore, #tpu.memory_space<semaphore_mem>>)
      %mul3A_446 = arith.constant 80 : i32
      %mul3A_447 = arith.muli %add3A_440, %mul3A_446 : i32
      %add3A_448 = arith.addi %mul3A_2, %mul3A_447 : i32
      %dma_start3A_449 = tpu.memref_slice %arg4[%add3A_448] : memref<320000xi32, #tpu.memory_space<hbm>> -> memref<80xi32, #tpu.memory_space<hbm>>
      %dma_start3A_450 = tpu.memref_slice %arg4[%add3A_448] : memref<320000xi32, #tpu.memory_space<hbm>> -> memref<80xi32, #tpu.memory_space<hbm>>
      tpu.enqueue_dma source(%dma_start3A_450 : memref<80xi32, #tpu.memory_space<hbm>>) target(%arg12 : memref<80xi32, #tpu.memory_space<vmem>>) target_semaphore(%arg24 : memref<!tpu.dma_semaphore, #tpu.memory_space<semaphore_mem>>)
      %add3A_451 = arith.constant 2 : i32
      %add3A_452 = arith.addi %add3A_352, %add3A_451 : i32
      %dma_wait3A_453 = arith.constant 0 : i32
      %dma_wait3A_454 = arith.constant 0 : i32
      %dma_wait3A_455 = tpu.memref_slice %arg19[%dma_wait3A_453, %dma_wait3A_454] : memref<10240x128xf32, #tpu.memory_space<vmem_shared>> -> memref<80x128xf32, #tpu.memory_space<vmem_shared>>
      %dma_wait3A_456 = arith.constant 0 : i32
      %dma_wait3A_457 = arith.constant 0 : i32
      %dma_wait3A_458 = tpu.memref_slice %arg19[%dma_wait3A_456, %dma_wait3A_457] : memref<10240x128xf32, #tpu.memory_space<vmem_shared>> -> memref<80x128xf32, #tpu.memory_space<vmem_shared>>
      tpu.wait_dma2 semaphore(%arg29 : memref<!tpu.dma_semaphore, #tpu.memory_space<semaphore_mem>>) src(%arg17 : memref<80x128xf32, #tpu.memory_space<vmem>>) dst(%dma_wait3A_458 : memref<80x128xf32, #tpu.memory_space<vmem_shared>>)
      %dma_wait3A_459 = arith.constant 0 : i32
      %dma_wait3A_460 = tpu.memref_slice %arg3[%dma_wait3A_459] : memref<320000xi32, #tpu.memory_space<hbm>> -> memref<80xi32, #tpu.memory_space<hbm>>
      %dma_wait3A_461 = arith.constant 0 : i32
      %dma_wait3A_462 = tpu.memref_slice %arg3[%dma_wait3A_461] : memref<320000xi32, #tpu.memory_space<hbm>> -> memref<80xi32, #tpu.memory_space<hbm>>
      tpu.wait_dma2 semaphore(%arg24 : memref<!tpu.dma_semaphore, #tpu.memory_space<semaphore_mem>>) src(%dma_wait3A_462 : memref<80xi32, #tpu.memory_space<hbm>>) dst(%arg8 : memref<80xi32, #tpu.memory_space<vmem>>)
      %dma_wait3A_463 = arith.constant 0 : i32
      %dma_wait3A_464 = tpu.memref_slice %arg4[%dma_wait3A_463] : memref<320000xi32, #tpu.memory_space<hbm>> -> memref<80xi32, #tpu.memory_space<hbm>>
      %dma_wait3A_465 = arith.constant 0 : i32
      %dma_wait3A_466 = tpu.memref_slice %arg4[%dma_wait3A_465] : memref<320000xi32, #tpu.memory_space<hbm>> -> memref<80xi32, #tpu.memory_space<hbm>>
      tpu.wait_dma2 semaphore(%arg24 : memref<!tpu.dma_semaphore, #tpu.memory_space<semaphore_mem>>) src(%dma_wait3A_466 : memref<80xi32, #tpu.memory_space<hbm>>) dst(%arg12 : memref<80xi32, #tpu.memory_space<vmem>>)
      %dma_start3A_467 = arith.constant 0 : i32
      %dma_start3A_468 = arith.constant 0 : i32
      %dma_start3A_469 = tpu.memref_slice %arg2[%dma_start3A_467, %dma_start3A_468] : memref<10000x128xf32, #tpu.memory_space<hbm>> -> memref<10000x128xf32, #tpu.memory_space<hbm>>
      tpu.enqueue_indirect_dma source(%dma_start3A_469 : memref<10000x128xf32, #tpu.memory_space<hbm>>) target(%arg17 : memref<80x128xf32, #tpu.memory_space<vmem>>) offsets(%arg8 : memref<80xi32, #tpu.memory_space<vmem>>) semaphore(%arg22 : memref<!tpu.dma_semaphore, #tpu.memory_space<semaphore_mem>>)
      %dma_wait3A_470 = arith.constant 0 : i32
      %dma_wait3A_471 = arith.constant 0 : i32
      %dma_wait3A_472 = tpu.memref_slice %arg2[%dma_wait3A_470, %dma_wait3A_471] : memref<10000x128xf32, #tpu.memory_space<hbm>> -> memref<10000x128xf32, #tpu.memory_space<hbm>>
      tpu.wait_indirect_dma semaphore(%arg21 : memref<!tpu.dma_semaphore, #tpu.memory_space<semaphore_mem>>) src(%dma_wait3A_472 : memref<10000x128xf32, #tpu.memory_space<hbm>>) dst(%arg16 : memref<80x128xf32, #tpu.memory_space<vmem>>)
      %dma_start3A_473 = arith.constant 0 : i32
      %dma_start3A_474 = arith.constant 0 : i32
      %dma_start3A_475 = tpu.memref_slice %arg19[%dma_start3A_473, %dma_start3A_474] : memref<10240x128xf32, #tpu.memory_space<vmem_shared>> -> memref<10240x128xf32, #tpu.memory_space<vmem_shared>>
      tpu.enqueue_indirect_dma source(%arg16 : memref<80x128xf32, #tpu.memory_space<vmem>>) target(%dma_start3A_475 : memref<10240x128xf32, #tpu.memory_space<vmem_shared>>) offsets(%arg11 : memref<80xi32, #tpu.memory_space<vmem>>) semaphore(%arg28 : memref<!tpu.dma_semaphore, #tpu.memory_space<semaphore_mem>>) {add = true}
      %get3A_476 = arith.constant 0 : index
      %get3A_477 = tpu.vector_load %arg11[%get3A_476] {strides = array<i32>} : memref<80xi32, #tpu.memory_space<vmem>>, vector<16xi32>,
      tpu.vector_store_idx %arg18[%get3A_477], %broadcast_in_dim3A_5 {add = true} : memref<10000xf32, #tpu.memory_space<vmem>>[vector<16xi32>], vector<16xf32>,
      %get3A_478 = arith.constant 16 : index
      %get3A_479 = tpu.vector_load %arg11[%get3A_478] {strides = array<i32>} : memref<80xi32, #tpu.memory_space<vmem>>, vector<16xi32>,
      tpu.vector_store_idx %arg18[%get3A_479], %broadcast_in_dim3A_5 {add = true} : memref<10000xf32, #tpu.memory_space<vmem>>[vector<16xi32>], vector<16xf32>,
      %get3A_480 = arith.constant 32 : index
      %get3A_481 = tpu.vector_load %arg11[%get3A_480] {strides = array<i32>} : memref<80xi32, #tpu.memory_space<vmem>>, vector<16xi32>,
      tpu.vector_store_idx %arg18[%get3A_481], %broadcast_in_dim3A_5 {add = true} : memref<10000xf32, #tpu.memory_space<vmem>>[vector<16xi32>], vector<16xf32>,
      %get3A_482 = arith.constant 48 : index
      %get3A_483 = tpu.vector_load %arg11[%get3A_482] {strides = array<i32>} : memref<80xi32, #tpu.memory_space<vmem>>, vector<16xi32>,
      tpu.vector_store_idx %arg18[%get3A_483], %broadcast_in_dim3A_5 {add = true} : memref<10000xf32, #tpu.memory_space<vmem>>[vector<16xi32>], vector<16xf32>,
      %get3A_484 = arith.constant 64 : index
      %get3A_485 = tpu.vector_load %arg11[%get3A_484] {strides = array<i32>} : memref<80xi32, #tpu.memory_space<vmem>>, vector<16xi32>,
      tpu.vector_store_idx %arg18[%get3A_485], %broadcast_in_dim3A_5 {add = true} : memref<10000xf32, #tpu.memory_space<vmem>>[vector<16xi32>], vector<16xf32>,
      %add3A_486 = arith.constant 1 : i32
      %add3A_487 = arith.addi %add3A_452, %add3A_486 : i32
      %add3A_488 = arith.constant 1 : i32
      %add3A_489 = arith.addi %add3A_487, %add3A_488 : i32
      %mul3A_490 = arith.constant 80 : i32
      %mul3A_491 = arith.muli %add3A_489, %mul3A_490 : i32
      %add3A_492 = arith.addi %mul3A_2, %mul3A_491 : i32
      %dma_start3A_493 = tpu.memref_slice %arg3[%add3A_492] : memref<320000xi32, #tpu.memory_space<hbm>> -> memref<80xi32, #tpu.memory_space<hbm>>
      %dma_start3A_494 = tpu.memref_slice %arg3[%add3A_492] : memref<320000xi32, #tpu.memory_space<hbm>> -> memref<80xi32, #tpu.memory_space<hbm>>
      tpu.enqueue_dma source(%dma_start3A_494 : memref<80xi32, #tpu.memory_space<hbm>>) target(%arg9 : memref<80xi32, #tpu.memory_space<vmem>>) target_semaphore(%arg25 : memref<!tpu.dma_semaphore, #tpu.memory_space<semaphore_mem>>)
      %mul3A_495 = arith.constant 80 : i32
      %mul3A_496 = arith.muli %add3A_489, %mul3A_495 : i32
      %add3A_497 = arith.addi %mul3A_2, %mul3A_496 : i32
      %dma_start3A_498 = tpu.memref_slice %arg4[%add3A_497] : memref<320000xi32, #tpu.memory_space<hbm>> -> memref<80xi32, #tpu.memory_space<hbm>>
      %dma_start3A_499 = tpu.memref_slice %arg4[%add3A_497] : memref<320000xi32, #tpu.memory_space<hbm>> -> memref<80xi32, #tpu.memory_space<hbm>>
      tpu.enqueue_dma source(%dma_start3A_499 : memref<80xi32, #tpu.memory_space<hbm>>) target(%arg13 : memref<80xi32, #tpu.memory_space<vmem>>) target_semaphore(%arg25 : memref<!tpu.dma_semaphore, #tpu.memory_space<semaphore_mem>>)
      %add3A_500 = arith.constant 3 : i32
      %add3A_501 = arith.addi %add3A_352, %add3A_500 : i32
      %dma_wait3A_502 = arith.constant 0 : i32
      %dma_wait3A_503 = arith.constant 0 : i32
      %dma_wait3A_504 = tpu.memref_slice %arg19[%dma_wait3A_502, %dma_wait3A_503] : memref<10240x128xf32, #tpu.memory_space<vmem_shared>> -> memref<80x128xf32, #tpu.memory_space<vmem_shared>>
      %dma_wait3A_505 = arith.constant 0 : i32
      %dma_wait3A_506 = arith.constant 0 : i32
      %dma_wait3A_507 = tpu.memref_slice %arg19[%dma_wait3A_505, %dma_wait3A_506] : memref<10240x128xf32, #tpu.memory_space<vmem_shared>> -> memref<80x128xf32, #tpu.memory_space<vmem_shared>>
      tpu.wait_dma2 semaphore(%arg27 : memref<!tpu.dma_semaphore, #tpu.memory_space<semaphore_mem>>) src(%arg15 : memref<80x128xf32, #tpu.memory_space<vmem>>) dst(%dma_wait3A_507 : memref<80x128xf32, #tpu.memory_space<vmem_shared>>)
      %dma_wait3A_508 = arith.constant 0 : i32
      %dma_wait3A_509 = tpu.memref_slice %arg3[%dma_wait3A_508] : memref<320000xi32, #tpu.memory_space<hbm>> -> memref<80xi32, #tpu.memory_space<hbm>>
      %dma_wait3A_510 = arith.constant 0 : i32
      %dma_wait3A_511 = tpu.memref_slice %arg3[%dma_wait3A_510] : memref<320000xi32, #tpu.memory_space<hbm>> -> memref<80xi32, #tpu.memory_space<hbm>>
      tpu.wait_dma2 semaphore(%arg25 : memref<!tpu.dma_semaphore, #tpu.memory_space<semaphore_mem>>) src(%dma_wait3A_511 : memref<80xi32, #tpu.memory_space<hbm>>) dst(%arg9 : memref<80xi32, #tpu.memory_space<vmem>>)
      %dma_wait3A_512 = arith.constant 0 : i32
      %dma_wait3A_513 = tpu.memref_slice %arg4[%dma_wait3A_512] : memref<320000xi32, #tpu.memory_space<hbm>> -> memref<80xi32, #tpu.memory_space<hbm>>
      %dma_wait3A_514 = arith.constant 0 : i32
      %dma_wait3A_515 = tpu.memref_slice %arg4[%dma_wait3A_514] : memref<320000xi32, #tpu.memory_space<hbm>> -> memref<80xi32, #tpu.memory_space<hbm>>
      tpu.wait_dma2 semaphore(%arg25 : memref<!tpu.dma_semaphore, #tpu.memory_space<semaphore_mem>>) src(%dma_wait3A_515 : memref<80xi32, #tpu.memory_space<hbm>>) dst(%arg13 : memref<80xi32, #tpu.memory_space<vmem>>)
      %dma_start3A_516 = arith.constant 0 : i32
      %dma_start3A_517 = arith.constant 0 : i32
      %dma_start3A_518 = tpu.memref_slice %arg2[%dma_start3A_516, %dma_start3A_517] : memref<10000x128xf32, #tpu.memory_space<hbm>> -> memref<10000x128xf32, #tpu.memory_space<hbm>>
      tpu.enqueue_indirect_dma source(%dma_start3A_518 : memref<10000x128xf32, #tpu.memory_space<hbm>>) target(%arg15 : memref<80x128xf32, #tpu.memory_space<vmem>>) offsets(%arg9 : memref<80xi32, #tpu.memory_space<vmem>>) semaphore(%arg20 : memref<!tpu.dma_semaphore, #tpu.memory_space<semaphore_mem>>)
      %dma_wait3A_519 = arith.constant 0 : i32
      %dma_wait3A_520 = arith.constant 0 : i32
      %dma_wait3A_521 = tpu.memref_slice %arg2[%dma_wait3A_519, %dma_wait3A_520] : memref<10000x128xf32, #tpu.memory_space<hbm>> -> memref<10000x128xf32, #tpu.memory_space<hbm>>
      tpu.wait_indirect_dma semaphore(%arg22 : memref<!tpu.dma_semaphore, #tpu.memory_space<semaphore_mem>>) src(%dma_wait3A_521 : memref<10000x128xf32, #tpu.memory_space<hbm>>) dst(%arg17 : memref<80x128xf32, #tpu.memory_space<vmem>>)
      %dma_start3A_522 = arith.constant 0 : i32
      %dma_start3A_523 = arith.constant 0 : i32
      %dma_start3A_524 = tpu.memref_slice %arg19[%dma_start3A_522, %dma_start3A_523] : memref<10240x128xf32, #tpu.memory_space<vmem_shared>> -> memref<10240x128xf32, #tpu.memory_space<vmem_shared>>
      tpu.enqueue_indirect_dma source(%arg17 : memref<80x128xf32, #tpu.memory_space<vmem>>) target(%dma_start3A_524 : memref<10240x128xf32, #tpu.memory_space<vmem_shared>>) offsets(%arg12 : memref<80xi32, #tpu.memory_space<vmem>>) semaphore(%arg29 : memref<!tpu.dma_semaphore, #tpu.memory_space<semaphore_mem>>) {add = true}
      %get3A_525 = arith.constant 0 : index
      %get3A_526 = tpu.vector_load %arg12[%get3A_525] {strides = array<i32>} : memref<80xi32, #tpu.memory_space<vmem>>, vector<16xi32>,
      tpu.vector_store_idx %arg18[%get3A_526], %broadcast_in_dim3A_5 {add = true} : memref<10000xf32, #tpu.memory_space<vmem>>[vector<16xi32>], vector<16xf32>,
      %get3A_527 = arith.constant 16 : index
      %get3A_528 = tpu.vector_load %arg12[%get3A_527] {strides = array<i32>} : memref<80xi32, #tpu.memory_space<vmem>>, vector<16xi32>,
      tpu.vector_store_idx %arg18[%get3A_528], %broadcast_in_dim3A_5 {add = true} : memref<10000xf32, #tpu.memory_space<vmem>>[vector<16xi32>], vector<16xf32>,
      %get3A_529 = arith.constant 32 : index
      %get3A_530 = tpu.vector_load %arg12[%get3A_529] {strides = array<i32>} : memref<80xi32, #tpu.memory_space<vmem>>, vector<16xi32>,
      tpu.vector_store_idx %arg18[%get3A_530], %broadcast_in_dim3A_5 {add = true} : memref<10000xf32, #tpu.memory_space<vmem>>[vector<16xi32>], vector<16xf32>,
      %get3A_531 = arith.constant 48 : index
      %get3A_532 = tpu.vector_load %arg12[%get3A_531] {strides = array<i32>} : memref<80xi32, #tpu.memory_space<vmem>>, vector<16xi32>,
      tpu.vector_store_idx %arg18[%get3A_532], %broadcast_in_dim3A_5 {add = true} : memref<10000xf32, #tpu.memory_space<vmem>>[vector<16xi32>], vector<16xf32>,
      %get3A_533 = arith.constant 64 : index
      %get3A_534 = tpu.vector_load %arg12[%get3A_533] {strides = array<i32>} : memref<80xi32, #tpu.memory_space<vmem>>, vector<16xi32>,
      tpu.vector_store_idx %arg18[%get3A_534], %broadcast_in_dim3A_5 {add = true} : memref<10000xf32, #tpu.memory_space<vmem>>[vector<16xi32>], vector<16xf32>,
      %add3A_535 = arith.constant 1 : i32
      %add3A_536 = arith.addi %add3A_501, %add3A_535 : i32
      %add3A_537 = arith.constant 1 : i32
      %add3A_538 = arith.addi %add3A_536, %add3A_537 : i32
      %mul3A_539 = arith.constant 80 : i32
      %mul3A_540 = arith.muli %add3A_538, %mul3A_539 : i32
      %add3A_541 = arith.addi %mul3A_2, %mul3A_540 : i32
      %dma_start3A_542 = tpu.memref_slice %arg3[%add3A_541] : memref<320000xi32, #tpu.memory_space<hbm>> -> memref<80xi32, #tpu.memory_space<hbm>>
      %dma_start3A_543 = tpu.memref_slice %arg3[%add3A_541] : memref<320000xi32, #tpu.memory_space<hbm>> -> memref<80xi32, #tpu.memory_space<hbm>>
      tpu.enqueue_dma source(%dma_start3A_543 : memref<80xi32, #tpu.memory_space<hbm>>) target(%arg10 : memref<80xi32, #tpu.memory_space<vmem>>) target_semaphore(%arg26 : memref<!tpu.dma_semaphore, #tpu.memory_space<semaphore_mem>>)
      %mul3A_544 = arith.constant 80 : i32
      %mul3A_545 = arith.muli %add3A_538, %mul3A_544 : i32
      %add3A_546 = arith.addi %mul3A_2, %mul3A_545 : i32
      %dma_start3A_547 = tpu.memref_slice %arg4[%add3A_546] : memref<320000xi32, #tpu.memory_space<hbm>> -> memref<80xi32, #tpu.memory_space<hbm>>
      %dma_start3A_548 = tpu.memref_slice %arg4[%add3A_546] : memref<320000xi32, #tpu.memory_space<hbm>> -> memref<80xi32, #tpu.memory_space<hbm>>
      tpu.enqueue_dma source(%dma_start3A_548 : memref<80xi32, #tpu.memory_space<hbm>>) target(%arg14 : memref<80xi32, #tpu.memory_space<vmem>>) target_semaphore(%arg26 : memref<!tpu.dma_semaphore, #tpu.memory_space<semaphore_mem>>)
      %add3A_549 = arith.constant 4 : i32
      %add3A_550 = arith.addi %add3A_352, %add3A_549 : i32
      %dma_wait3A_551 = arith.constant 0 : i32
      %dma_wait3A_552 = arith.constant 0 : i32
      %dma_wait3A_553 = tpu.memref_slice %arg19[%dma_wait3A_551, %dma_wait3A_552] : memref<10240x128xf32, #tpu.memory_space<vmem_shared>> -> memref<80x128xf32, #tpu.memory_space<vmem_shared>>
      %dma_wait3A_554 = arith.constant 0 : i32
      %dma_wait3A_555 = arith.constant 0 : i32
      %dma_wait3A_556 = tpu.memref_slice %arg19[%dma_wait3A_554, %dma_wait3A_555] : memref<10240x128xf32, #tpu.memory_space<vmem_shared>> -> memref<80x128xf32, #tpu.memory_space<vmem_shared>>
      tpu.wait_dma2 semaphore(%arg28 : memref<!tpu.dma_semaphore, #tpu.memory_space<semaphore_mem>>) src(%arg16 : memref<80x128xf32, #tpu.memory_space<vmem>>) dst(%dma_wait3A_556 : memref<80x128xf32, #tpu.memory_space<vmem_shared>>)
      %dma_wait3A_557 = arith.constant 0 : i32
      %dma_wait3A_558 = tpu.memref_slice %arg3[%dma_wait3A_557] : memref<320000xi32, #tpu.memory_space<hbm>> -> memref<80xi32, #tpu.memory_space<hbm>>
      %dma_wait3A_559 = arith.constant 0 : i32
      %dma_wait3A_560 = tpu.memref_slice %arg3[%dma_wait3A_559] : memref<320000xi32, #tpu.memory_space<hbm>> -> memref<80xi32, #tpu.memory_space<hbm>>
      tpu.wait_dma2 semaphore(%arg26 : memref<!tpu.dma_semaphore, #tpu.memory_space<semaphore_mem>>) src(%dma_wait3A_560 : memref<80xi32, #tpu.memory_space<hbm>>) dst(%arg10 : memref<80xi32, #tpu.memory_space<vmem>>)
      %dma_wait3A_561 = arith.constant 0 : i32
      %dma_wait3A_562 = tpu.memref_slice %arg4[%dma_wait3A_561] : memref<320000xi32, #tpu.memory_space<hbm>> -> memref<80xi32, #tpu.memory_space<hbm>>
      %dma_wait3A_563 = arith.constant 0 : i32
      %dma_wait3A_564 = tpu.memref_slice %arg4[%dma_wait3A_563] : memref<320000xi32, #tpu.memory_space<hbm>> -> memref<80xi32, #tpu.memory_space<hbm>>
      tpu.wait_dma2 semaphore(%arg26 : memref<!tpu.dma_semaphore, #tpu.memory_space<semaphore_mem>>) src(%dma_wait3A_564 : memref<80xi32, #tpu.memory_space<hbm>>) dst(%arg14 : memref<80xi32, #tpu.memory_space<vmem>>)
      %dma_start3A_565 = arith.constant 0 : i32
      %dma_start3A_566 = arith.constant 0 : i32
      %dma_start3A_567 = tpu.memref_slice %arg2[%dma_start3A_565, %dma_start3A_566] : memref<10000x128xf32, #tpu.memory_space<hbm>> -> memref<10000x128xf32, #tpu.memory_space<hbm>>
      tpu.enqueue_indirect_dma source(%dma_start3A_567 : memref<10000x128xf32, #tpu.memory_space<hbm>>) target(%arg16 : memref<80x128xf32, #tpu.memory_space<vmem>>) offsets(%arg10 : memref<80xi32, #tpu.memory_space<vmem>>) semaphore(%arg21 : memref<!tpu.dma_semaphore, #tpu.memory_space<semaphore_mem>>)
      %dma_wait3A_568 = arith.constant 0 : i32
      %dma_wait3A_569 = arith.constant 0 : i32
      %dma_wait3A_570 = tpu.memref_slice %arg2[%dma_wait3A_568, %dma_wait3A_569] : memref<10000x128xf32, #tpu.memory_space<hbm>> -> memref<10000x128xf32, #tpu.memory_space<hbm>>
      tpu.wait_indirect_dma semaphore(%arg20 : memref<!tpu.dma_semaphore, #tpu.memory_space<semaphore_mem>>) src(%dma_wait3A_570 : memref<10000x128xf32, #tpu.memory_space<hbm>>) dst(%arg15 : memref<80x128xf32, #tpu.memory_space<vmem>>)
      %dma_start3A_571 = arith.constant 0 : i32
      %dma_start3A_572 = arith.constant 0 : i32
      %dma_start3A_573 = tpu.memref_slice %arg19[%dma_start3A_571, %dma_start3A_572] : memref<10240x128xf32, #tpu.memory_space<vmem_shared>> -> memref<10240x128xf32, #tpu.memory_space<vmem_shared>>
      tpu.enqueue_indirect_dma source(%arg15 : memref<80x128xf32, #tpu.memory_space<vmem>>) target(%dma_start3A_573 : memref<10240x128xf32, #tpu.memory_space<vmem_shared>>) offsets(%arg13 : memref<80xi32, #tpu.memory_space<vmem>>) semaphore(%arg27 : memref<!tpu.dma_semaphore, #tpu.memory_space<semaphore_mem>>) {add = true}
      %get3A_574 = arith.constant 0 : index
      %get3A_575 = tpu.vector_load %arg13[%get3A_574] {strides = array<i32>} : memref<80xi32, #tpu.memory_space<vmem>>, vector<16xi32>,
      tpu.vector_store_idx %arg18[%get3A_575], %broadcast_in_dim3A_5 {add = true} : memref<10000xf32, #tpu.memory_space<vmem>>[vector<16xi32>], vector<16xf32>,
      %get3A_576 = arith.constant 16 : index
      %get3A_577 = tpu.vector_load %arg13[%get3A_576] {strides = array<i32>} : memref<80xi32, #tpu.memory_space<vmem>>, vector<16xi32>,
      tpu.vector_store_idx %arg18[%get3A_577], %broadcast_in_dim3A_5 {add = true} : memref<10000xf32, #tpu.memory_space<vmem>>[vector<16xi32>], vector<16xf32>,
      %get3A_578 = arith.constant 32 : index
      %get3A_579 = tpu.vector_load %arg13[%get3A_578] {strides = array<i32>} : memref<80xi32, #tpu.memory_space<vmem>>, vector<16xi32>,
      tpu.vector_store_idx %arg18[%get3A_579], %broadcast_in_dim3A_5 {add = true} : memref<10000xf32, #tpu.memory_space<vmem>>[vector<16xi32>], vector<16xf32>,
      %get3A_580 = arith.constant 48 : index
      %get3A_581 = tpu.vector_load %arg13[%get3A_580] {strides = array<i32>} : memref<80xi32, #tpu.memory_space<vmem>>, vector<16xi32>,
      tpu.vector_store_idx %arg18[%get3A_581], %broadcast_in_dim3A_5 {add = true} : memref<10000xf32, #tpu.memory_space<vmem>>[vector<16xi32>], vector<16xf32>,
      %get3A_582 = arith.constant 64 : index
      %get3A_583 = tpu.vector_load %arg13[%get3A_582] {strides = array<i32>} : memref<80xi32, #tpu.memory_space<vmem>>, vector<16xi32>,
      tpu.vector_store_idx %arg18[%get3A_583], %broadcast_in_dim3A_5 {add = true} : memref<10000xf32, #tpu.memory_space<vmem>>[vector<16xi32>], vector<16xf32>,
      %add3A_584 = arith.constant 1 : i32
      %add3A_585 = arith.addi %add3A_550, %add3A_584 : i32
      %add3A_586 = arith.constant 1 : i32
      %add3A_587 = arith.addi %add3A_585, %add3A_586 : i32
      %mul3A_588 = arith.constant 80 : i32
      %mul3A_589 = arith.muli %add3A_587, %mul3A_588 : i32
      %add3A_590 = arith.addi %mul3A_2, %mul3A_589 : i32
      %dma_start3A_591 = tpu.memref_slice %arg3[%add3A_590] : memref<320000xi32, #tpu.memory_space<hbm>> -> memref<80xi32, #tpu.memory_space<hbm>>
      %dma_start3A_592 = tpu.memref_slice %arg3[%add3A_590] : memref<320000xi32, #tpu.memory_space<hbm>> -> memref<80xi32, #tpu.memory_space<hbm>>
      tpu.enqueue_dma source(%dma_start3A_592 : memref<80xi32, #tpu.memory_space<hbm>>) target(%arg7 : memref<80xi32, #tpu.memory_space<vmem>>) target_semaphore(%arg23 : memref<!tpu.dma_semaphore, #tpu.memory_space<semaphore_mem>>)
      %mul3A_593 = arith.constant 80 : i32
      %mul3A_594 = arith.muli %add3A_587, %mul3A_593 : i32
      %add3A_595 = arith.addi %mul3A_2, %mul3A_594 : i32
      %dma_start3A_596 = tpu.memref_slice %arg4[%add3A_595] : memref<320000xi32, #tpu.memory_space<hbm>> -> memref<80xi32, #tpu.memory_space<hbm>>
      %dma_start3A_597 = tpu.memref_slice %arg4[%add3A_595] : memref<320000xi32, #tpu.memory_space<hbm>> -> memref<80xi32, #tpu.memory_space<hbm>>
      tpu.enqueue_dma source(%dma_start3A_597 : memref<80xi32, #tpu.memory_space<hbm>>) target(%arg11 : memref<80xi32, #tpu.memory_space<vmem>>) target_semaphore(%arg23 : memref<!tpu.dma_semaphore, #tpu.memory_space<semaphore_mem>>)
      %add3A_598 = arith.constant 5 : i32
      %add3A_599 = arith.addi %add3A_352, %add3A_598 : i32
      %dma_wait3A_600 = arith.constant 0 : i32
      %dma_wait3A_601 = arith.constant 0 : i32
      %dma_wait3A_602 = tpu.memref_slice %arg19[%dma_wait3A_600, %dma_wait3A_601] : memref<10240x128xf32, #tpu.memory_space<vmem_shared>> -> memref<80x128xf32, #tpu.memory_space<vmem_shared>>
      %dma_wait3A_603 = arith.constant 0 : i32
      %dma_wait3A_604 = arith.constant 0 : i32
      %dma_wait3A_605 = tpu.memref_slice %arg19[%dma_wait3A_603, %dma_wait3A_604] : memref<10240x128xf32, #tpu.memory_space<vmem_shared>> -> memref<80x128xf32, #tpu.memory_space<vmem_shared>>
      tpu.wait_dma2 semaphore(%arg29 : memref<!tpu.dma_semaphore, #tpu.memory_space<semaphore_mem>>) src(%arg17 : memref<80x128xf32, #tpu.memory_space<vmem>>) dst(%dma_wait3A_605 : memref<80x128xf32, #tpu.memory_space<vmem_shared>>)
      %dma_wait3A_606 = arith.constant 0 : i32
      %dma_wait3A_607 = tpu.memref_slice %arg3[%dma_wait3A_606] : memref<320000xi32, #tpu.memory_space<hbm>> -> memref<80xi32, #tpu.memory_space<hbm>>
      %dma_wait3A_608 = arith.constant 0 : i32
      %dma_wait3A_609 = tpu.memref_slice %arg3[%dma_wait3A_608] : memref<320000xi32, #tpu.memory_space<hbm>> -> memref<80xi32, #tpu.memory_space<hbm>>
      tpu.wait_dma2 semaphore(%arg23 : memref<!tpu.dma_semaphore, #tpu.memory_space<semaphore_mem>>) src(%dma_wait3A_609 : memref<80xi32, #tpu.memory_space<hbm>>) dst(%arg7 : memref<80xi32, #tpu.memory_space<vmem>>)
      %dma_wait3A_610 = arith.constant 0 : i32
      %dma_wait3A_611 = tpu.memref_slice %arg4[%dma_wait3A_610] : memref<320000xi32, #tpu.memory_space<hbm>> -> memref<80xi32, #tpu.memory_space<hbm>>
      %dma_wait3A_612 = arith.constant 0 : i32
      %dma_wait3A_613 = tpu.memref_slice %arg4[%dma_wait3A_612] : memref<320000xi32, #tpu.memory_space<hbm>> -> memref<80xi32, #tpu.memory_space<hbm>>
      tpu.wait_dma2 semaphore(%arg23 : memref<!tpu.dma_semaphore, #tpu.memory_space<semaphore_mem>>) src(%dma_wait3A_613 : memref<80xi32, #tpu.memory_space<hbm>>) dst(%arg11 : memref<80xi32, #tpu.memory_space<vmem>>)
      %dma_start3A_614 = arith.constant 0 : i32
      %dma_start3A_615 = arith.constant 0 : i32
      %dma_start3A_616 = tpu.memref_slice %arg2[%dma_start3A_614, %dma_start3A_615] : memref<10000x128xf32, #tpu.memory_space<hbm>> -> memref<10000x128xf32, #tpu.memory_space<hbm>>
      tpu.enqueue_indirect_dma source(%dma_start3A_616 : memref<10000x128xf32, #tpu.memory_space<hbm>>) target(%arg17 : memref<80x128xf32, #tpu.memory_space<vmem>>) offsets(%arg7 : memref<80xi32, #tpu.memory_space<vmem>>) semaphore(%arg22 : memref<!tpu.dma_semaphore, #tpu.memory_space<semaphore_mem>>)
      %dma_wait3A_617 = arith.constant 0 : i32
      %dma_wait3A_618 = arith.constant 0 : i32
      %dma_wait3A_619 = tpu.memref_slice %arg2[%dma_wait3A_617, %dma_wait3A_618] : memref<10000x128xf32, #tpu.memory_space<hbm>> -> memref<10000x128xf32, #tpu.memory_space<hbm>>
      tpu.wait_indirect_dma semaphore(%arg21 : memref<!tpu.dma_semaphore, #tpu.memory_space<semaphore_mem>>) src(%dma_wait3A_619 : memref<10000x128xf32, #tpu.memory_space<hbm>>) dst(%arg16 : memref<80x128xf32, #tpu.memory_space<vmem>>)
      %dma_start3A_620 = arith.constant 0 : i32
      %dma_start3A_621 = arith.constant 0 : i32
      %dma_start3A_622 = tpu.memref_slice %arg19[%dma_start3A_620, %dma_start3A_621] : memref<10240x128xf32, #tpu.memory_space<vmem_shared>> -> memref<10240x128xf32, #tpu.memory_space<vmem_shared>>
      tpu.enqueue_indirect_dma source(%arg16 : memref<80x128xf32, #tpu.memory_space<vmem>>) target(%dma_start3A_622 : memref<10240x128xf32, #tpu.memory_space<vmem_shared>>) offsets(%arg14 : memref<80xi32, #tpu.memory_space<vmem>>) semaphore(%arg28 : memref<!tpu.dma_semaphore, #tpu.memory_space<semaphore_mem>>) {add = true}
      %get3A_623 = arith.constant 0 : index
      %get3A_624 = tpu.vector_load %arg14[%get3A_623] {strides = array<i32>} : memref<80xi32, #tpu.memory_space<vmem>>, vector<16xi32>,
      tpu.vector_store_idx %arg18[%get3A_624], %broadcast_in_dim3A_5 {add = true} : memref<10000xf32, #tpu.memory_space<vmem>>[vector<16xi32>], vector<16xf32>,
      %get3A_625 = arith.constant 16 : index
      %get3A_626 = tpu.vector_load %arg14[%get3A_625] {strides = array<i32>} : memref<80xi32, #tpu.memory_space<vmem>>, vector<16xi32>,
      tpu.vector_store_idx %arg18[%get3A_626], %broadcast_in_dim3A_5 {add = true} : memref<10000xf32, #tpu.memory_space<vmem>>[vector<16xi32>], vector<16xf32>,
      %get3A_627 = arith.constant 32 : index
      %get3A_628 = tpu.vector_load %arg14[%get3A_627] {strides = array<i32>} : memref<80xi32, #tpu.memory_space<vmem>>, vector<16xi32>,
      tpu.vector_store_idx %arg18[%get3A_628], %broadcast_in_dim3A_5 {add = true} : memref<10000xf32, #tpu.memory_space<vmem>>[vector<16xi32>], vector<16xf32>,
      %get3A_629 = arith.constant 48 : index
      %get3A_630 = tpu.vector_load %arg14[%get3A_629] {strides = array<i32>} : memref<80xi32, #tpu.memory_space<vmem>>, vector<16xi32>,
      tpu.vector_store_idx %arg18[%get3A_630], %broadcast_in_dim3A_5 {add = true} : memref<10000xf32, #tpu.memory_space<vmem>>[vector<16xi32>], vector<16xf32>,
      %get3A_631 = arith.constant 64 : index
      %get3A_632 = tpu.vector_load %arg14[%get3A_631] {strides = array<i32>} : memref<80xi32, #tpu.memory_space<vmem>>, vector<16xi32>,
      tpu.vector_store_idx %arg18[%get3A_632], %broadcast_in_dim3A_5 {add = true} : memref<10000xf32, #tpu.memory_space<vmem>>[vector<16xi32>], vector<16xf32>,
      %add3A_633 = arith.constant 1 : i32
      %add3A_634 = arith.addi %add3A_599, %add3A_633 : i32
      %add3A_635 = arith.constant 1 : i32
      %add3A_636 = arith.addi %add3A_634, %add3A_635 : i32
      %mul3A_637 = arith.constant 80 : i32
      %mul3A_638 = arith.muli %add3A_636, %mul3A_637 : i32
      %add3A_639 = arith.addi %mul3A_2, %mul3A_638 : i32
      %dma_start3A_640 = tpu.memref_slice %arg3[%add3A_639] : memref<320000xi32, #tpu.memory_space<hbm>> -> memref<80xi32, #tpu.memory_space<hbm>>
      %dma_start3A_641 = tpu.memref_slice %arg3[%add3A_639] : memref<320000xi32, #tpu.memory_space<hbm>> -> memref<80xi32, #tpu.memory_space<hbm>>
      tpu.enqueue_dma source(%dma_start3A_641 : memref<80xi32, #tpu.memory_space<hbm>>) target(%arg8 : memref<80xi32, #tpu.memory_space<vmem>>) target_semaphore(%arg24 : memref<!tpu.dma_semaphore, #tpu.memory_space<semaphore_mem>>)
      %mul3A_642 = arith.constant 80 : i32
      %mul3A_643 = arith.muli %add3A_636, %mul3A_642 : i32
      %add3A_644 = arith.addi %mul3A_2, %mul3A_643 : i32
      %dma_start3A_645 = tpu.memref_slice %arg4[%add3A_644] : memref<320000xi32, #tpu.memory_space<hbm>> -> memref<80xi32, #tpu.memory_space<hbm>>
      %dma_start3A_646 = tpu.memref_slice %arg4[%add3A_644] : memref<320000xi32, #tpu.memory_space<hbm>> -> memref<80xi32, #tpu.memory_space<hbm>>
      tpu.enqueue_dma source(%dma_start3A_646 : memref<80xi32, #tpu.memory_space<hbm>>) target(%arg12 : memref<80xi32, #tpu.memory_space<vmem>>) target_semaphore(%arg24 : memref<!tpu.dma_semaphore, #tpu.memory_space<semaphore_mem>>)
      %add3A_647 = arith.constant 6 : i32
      %add3A_648 = arith.addi %add3A_352, %add3A_647 : i32
      %dma_wait3A_649 = arith.constant 0 : i32
      %dma_wait3A_650 = arith.constant 0 : i32
      %dma_wait3A_651 = tpu.memref_slice %arg19[%dma_wait3A_649, %dma_wait3A_650] : memref<10240x128xf32, #tpu.memory_space<vmem_shared>> -> memref<80x128xf32, #tpu.memory_space<vmem_shared>>
      %dma_wait3A_652 = arith.constant 0 : i32
      %dma_wait3A_653 = arith.constant 0 : i32
      %dma_wait3A_654 = tpu.memref_slice %arg19[%dma_wait3A_652, %dma_wait3A_653] : memref<10240x128xf32, #tpu.memory_space<vmem_shared>> -> memref<80x128xf32, #tpu.memory_space<vmem_shared>>
      tpu.wait_dma2 semaphore(%arg27 : memref<!tpu.dma_semaphore, #tpu.memory_space<semaphore_mem>>) src(%arg15 : memref<80x128xf32, #tpu.memory_space<vmem>>) dst(%dma_wait3A_654 : memref<80x128xf32, #tpu.memory_space<vmem_shared>>)
      %dma_wait3A_655 = arith.constant 0 : i32
      %dma_wait3A_656 = tpu.memref_slice %arg3[%dma_wait3A_655] : memref<320000xi32, #tpu.memory_space<hbm>> -> memref<80xi32, #tpu.memory_space<hbm>>
      %dma_wait3A_657 = arith.constant 0 : i32
      %dma_wait3A_658 = tpu.memref_slice %arg3[%dma_wait3A_657] : memref<320000xi32, #tpu.memory_space<hbm>> -> memref<80xi32, #tpu.memory_space<hbm>>
      tpu.wait_dma2 semaphore(%arg24 : memref<!tpu.dma_semaphore, #tpu.memory_space<semaphore_mem>>) src(%dma_wait3A_658 : memref<80xi32, #tpu.memory_space<hbm>>) dst(%arg8 : memref<80xi32, #tpu.memory_space<vmem>>)
      %dma_wait3A_659 = arith.constant 0 : i32
      %dma_wait3A_660 = tpu.memref_slice %arg4[%dma_wait3A_659] : memref<320000xi32, #tpu.memory_space<hbm>> -> memref<80xi32, #tpu.memory_space<hbm>>
      %dma_wait3A_661 = arith.constant 0 : i32
      %dma_wait3A_662 = tpu.memref_slice %arg4[%dma_wait3A_661] : memref<320000xi32, #tpu.memory_space<hbm>> -> memref<80xi32, #tpu.memory_space<hbm>>
      tpu.wait_dma2 semaphore(%arg24 : memref<!tpu.dma_semaphore, #tpu.memory_space<semaphore_mem>>) src(%dma_wait3A_662 : memref<80xi32, #tpu.memory_space<hbm>>) dst(%arg12 : memref<80xi32, #tpu.memory_space<vmem>>)
      %dma_start3A_663 = arith.constant 0 : i32
      %dma_start3A_664 = arith.constant 0 : i32
      %dma_start3A_665 = tpu.memref_slice %arg2[%dma_start3A_663, %dma_start3A_664] : memref<10000x128xf32, #tpu.memory_space<hbm>> -> memref<10000x128xf32, #tpu.memory_space<hbm>>
      tpu.enqueue_indirect_dma source(%dma_start3A_665 : memref<10000x128xf32, #tpu.memory_space<hbm>>) target(%arg15 : memref<80x128xf32, #tpu.memory_space<vmem>>) offsets(%arg8 : memref<80xi32, #tpu.memory_space<vmem>>) semaphore(%arg20 : memref<!tpu.dma_semaphore, #tpu.memory_space<semaphore_mem>>)
      %dma_wait3A_666 = arith.constant 0 : i32
      %dma_wait3A_667 = arith.constant 0 : i32
      %dma_wait3A_668 = tpu.memref_slice %arg2[%dma_wait3A_666, %dma_wait3A_667] : memref<10000x128xf32, #tpu.memory_space<hbm>> -> memref<10000x128xf32, #tpu.memory_space<hbm>>
      tpu.wait_indirect_dma semaphore(%arg22 : memref<!tpu.dma_semaphore, #tpu.memory_space<semaphore_mem>>) src(%dma_wait3A_668 : memref<10000x128xf32, #tpu.memory_space<hbm>>) dst(%arg17 : memref<80x128xf32, #tpu.memory_space<vmem>>)
      %dma_start3A_669 = arith.constant 0 : i32
      %dma_start3A_670 = arith.constant 0 : i32
      %dma_start3A_671 = tpu.memref_slice %arg19[%dma_start3A_669, %dma_start3A_670] : memref<10240x128xf32, #tpu.memory_space<vmem_shared>> -> memref<10240x128xf32, #tpu.memory_space<vmem_shared>>
      tpu.enqueue_indirect_dma source(%arg17 : memref<80x128xf32, #tpu.memory_space<vmem>>) target(%dma_start3A_671 : memref<10240x128xf32, #tpu.memory_space<vmem_shared>>) offsets(%arg11 : memref<80xi32, #tpu.memory_space<vmem>>) semaphore(%arg29 : memref<!tpu.dma_semaphore, #tpu.memory_space<semaphore_mem>>) {add = true}
      %get3A_672 = arith.constant 0 : index
      %get3A_673 = tpu.vector_load %arg11[%get3A_672] {strides = array<i32>} : memref<80xi32, #tpu.memory_space<vmem>>, vector<16xi32>,
      tpu.vector_store_idx %arg18[%get3A_673], %broadcast_in_dim3A_5 {add = true} : memref<10000xf32, #tpu.memory_space<vmem>>[vector<16xi32>], vector<16xf32>,
      %get3A_674 = arith.constant 16 : index
      %get3A_675 = tpu.vector_load %arg11[%get3A_674] {strides = array<i32>} : memref<80xi32, #tpu.memory_space<vmem>>, vector<16xi32>,
      tpu.vector_store_idx %arg18[%get3A_675], %broadcast_in_dim3A_5 {add = true} : memref<10000xf32, #tpu.memory_space<vmem>>[vector<16xi32>], vector<16xf32>,
      %get3A_676 = arith.constant 32 : index
      %get3A_677 = tpu.vector_load %arg11[%get3A_676] {strides = array<i32>} : memref<80xi32, #tpu.memory_space<vmem>>, vector<16xi32>,
      tpu.vector_store_idx %arg18[%get3A_677], %broadcast_in_dim3A_5 {add = true} : memref<10000xf32, #tpu.memory_space<vmem>>[vector<16xi32>], vector<16xf32>,
      %get3A_678 = arith.constant 48 : index
      %get3A_679 = tpu.vector_load %arg11[%get3A_678] {strides = array<i32>} : memref<80xi32, #tpu.memory_space<vmem>>, vector<16xi32>,
      tpu.vector_store_idx %arg18[%get3A_679], %broadcast_in_dim3A_5 {add = true} : memref<10000xf32, #tpu.memory_space<vmem>>[vector<16xi32>], vector<16xf32>,
      %get3A_680 = arith.constant 64 : index
      %get3A_681 = tpu.vector_load %arg11[%get3A_680] {strides = array<i32>} : memref<80xi32, #tpu.memory_space<vmem>>, vector<16xi32>,
      tpu.vector_store_idx %arg18[%get3A_681], %broadcast_in_dim3A_5 {add = true} : memref<10000xf32, #tpu.memory_space<vmem>>[vector<16xi32>], vector<16xf32>,
      %add3A_682 = arith.constant 1 : i32
      %add3A_683 = arith.addi %add3A_648, %add3A_682 : i32
      %add3A_684 = arith.constant 1 : i32
      %add3A_685 = arith.addi %add3A_683, %add3A_684 : i32
      %mul3A_686 = arith.constant 80 : i32
      %mul3A_687 = arith.muli %add3A_685, %mul3A_686 : i32
      %add3A_688 = arith.addi %mul3A_2, %mul3A_687 : i32
      %dma_start3A_689 = tpu.memref_slice %arg3[%add3A_688] : memref<320000xi32, #tpu.memory_space<hbm>> -> memref<80xi32, #tpu.memory_space<hbm>>
      %dma_start3A_690 = tpu.memref_slice %arg3[%add3A_688] : memref<320000xi32, #tpu.memory_space<hbm>> -> memref<80xi32, #tpu.memory_space<hbm>>
      tpu.enqueue_dma source(%dma_start3A_690 : memref<80xi32, #tpu.memory_space<hbm>>) target(%arg9 : memref<80xi32, #tpu.memory_space<vmem>>) target_semaphore(%arg25 : memref<!tpu.dma_semaphore, #tpu.memory_space<semaphore_mem>>)
      %mul3A_691 = arith.constant 80 : i32
      %mul3A_692 = arith.muli %add3A_685, %mul3A_691 : i32
      %add3A_693 = arith.addi %mul3A_2, %mul3A_692 : i32
      %dma_start3A_694 = tpu.memref_slice %arg4[%add3A_693] : memref<320000xi32, #tpu.memory_space<hbm>> -> memref<80xi32, #tpu.memory_space<hbm>>
      %dma_start3A_695 = tpu.memref_slice %arg4[%add3A_693] : memref<320000xi32, #tpu.memory_space<hbm>> -> memref<80xi32, #tpu.memory_space<hbm>>
      tpu.enqueue_dma source(%dma_start3A_695 : memref<80xi32, #tpu.memory_space<hbm>>) target(%arg13 : memref<80xi32, #tpu.memory_space<vmem>>) target_semaphore(%arg25 : memref<!tpu.dma_semaphore, #tpu.memory_space<semaphore_mem>>)
      %add3A_696 = arith.constant 7 : i32
      %add3A_697 = arith.addi %add3A_352, %add3A_696 : i32
      %dma_wait3A_698 = arith.constant 0 : i32
      %dma_wait3A_699 = arith.constant 0 : i32
      %dma_wait3A_700 = tpu.memref_slice %arg19[%dma_wait3A_698, %dma_wait3A_699] : memref<10240x128xf32, #tpu.memory_space<vmem_shared>> -> memref<80x128xf32, #tpu.memory_space<vmem_shared>>
      %dma_wait3A_701 = arith.constant 0 : i32
      %dma_wait3A_702 = arith.constant 0 : i32
      %dma_wait3A_703 = tpu.memref_slice %arg19[%dma_wait3A_701, %dma_wait3A_702] : memref<10240x128xf32, #tpu.memory_space<vmem_shared>> -> memref<80x128xf32, #tpu.memory_space<vmem_shared>>
      tpu.wait_dma2 semaphore(%arg28 : memref<!tpu.dma_semaphore, #tpu.memory_space<semaphore_mem>>) src(%arg16 : memref<80x128xf32, #tpu.memory_space<vmem>>) dst(%dma_wait3A_703 : memref<80x128xf32, #tpu.memory_space<vmem_shared>>)
      %dma_wait3A_704 = arith.constant 0 : i32
      %dma_wait3A_705 = tpu.memref_slice %arg3[%dma_wait3A_704] : memref<320000xi32, #tpu.memory_space<hbm>> -> memref<80xi32, #tpu.memory_space<hbm>>
      %dma_wait3A_706 = arith.constant 0 : i32
      %dma_wait3A_707 = tpu.memref_slice %arg3[%dma_wait3A_706] : memref<320000xi32, #tpu.memory_space<hbm>> -> memref<80xi32, #tpu.memory_space<hbm>>
      tpu.wait_dma2 semaphore(%arg25 : memref<!tpu.dma_semaphore, #tpu.memory_space<semaphore_mem>>) src(%dma_wait3A_707 : memref<80xi32, #tpu.memory_space<hbm>>) dst(%arg9 : memref<80xi32, #tpu.memory_space<vmem>>)
      %dma_wait3A_708 = arith.constant 0 : i32
      %dma_wait3A_709 = tpu.memref_slice %arg4[%dma_wait3A_708] : memref<320000xi32, #tpu.memory_space<hbm>> -> memref<80xi32, #tpu.memory_space<hbm>>
      %dma_wait3A_710 = arith.constant 0 : i32
      %dma_wait3A_711 = tpu.memref_slice %arg4[%dma_wait3A_710] : memref<320000xi32, #tpu.memory_space<hbm>> -> memref<80xi32, #tpu.memory_space<hbm>>
      tpu.wait_dma2 semaphore(%arg25 : memref<!tpu.dma_semaphore, #tpu.memory_space<semaphore_mem>>) src(%dma_wait3A_711 : memref<80xi32, #tpu.memory_space<hbm>>) dst(%arg13 : memref<80xi32, #tpu.memory_space<vmem>>)
      %dma_start3A_712 = arith.constant 0 : i32
      %dma_start3A_713 = arith.constant 0 : i32
      %dma_start3A_714 = tpu.memref_slice %arg2[%dma_start3A_712, %dma_start3A_713] : memref<10000x128xf32, #tpu.memory_space<hbm>> -> memref<10000x128xf32, #tpu.memory_space<hbm>>
      tpu.enqueue_indirect_dma source(%dma_start3A_714 : memref<10000x128xf32, #tpu.memory_space<hbm>>) target(%arg16 : memref<80x128xf32, #tpu.memory_space<vmem>>) offsets(%arg9 : memref<80xi32, #tpu.memory_space<vmem>>) semaphore(%arg21 : memref<!tpu.dma_semaphore, #tpu.memory_space<semaphore_mem>>)
      %dma_wait3A_715 = arith.constant 0 : i32
      %dma_wait3A_716 = arith.constant 0 : i32
      %dma_wait3A_717 = tpu.memref_slice %arg2[%dma_wait3A_715, %dma_wait3A_716] : memref<10000x128xf32, #tpu.memory_space<hbm>> -> memref<10000x128xf32, #tpu.memory_space<hbm>>
      tpu.wait_indirect_dma semaphore(%arg20 : memref<!tpu.dma_semaphore, #tpu.memory_space<semaphore_mem>>) src(%dma_wait3A_717 : memref<10000x128xf32, #tpu.memory_space<hbm>>) dst(%arg15 : memref<80x128xf32, #tpu.memory_space<vmem>>)
      %dma_start3A_718 = arith.constant 0 : i32
      %dma_start3A_719 = arith.constant 0 : i32
      %dma_start3A_720 = tpu.memref_slice %arg19[%dma_start3A_718, %dma_start3A_719] : memref<10240x128xf32, #tpu.memory_space<vmem_shared>> -> memref<10240x128xf32, #tpu.memory_space<vmem_shared>>
      tpu.enqueue_indirect_dma source(%arg15 : memref<80x128xf32, #tpu.memory_space<vmem>>) target(%dma_start3A_720 : memref<10240x128xf32, #tpu.memory_space<vmem_shared>>) offsets(%arg12 : memref<80xi32, #tpu.memory_space<vmem>>) semaphore(%arg27 : memref<!tpu.dma_semaphore, #tpu.memory_space<semaphore_mem>>) {add = true}
      %get3A_721 = arith.constant 0 : index
      %get3A_722 = tpu.vector_load %arg12[%get3A_721] {strides = array<i32>} : memref<80xi32, #tpu.memory_space<vmem>>, vector<16xi32>,
      tpu.vector_store_idx %arg18[%get3A_722], %broadcast_in_dim3A_5 {add = true} : memref<10000xf32, #tpu.memory_space<vmem>>[vector<16xi32>], vector<16xf32>,
      %get3A_723 = arith.constant 16 : index
      %get3A_724 = tpu.vector_load %arg12[%get3A_723] {strides = array<i32>} : memref<80xi32, #tpu.memory_space<vmem>>, vector<16xi32>,
      tpu.vector_store_idx %arg18[%get3A_724], %broadcast_in_dim3A_5 {add = true} : memref<10000xf32, #tpu.memory_space<vmem>>[vector<16xi32>], vector<16xf32>,
      %get3A_725 = arith.constant 32 : index
      %get3A_726 = tpu.vector_load %arg12[%get3A_725] {strides = array<i32>} : memref<80xi32, #tpu.memory_space<vmem>>, vector<16xi32>,
      tpu.vector_store_idx %arg18[%get3A_726], %broadcast_in_dim3A_5 {add = true} : memref<10000xf32, #tpu.memory_space<vmem>>[vector<16xi32>], vector<16xf32>,
      %get3A_727 = arith.constant 48 : index
      %get3A_728 = tpu.vector_load %arg12[%get3A_727] {strides = array<i32>} : memref<80xi32, #tpu.memory_space<vmem>>, vector<16xi32>,
      tpu.vector_store_idx %arg18[%get3A_728], %broadcast_in_dim3A_5 {add = true} : memref<10000xf32, #tpu.memory_space<vmem>>[vector<16xi32>], vector<16xf32>,
      %get3A_729 = arith.constant 64 : index
      %get3A_730 = tpu.vector_load %arg12[%get3A_729] {strides = array<i32>} : memref<80xi32, #tpu.memory_space<vmem>>, vector<16xi32>,
      tpu.vector_store_idx %arg18[%get3A_730], %broadcast_in_dim3A_5 {add = true} : memref<10000xf32, #tpu.memory_space<vmem>>[vector<16xi32>], vector<16xf32>,
      %add3A_731 = arith.constant 1 : i32
      %add3A_732 = arith.addi %add3A_697, %add3A_731 : i32
      %add3A_733 = arith.constant 1 : i32
      %add3A_734 = arith.addi %add3A_732, %add3A_733 : i32
      %mul3A_735 = arith.constant 80 : i32
      %mul3A_736 = arith.muli %add3A_734, %mul3A_735 : i32
      %add3A_737 = arith.addi %mul3A_2, %mul3A_736 : i32
      %dma_start3A_738 = tpu.memref_slice %arg3[%add3A_737] : memref<320000xi32, #tpu.memory_space<hbm>> -> memref<80xi32, #tpu.memory_space<hbm>>
      %dma_start3A_739 = tpu.memref_slice %arg3[%add3A_737] : memref<320000xi32, #tpu.memory_space<hbm>> -> memref<80xi32, #tpu.memory_space<hbm>>
      tpu.enqueue_dma source(%dma_start3A_739 : memref<80xi32, #tpu.memory_space<hbm>>) target(%arg10 : memref<80xi32, #tpu.memory_space<vmem>>) target_semaphore(%arg26 : memref<!tpu.dma_semaphore, #tpu.memory_space<semaphore_mem>>)
      %mul3A_740 = arith.constant 80 : i32
      %mul3A_741 = arith.muli %add3A_734, %mul3A_740 : i32
      %add3A_742 = arith.addi %mul3A_2, %mul3A_741 : i32
      %dma_start3A_743 = tpu.memref_slice %arg4[%add3A_742] : memref<320000xi32, #tpu.memory_space<hbm>> -> memref<80xi32, #tpu.memory_space<hbm>>
      %dma_start3A_744 = tpu.memref_slice %arg4[%add3A_742] : memref<320000xi32, #tpu.memory_space<hbm>> -> memref<80xi32, #tpu.memory_space<hbm>>
      tpu.enqueue_dma source(%dma_start3A_744 : memref<80xi32, #tpu.memory_space<hbm>>) target(%arg14 : memref<80xi32, #tpu.memory_space<vmem>>) target_semaphore(%arg26 : memref<!tpu.dma_semaphore, #tpu.memory_space<semaphore_mem>>)
      %add3A_745 = arith.constant 8 : i32
      %add3A_746 = arith.addi %add3A_352, %add3A_745 : i32
      %dma_wait3A_747 = arith.constant 0 : i32
      %dma_wait3A_748 = arith.constant 0 : i32
      %dma_wait3A_749 = tpu.memref_slice %arg19[%dma_wait3A_747, %dma_wait3A_748] : memref<10240x128xf32, #tpu.memory_space<vmem_shared>> -> memref<80x128xf32, #tpu.memory_space<vmem_shared>>
      %dma_wait3A_750 = arith.constant 0 : i32
      %dma_wait3A_751 = arith.constant 0 : i32
      %dma_wait3A_752 = tpu.memref_slice %arg19[%dma_wait3A_750, %dma_wait3A_751] : memref<10240x128xf32, #tpu.memory_space<vmem_shared>> -> memref<80x128xf32, #tpu.memory_space<vmem_shared>>
      tpu.wait_dma2 semaphore(%arg29 : memref<!tpu.dma_semaphore, #tpu.memory_space<semaphore_mem>>) src(%arg17 : memref<80x128xf32, #tpu.memory_space<vmem>>) dst(%dma_wait3A_752 : memref<80x128xf32, #tpu.memory_space<vmem_shared>>)
      %dma_wait3A_753 = arith.constant 0 : i32
      %dma_wait3A_754 = tpu.memref_slice %arg3[%dma_wait3A_753] : memref<320000xi32, #tpu.memory_space<hbm>> -> memref<80xi32, #tpu.memory_space<hbm>>
      %dma_wait3A_755 = arith.constant 0 : i32
      %dma_wait3A_756 = tpu.memref_slice %arg3[%dma_wait3A_755] : memref<320000xi32, #tpu.memory_space<hbm>> -> memref<80xi32, #tpu.memory_space<hbm>>
      tpu.wait_dma2 semaphore(%arg26 : memref<!tpu.dma_semaphore, #tpu.memory_space<semaphore_mem>>) src(%dma_wait3A_756 : memref<80xi32, #tpu.memory_space<hbm>>) dst(%arg10 : memref<80xi32, #tpu.memory_space<vmem>>)
      %dma_wait3A_757 = arith.constant 0 : i32
      %dma_wait3A_758 = tpu.memref_slice %arg4[%dma_wait3A_757] : memref<320000xi32, #tpu.memory_space<hbm>> -> memref<80xi32, #tpu.memory_space<hbm>>
      %dma_wait3A_759 = arith.constant 0 : i32
      %dma_wait3A_760 = tpu.memref_slice %arg4[%dma_wait3A_759] : memref<320000xi32, #tpu.memory_space<hbm>> -> memref<80xi32, #tpu.memory_space<hbm>>
      tpu.wait_dma2 semaphore(%arg26 : memref<!tpu.dma_semaphore, #tpu.memory_space<semaphore_mem>>) src(%dma_wait3A_760 : memref<80xi32, #tpu.memory_space<hbm>>) dst(%arg14 : memref<80xi32, #tpu.memory_space<vmem>>)
      %dma_start3A_761 = arith.constant 0 : i32
      %dma_start3A_762 = arith.constant 0 : i32
      %dma_start3A_763 = tpu.memref_slice %arg2[%dma_start3A_761, %dma_start3A_762] : memref<10000x128xf32, #tpu.memory_space<hbm>> -> memref<10000x128xf32, #tpu.memory_space<hbm>>
      tpu.enqueue_indirect_dma source(%dma_start3A_763 : memref<10000x128xf32, #tpu.memory_space<hbm>>) target(%arg17 : memref<80x128xf32, #tpu.memory_space<vmem>>) offsets(%arg10 : memref<80xi32, #tpu.memory_space<vmem>>) semaphore(%arg22 : memref<!tpu.dma_semaphore, #tpu.memory_space<semaphore_mem>>)
      %dma_wait3A_764 = arith.constant 0 : i32
      %dma_wait3A_765 = arith.constant 0 : i32
      %dma_wait3A_766 = tpu.memref_slice %arg2[%dma_wait3A_764, %dma_wait3A_765] : memref<10000x128xf32, #tpu.memory_space<hbm>> -> memref<10000x128xf32, #tpu.memory_space<hbm>>
      tpu.wait_indirect_dma semaphore(%arg21 : memref<!tpu.dma_semaphore, #tpu.memory_space<semaphore_mem>>) src(%dma_wait3A_766 : memref<10000x128xf32, #tpu.memory_space<hbm>>) dst(%arg16 : memref<80x128xf32, #tpu.memory_space<vmem>>)
      %dma_start3A_767 = arith.constant 0 : i32
      %dma_start3A_768 = arith.constant 0 : i32
      %dma_start3A_769 = tpu.memref_slice %arg19[%dma_start3A_767, %dma_start3A_768] : memref<10240x128xf32, #tpu.memory_space<vmem_shared>> -> memref<10240x128xf32, #tpu.memory_space<vmem_shared>>
      tpu.enqueue_indirect_dma source(%arg16 : memref<80x128xf32, #tpu.memory_space<vmem>>) target(%dma_start3A_769 : memref<10240x128xf32, #tpu.memory_space<vmem_shared>>) offsets(%arg13 : memref<80xi32, #tpu.memory_space<vmem>>) semaphore(%arg28 : memref<!tpu.dma_semaphore, #tpu.memory_space<semaphore_mem>>) {add = true}
      %get3A_770 = arith.constant 0 : index
      %get3A_771 = tpu.vector_load %arg13[%get3A_770] {strides = array<i32>} : memref<80xi32, #tpu.memory_space<vmem>>, vector<16xi32>,
      tpu.vector_store_idx %arg18[%get3A_771], %broadcast_in_dim3A_5 {add = true} : memref<10000xf32, #tpu.memory_space<vmem>>[vector<16xi32>], vector<16xf32>,
      %get3A_772 = arith.constant 16 : index
      %get3A_773 = tpu.vector_load %arg13[%get3A_772] {strides = array<i32>} : memref<80xi32, #tpu.memory_space<vmem>>, vector<16xi32>,
      tpu.vector_store_idx %arg18[%get3A_773], %broadcast_in_dim3A_5 {add = true} : memref<10000xf32, #tpu.memory_space<vmem>>[vector<16xi32>], vector<16xf32>,
      %get3A_774 = arith.constant 32 : index
      %get3A_775 = tpu.vector_load %arg13[%get3A_774] {strides = array<i32>} : memref<80xi32, #tpu.memory_space<vmem>>, vector<16xi32>,
      tpu.vector_store_idx %arg18[%get3A_775], %broadcast_in_dim3A_5 {add = true} : memref<10000xf32, #tpu.memory_space<vmem>>[vector<16xi32>], vector<16xf32>,
      %get3A_776 = arith.constant 48 : index
      %get3A_777 = tpu.vector_load %arg13[%get3A_776] {strides = array<i32>} : memref<80xi32, #tpu.memory_space<vmem>>, vector<16xi32>,
      tpu.vector_store_idx %arg18[%get3A_777], %broadcast_in_dim3A_5 {add = true} : memref<10000xf32, #tpu.memory_space<vmem>>[vector<16xi32>], vector<16xf32>,
      %get3A_778 = arith.constant 64 : index
      %get3A_779 = tpu.vector_load %arg13[%get3A_778] {strides = array<i32>} : memref<80xi32, #tpu.memory_space<vmem>>, vector<16xi32>,
      tpu.vector_store_idx %arg18[%get3A_779], %broadcast_in_dim3A_5 {add = true} : memref<10000xf32, #tpu.memory_space<vmem>>[vector<16xi32>], vector<16xf32>,
      %add3A_780 = arith.constant 1 : i32
      %add3A_781 = arith.addi %add3A_746, %add3A_780 : i32
      %add3A_782 = arith.constant 1 : i32
      %add3A_783 = arith.addi %add3A_781, %add3A_782 : i32
      %mul3A_784 = arith.constant 80 : i32
      %mul3A_785 = arith.muli %add3A_783, %mul3A_784 : i32
      %add3A_786 = arith.addi %mul3A_2, %mul3A_785 : i32
      %dma_start3A_787 = tpu.memref_slice %arg3[%add3A_786] : memref<320000xi32, #tpu.memory_space<hbm>> -> memref<80xi32, #tpu.memory_space<hbm>>
      %dma_start3A_788 = tpu.memref_slice %arg3[%add3A_786] : memref<320000xi32, #tpu.memory_space<hbm>> -> memref<80xi32, #tpu.memory_space<hbm>>
      tpu.enqueue_dma source(%dma_start3A_788 : memref<80xi32, #tpu.memory_space<hbm>>) target(%arg7 : memref<80xi32, #tpu.memory_space<vmem>>) target_semaphore(%arg23 : memref<!tpu.dma_semaphore, #tpu.memory_space<semaphore_mem>>)
      %mul3A_789 = arith.constant 80 : i32
      %mul3A_790 = arith.muli %add3A_783, %mul3A_789 : i32
      %add3A_791 = arith.addi %mul3A_2, %mul3A_790 : i32
      %dma_start3A_792 = tpu.memref_slice %arg4[%add3A_791] : memref<320000xi32, #tpu.memory_space<hbm>> -> memref<80xi32, #tpu.memory_space<hbm>>
      %dma_start3A_793 = tpu.memref_slice %arg4[%add3A_791] : memref<320000xi32, #tpu.memory_space<hbm>> -> memref<80xi32, #tpu.memory_space<hbm>>
      tpu.enqueue_dma source(%dma_start3A_793 : memref<80xi32, #tpu.memory_space<hbm>>) target(%arg11 : memref<80xi32, #tpu.memory_space<vmem>>) target_semaphore(%arg23 : memref<!tpu.dma_semaphore, #tpu.memory_space<semaphore_mem>>)
      %add3A_794 = arith.constant 9 : i32
      %add3A_795 = arith.addi %add3A_352, %add3A_794 : i32
      %dma_wait3A_796 = arith.constant 0 : i32
      %dma_wait3A_797 = arith.constant 0 : i32
      %dma_wait3A_798 = tpu.memref_slice %arg19[%dma_wait3A_796, %dma_wait3A_797] : memref<10240x128xf32, #tpu.memory_space<vmem_shared>> -> memref<80x128xf32, #tpu.memory_space<vmem_shared>>
      %dma_wait3A_799 = arith.constant 0 : i32
      %dma_wait3A_800 = arith.constant 0 : i32
      %dma_wait3A_801 = tpu.memref_slice %arg19[%dma_wait3A_799, %dma_wait3A_800] : memref<10240x128xf32, #tpu.memory_space<vmem_shared>> -> memref<80x128xf32, #tpu.memory_space<vmem_shared>>
      tpu.wait_dma2 semaphore(%arg27 : memref<!tpu.dma_semaphore, #tpu.memory_space<semaphore_mem>>) src(%arg15 : memref<80x128xf32, #tpu.memory_space<vmem>>) dst(%dma_wait3A_801 : memref<80x128xf32, #tpu.memory_space<vmem_shared>>)
      %dma_wait3A_802 = arith.constant 0 : i32
      %dma_wait3A_803 = tpu.memref_slice %arg3[%dma_wait3A_802] : memref<320000xi32, #tpu.memory_space<hbm>> -> memref<80xi32, #tpu.memory_space<hbm>>
      %dma_wait3A_804 = arith.constant 0 : i32
      %dma_wait3A_805 = tpu.memref_slice %arg3[%dma_wait3A_804] : memref<320000xi32, #tpu.memory_space<hbm>> -> memref<80xi32, #tpu.memory_space<hbm>>
      tpu.wait_dma2 semaphore(%arg23 : memref<!tpu.dma_semaphore, #tpu.memory_space<semaphore_mem>>) src(%dma_wait3A_805 : memref<80xi32, #tpu.memory_space<hbm>>) dst(%arg7 : memref<80xi32, #tpu.memory_space<vmem>>)
      %dma_wait3A_806 = arith.constant 0 : i32
      %dma_wait3A_807 = tpu.memref_slice %arg4[%dma_wait3A_806] : memref<320000xi32, #tpu.memory_space<hbm>> -> memref<80xi32, #tpu.memory_space<hbm>>
      %dma_wait3A_808 = arith.constant 0 : i32
      %dma_wait3A_809 = tpu.memref_slice %arg4[%dma_wait3A_808] : memref<320000xi32, #tpu.memory_space<hbm>> -> memref<80xi32, #tpu.memory_space<hbm>>
      tpu.wait_dma2 semaphore(%arg23 : memref<!tpu.dma_semaphore, #tpu.memory_space<semaphore_mem>>) src(%dma_wait3A_809 : memref<80xi32, #tpu.memory_space<hbm>>) dst(%arg11 : memref<80xi32, #tpu.memory_space<vmem>>)
      %dma_start3A_810 = arith.constant 0 : i32
      %dma_start3A_811 = arith.constant 0 : i32
      %dma_start3A_812 = tpu.memref_slice %arg2[%dma_start3A_810, %dma_start3A_811] : memref<10000x128xf32, #tpu.memory_space<hbm>> -> memref<10000x128xf32, #tpu.memory_space<hbm>>
      tpu.enqueue_indirect_dma source(%dma_start3A_812 : memref<10000x128xf32, #tpu.memory_space<hbm>>) target(%arg15 : memref<80x128xf32, #tpu.memory_space<vmem>>) offsets(%arg7 : memref<80xi32, #tpu.memory_space<vmem>>) semaphore(%arg20 : memref<!tpu.dma_semaphore, #tpu.memory_space<semaphore_mem>>)
      %dma_wait3A_813 = arith.constant 0 : i32
      %dma_wait3A_814 = arith.constant 0 : i32
      %dma_wait3A_815 = tpu.memref_slice %arg2[%dma_wait3A_813, %dma_wait3A_814] : memref<10000x128xf32, #tpu.memory_space<hbm>> -> memref<10000x128xf32, #tpu.memory_space<hbm>>
      tpu.wait_indirect_dma semaphore(%arg22 : memref<!tpu.dma_semaphore, #tpu.memory_space<semaphore_mem>>) src(%dma_wait3A_815 : memref<10000x128xf32, #tpu.memory_space<hbm>>) dst(%arg17 : memref<80x128xf32, #tpu.memory_space<vmem>>)
      %dma_start3A_816 = arith.constant 0 : i32
      %dma_start3A_817 = arith.constant 0 : i32
      %dma_start3A_818 = tpu.memref_slice %arg19[%dma_start3A_816, %dma_start3A_817] : memref<10240x128xf32, #tpu.memory_space<vmem_shared>> -> memref<10240x128xf32, #tpu.memory_space<vmem_shared>>
      tpu.enqueue_indirect_dma source(%arg17 : memref<80x128xf32, #tpu.memory_space<vmem>>) target(%dma_start3A_818 : memref<10240x128xf32, #tpu.memory_space<vmem_shared>>) offsets(%arg14 : memref<80xi32, #tpu.memory_space<vmem>>) semaphore(%arg29 : memref<!tpu.dma_semaphore, #tpu.memory_space<semaphore_mem>>) {add = true}
      %get3A_819 = arith.constant 0 : index
      %get3A_820 = tpu.vector_load %arg14[%get3A_819] {strides = array<i32>} : memref<80xi32, #tpu.memory_space<vmem>>, vector<16xi32>,
      tpu.vector_store_idx %arg18[%get3A_820], %broadcast_in_dim3A_5 {add = true} : memref<10000xf32, #tpu.memory_space<vmem>>[vector<16xi32>], vector<16xf32>,
      %get3A_821 = arith.constant 16 : index
      %get3A_822 = tpu.vector_load %arg14[%get3A_821] {strides = array<i32>} : memref<80xi32, #tpu.memory_space<vmem>>, vector<16xi32>,
      tpu.vector_store_idx %arg18[%get3A_822], %broadcast_in_dim3A_5 {add = true} : memref<10000xf32, #tpu.memory_space<vmem>>[vector<16xi32>], vector<16xf32>,
      %get3A_823 = arith.constant 32 : index
      %get3A_824 = tpu.vector_load %arg14[%get3A_823] {strides = array<i32>} : memref<80xi32, #tpu.memory_space<vmem>>, vector<16xi32>,
      tpu.vector_store_idx %arg18[%get3A_824], %broadcast_in_dim3A_5 {add = true} : memref<10000xf32, #tpu.memory_space<vmem>>[vector<16xi32>], vector<16xf32>,
      %get3A_825 = arith.constant 48 : index
      %get3A_826 = tpu.vector_load %arg14[%get3A_825] {strides = array<i32>} : memref<80xi32, #tpu.memory_space<vmem>>, vector<16xi32>,
      tpu.vector_store_idx %arg18[%get3A_826], %broadcast_in_dim3A_5 {add = true} : memref<10000xf32, #tpu.memory_space<vmem>>[vector<16xi32>], vector<16xf32>,
      %get3A_827 = arith.constant 64 : index
      %get3A_828 = tpu.vector_load %arg14[%get3A_827] {strides = array<i32>} : memref<80xi32, #tpu.memory_space<vmem>>, vector<16xi32>,
      tpu.vector_store_idx %arg18[%get3A_828], %broadcast_in_dim3A_5 {add = true} : memref<10000xf32, #tpu.memory_space<vmem>>[vector<16xi32>], vector<16xf32>,
      %add3A_829 = arith.constant 1 : i32
      %add3A_830 = arith.addi %add3A_795, %add3A_829 : i32
      %add3A_831 = arith.constant 1 : i32
      %add3A_832 = arith.addi %add3A_830, %add3A_831 : i32
      %mul3A_833 = arith.constant 80 : i32
      %mul3A_834 = arith.muli %add3A_832, %mul3A_833 : i32
      %add3A_835 = arith.addi %mul3A_2, %mul3A_834 : i32
      %dma_start3A_836 = tpu.memref_slice %arg3[%add3A_835] : memref<320000xi32, #tpu.memory_space<hbm>> -> memref<80xi32, #tpu.memory_space<hbm>>
      %dma_start3A_837 = tpu.memref_slice %arg3[%add3A_835] : memref<320000xi32, #tpu.memory_space<hbm>> -> memref<80xi32, #tpu.memory_space<hbm>>
      tpu.enqueue_dma source(%dma_start3A_837 : memref<80xi32, #tpu.memory_space<hbm>>) target(%arg8 : memref<80xi32, #tpu.memory_space<vmem>>) target_semaphore(%arg24 : memref<!tpu.dma_semaphore, #tpu.memory_space<semaphore_mem>>)
      %mul3A_838 = arith.constant 80 : i32
      %mul3A_839 = arith.muli %add3A_832, %mul3A_838 : i32
      %add3A_840 = arith.addi %mul3A_2, %mul3A_839 : i32
      %dma_start3A_841 = tpu.memref_slice %arg4[%add3A_840] : memref<320000xi32, #tpu.memory_space<hbm>> -> memref<80xi32, #tpu.memory_space<hbm>>
      %dma_start3A_842 = tpu.memref_slice %arg4[%add3A_840] : memref<320000xi32, #tpu.memory_space<hbm>> -> memref<80xi32, #tpu.memory_space<hbm>>
      tpu.enqueue_dma source(%dma_start3A_842 : memref<80xi32, #tpu.memory_space<hbm>>) target(%arg12 : memref<80xi32, #tpu.memory_space<vmem>>) target_semaphore(%arg24 : memref<!tpu.dma_semaphore, #tpu.memory_space<semaphore_mem>>)
      %add3A_843 = arith.constant 10 : i32
      %add3A_844 = arith.addi %add3A_352, %add3A_843 : i32
      %dma_wait3A_845 = arith.constant 0 : i32
      %dma_wait3A_846 = arith.constant 0 : i32
      %dma_wait3A_847 = tpu.memref_slice %arg19[%dma_wait3A_845, %dma_wait3A_846] : memref<10240x128xf32, #tpu.memory_space<vmem_shared>> -> memref<80x128xf32, #tpu.memory_space<vmem_shared>>
      %dma_wait3A_848 = arith.constant 0 : i32
      %dma_wait3A_849 = arith.constant 0 : i32
      %dma_wait3A_850 = tpu.memref_slice %arg19[%dma_wait3A_848, %dma_wait3A_849] : memref<10240x128xf32, #tpu.memory_space<vmem_shared>> -> memref<80x128xf32, #tpu.memory_space<vmem_shared>>
      tpu.wait_dma2 semaphore(%arg28 : memref<!tpu.dma_semaphore, #tpu.memory_space<semaphore_mem>>) src(%arg16 : memref<80x128xf32, #tpu.memory_space<vmem>>) dst(%dma_wait3A_850 : memref<80x128xf32, #tpu.memory_space<vmem_shared>>)
      %dma_wait3A_851 = arith.constant 0 : i32
      %dma_wait3A_852 = tpu.memref_slice %arg3[%dma_wait3A_851] : memref<320000xi32, #tpu.memory_space<hbm>> -> memref<80xi32, #tpu.memory_space<hbm>>
      %dma_wait3A_853 = arith.constant 0 : i32
      %dma_wait3A_854 = tpu.memref_slice %arg3[%dma_wait3A_853] : memref<320000xi32, #tpu.memory_space<hbm>> -> memref<80xi32, #tpu.memory_space<hbm>>
      tpu.wait_dma2 semaphore(%arg24 : memref<!tpu.dma_semaphore, #tpu.memory_space<semaphore_mem>>) src(%dma_wait3A_854 : memref<80xi32, #tpu.memory_space<hbm>>) dst(%arg8 : memref<80xi32, #tpu.memory_space<vmem>>)
      %dma_wait3A_855 = arith.constant 0 : i32
      %dma_wait3A_856 = tpu.memref_slice %arg4[%dma_wait3A_855] : memref<320000xi32, #tpu.memory_space<hbm>> -> memref<80xi32, #tpu.memory_space<hbm>>
      %dma_wait3A_857 = arith.constant 0 : i32
      %dma_wait3A_858 = tpu.memref_slice %arg4[%dma_wait3A_857] : memref<320000xi32, #tpu.memory_space<hbm>> -> memref<80xi32, #tpu.memory_space<hbm>>
      tpu.wait_dma2 semaphore(%arg24 : memref<!tpu.dma_semaphore, #tpu.memory_space<semaphore_mem>>) src(%dma_wait3A_858 : memref<80xi32, #tpu.memory_space<hbm>>) dst(%arg12 : memref<80xi32, #tpu.memory_space<vmem>>)
      %dma_start3A_859 = arith.constant 0 : i32
      %dma_start3A_860 = arith.constant 0 : i32
      %dma_start3A_861 = tpu.memref_slice %arg2[%dma_start3A_859, %dma_start3A_860] : memref<10000x128xf32, #tpu.memory_space<hbm>> -> memref<10000x128xf32, #tpu.memory_space<hbm>>
      tpu.enqueue_indirect_dma source(%dma_start3A_861 : memref<10000x128xf32, #tpu.memory_space<hbm>>) target(%arg16 : memref<80x128xf32, #tpu.memory_space<vmem>>) offsets(%arg8 : memref<80xi32, #tpu.memory_space<vmem>>) semaphore(%arg21 : memref<!tpu.dma_semaphore, #tpu.memory_space<semaphore_mem>>)
      %dma_wait3A_862 = arith.constant 0 : i32
      %dma_wait3A_863 = arith.constant 0 : i32
      %dma_wait3A_864 = tpu.memref_slice %arg2[%dma_wait3A_862, %dma_wait3A_863] : memref<10000x128xf32, #tpu.memory_space<hbm>> -> memref<10000x128xf32, #tpu.memory_space<hbm>>
      tpu.wait_indirect_dma semaphore(%arg20 : memref<!tpu.dma_semaphore, #tpu.memory_space<semaphore_mem>>) src(%dma_wait3A_864 : memref<10000x128xf32, #tpu.memory_space<hbm>>) dst(%arg15 : memref<80x128xf32, #tpu.memory_space<vmem>>)
      %dma_start3A_865 = arith.constant 0 : i32
      %dma_start3A_866 = arith.constant 0 : i32
      %dma_start3A_867 = tpu.memref_slice %arg19[%dma_start3A_865, %dma_start3A_866] : memref<10240x128xf32, #tpu.memory_space<vmem_shared>> -> memref<10240x128xf32, #tpu.memory_space<vmem_shared>>
      tpu.enqueue_indirect_dma source(%arg15 : memref<80x128xf32, #tpu.memory_space<vmem>>) target(%dma_start3A_867 : memref<10240x128xf32, #tpu.memory_space<vmem_shared>>) offsets(%arg11 : memref<80xi32, #tpu.memory_space<vmem>>) semaphore(%arg27 : memref<!tpu.dma_semaphore, #tpu.memory_space<semaphore_mem>>) {add = true}
      %get3A_868 = arith.constant 0 : index
      %get3A_869 = tpu.vector_load %arg11[%get3A_868] {strides = array<i32>} : memref<80xi32, #tpu.memory_space<vmem>>, vector<16xi32>,
      tpu.vector_store_idx %arg18[%get3A_869], %broadcast_in_dim3A_5 {add = true} : memref<10000xf32, #tpu.memory_space<vmem>>[vector<16xi32>], vector<16xf32>,
      %get3A_870 = arith.constant 16 : index
      %get3A_871 = tpu.vector_load %arg11[%get3A_870] {strides = array<i32>} : memref<80xi32, #tpu.memory_space<vmem>>, vector<16xi32>,
      tpu.vector_store_idx %arg18[%get3A_871], %broadcast_in_dim3A_5 {add = true} : memref<10000xf32, #tpu.memory_space<vmem>>[vector<16xi32>], vector<16xf32>,
      %get3A_872 = arith.constant 32 : index
      %get3A_873 = tpu.vector_load %arg11[%get3A_872] {strides = array<i32>} : memref<80xi32, #tpu.memory_space<vmem>>, vector<16xi32>,
      tpu.vector_store_idx %arg18[%get3A_873], %broadcast_in_dim3A_5 {add = true} : memref<10000xf32, #tpu.memory_space<vmem>>[vector<16xi32>], vector<16xf32>,
      %get3A_874 = arith.constant 48 : index
      %get3A_875 = tpu.vector_load %arg11[%get3A_874] {strides = array<i32>} : memref<80xi32, #tpu.memory_space<vmem>>, vector<16xi32>,
      tpu.vector_store_idx %arg18[%get3A_875], %broadcast_in_dim3A_5 {add = true} : memref<10000xf32, #tpu.memory_space<vmem>>[vector<16xi32>], vector<16xf32>,
      %get3A_876 = arith.constant 64 : index
      %get3A_877 = tpu.vector_load %arg11[%get3A_876] {strides = array<i32>} : memref<80xi32, #tpu.memory_space<vmem>>, vector<16xi32>,
      tpu.vector_store_idx %arg18[%get3A_877], %broadcast_in_dim3A_5 {add = true} : memref<10000xf32, #tpu.memory_space<vmem>>[vector<16xi32>], vector<16xf32>,
      %add3A_878 = arith.constant 1 : i32
      %add3A_879 = arith.addi %add3A_844, %add3A_878 : i32
      %add3A_880 = arith.constant 1 : i32
      %add3A_881 = arith.addi %add3A_879, %add3A_880 : i32
      %mul3A_882 = arith.constant 80 : i32
      %mul3A_883 = arith.muli %add3A_881, %mul3A_882 : i32
      %add3A_884 = arith.addi %mul3A_2, %mul3A_883 : i32
      %dma_start3A_885 = tpu.memref_slice %arg3[%add3A_884] : memref<320000xi32, #tpu.memory_space<hbm>> -> memref<80xi32, #tpu.memory_space<hbm>>
      %dma_start3A_886 = tpu.memref_slice %arg3[%add3A_884] : memref<320000xi32, #tpu.memory_space<hbm>> -> memref<80xi32, #tpu.memory_space<hbm>>
      tpu.enqueue_dma source(%dma_start3A_886 : memref<80xi32, #tpu.memory_space<hbm>>) target(%arg9 : memref<80xi32, #tpu.memory_space<vmem>>) target_semaphore(%arg25 : memref<!tpu.dma_semaphore, #tpu.memory_space<semaphore_mem>>)
      %mul3A_887 = arith.constant 80 : i32
      %mul3A_888 = arith.muli %add3A_881, %mul3A_887 : i32
      %add3A_889 = arith.addi %mul3A_2, %mul3A_888 : i32
      %dma_start3A_890 = tpu.memref_slice %arg4[%add3A_889] : memref<320000xi32, #tpu.memory_space<hbm>> -> memref<80xi32, #tpu.memory_space<hbm>>
      %dma_start3A_891 = tpu.memref_slice %arg4[%add3A_889] : memref<320000xi32, #tpu.memory_space<hbm>> -> memref<80xi32, #tpu.memory_space<hbm>>
      tpu.enqueue_dma source(%dma_start3A_891 : memref<80xi32, #tpu.memory_space<hbm>>) target(%arg13 : memref<80xi32, #tpu.memory_space<vmem>>) target_semaphore(%arg25 : memref<!tpu.dma_semaphore, #tpu.memory_space<semaphore_mem>>)
      %add3A_892 = arith.constant 11 : i32
      %add3A_893 = arith.addi %add3A_352, %add3A_892 : i32
      %dma_wait3A_894 = arith.constant 0 : i32
      %dma_wait3A_895 = arith.constant 0 : i32
      %dma_wait3A_896 = tpu.memref_slice %arg19[%dma_wait3A_894, %dma_wait3A_895] : memref<10240x128xf32, #tpu.memory_space<vmem_shared>> -> memref<80x128xf32, #tpu.memory_space<vmem_shared>>
      %dma_wait3A_897 = arith.constant 0 : i32
      %dma_wait3A_898 = arith.constant 0 : i32
      %dma_wait3A_899 = tpu.memref_slice %arg19[%dma_wait3A_897, %dma_wait3A_898] : memref<10240x128xf32, #tpu.memory_space<vmem_shared>> -> memref<80x128xf32, #tpu.memory_space<vmem_shared>>
      tpu.wait_dma2 semaphore(%arg29 : memref<!tpu.dma_semaphore, #tpu.memory_space<semaphore_mem>>) src(%arg17 : memref<80x128xf32, #tpu.memory_space<vmem>>) dst(%dma_wait3A_899 : memref<80x128xf32, #tpu.memory_space<vmem_shared>>)
      %dma_wait3A_900 = arith.constant 0 : i32
      %dma_wait3A_901 = tpu.memref_slice %arg3[%dma_wait3A_900] : memref<320000xi32, #tpu.memory_space<hbm>> -> memref<80xi32, #tpu.memory_space<hbm>>
      %dma_wait3A_902 = arith.constant 0 : i32
      %dma_wait3A_903 = tpu.memref_slice %arg3[%dma_wait3A_902] : memref<320000xi32, #tpu.memory_space<hbm>> -> memref<80xi32, #tpu.memory_space<hbm>>
      tpu.wait_dma2 semaphore(%arg25 : memref<!tpu.dma_semaphore, #tpu.memory_space<semaphore_mem>>) src(%dma_wait3A_903 : memref<80xi32, #tpu.memory_space<hbm>>) dst(%arg9 : memref<80xi32, #tpu.memory_space<vmem>>)
      %dma_wait3A_904 = arith.constant 0 : i32
      %dma_wait3A_905 = tpu.memref_slice %arg4[%dma_wait3A_904] : memref<320000xi32, #tpu.memory_space<hbm>> -> memref<80xi32, #tpu.memory_space<hbm>>
      %dma_wait3A_906 = arith.constant 0 : i32
      %dma_wait3A_907 = tpu.memref_slice %arg4[%dma_wait3A_906] : memref<320000xi32, #tpu.memory_space<hbm>> -> memref<80xi32, #tpu.memory_space<hbm>>
      tpu.wait_dma2 semaphore(%arg25 : memref<!tpu.dma_semaphore, #tpu.memory_space<semaphore_mem>>) src(%dma_wait3A_907 : memref<80xi32, #tpu.memory_space<hbm>>) dst(%arg13 : memref<80xi32, #tpu.memory_space<vmem>>)
      %dma_start3A_908 = arith.constant 0 : i32
      %dma_start3A_909 = arith.constant 0 : i32
      %dma_start3A_910 = tpu.memref_slice %arg2[%dma_start3A_908, %dma_start3A_909] : memref<10000x128xf32, #tpu.memory_space<hbm>> -> memref<10000x128xf32, #tpu.memory_space<hbm>>
      tpu.enqueue_indirect_dma source(%dma_start3A_910 : memref<10000x128xf32, #tpu.memory_space<hbm>>) target(%arg17 : memref<80x128xf32, #tpu.memory_space<vmem>>) offsets(%arg9 : memref<80xi32, #tpu.memory_space<vmem>>) semaphore(%arg22 : memref<!tpu.dma_semaphore, #tpu.memory_space<semaphore_mem>>)
      %dma_wait3A_911 = arith.constant 0 : i32
      %dma_wait3A_912 = arith.constant 0 : i32
      %dma_wait3A_913 = tpu.memref_slice %arg2[%dma_wait3A_911, %dma_wait3A_912] : memref<10000x128xf32, #tpu.memory_space<hbm>> -> memref<10000x128xf32, #tpu.memory_space<hbm>>
      tpu.wait_indirect_dma semaphore(%arg21 : memref<!tpu.dma_semaphore, #tpu.memory_space<semaphore_mem>>) src(%dma_wait3A_913 : memref<10000x128xf32, #tpu.memory_space<hbm>>) dst(%arg16 : memref<80x128xf32, #tpu.memory_space<vmem>>)
      %dma_start3A_914 = arith.constant 0 : i32
      %dma_start3A_915 = arith.constant 0 : i32
      %dma_start3A_916 = tpu.memref_slice %arg19[%dma_start3A_914, %dma_start3A_915] : memref<10240x128xf32, #tpu.memory_space<vmem_shared>> -> memref<10240x128xf32, #tpu.memory_space<vmem_shared>>
      tpu.enqueue_indirect_dma source(%arg16 : memref<80x128xf32, #tpu.memory_space<vmem>>) target(%dma_start3A_916 : memref<10240x128xf32, #tpu.memory_space<vmem_shared>>) offsets(%arg12 : memref<80xi32, #tpu.memory_space<vmem>>) semaphore(%arg28 : memref<!tpu.dma_semaphore, #tpu.memory_space<semaphore_mem>>) {add = true}
      %get3A_917 = arith.constant 0 : index
      %get3A_918 = tpu.vector_load %arg12[%get3A_917] {strides = array<i32>} : memref<80xi32, #tpu.memory_space<vmem>>, vector<16xi32>,
      tpu.vector_store_idx %arg18[%get3A_918], %broadcast_in_dim3A_5 {add = true} : memref<10000xf32, #tpu.memory_space<vmem>>[vector<16xi32>], vector<16xf32>,
      %get3A_919 = arith.constant 16 : index
      %get3A_920 = tpu.vector_load %arg12[%get3A_919] {strides = array<i32>} : memref<80xi32, #tpu.memory_space<vmem>>, vector<16xi32>,
      tpu.vector_store_idx %arg18[%get3A_920], %broadcast_in_dim3A_5 {add = true} : memref<10000xf32, #tpu.memory_space<vmem>>[vector<16xi32>], vector<16xf32>,
      %get3A_921 = arith.constant 32 : index
      %get3A_922 = tpu.vector_load %arg12[%get3A_921] {strides = array<i32>} : memref<80xi32, #tpu.memory_space<vmem>>, vector<16xi32>,
      tpu.vector_store_idx %arg18[%get3A_922], %broadcast_in_dim3A_5 {add = true} : memref<10000xf32, #tpu.memory_space<vmem>>[vector<16xi32>], vector<16xf32>,
      %get3A_923 = arith.constant 48 : index
      %get3A_924 = tpu.vector_load %arg12[%get3A_923] {strides = array<i32>} : memref<80xi32, #tpu.memory_space<vmem>>, vector<16xi32>,
      tpu.vector_store_idx %arg18[%get3A_924], %broadcast_in_dim3A_5 {add = true} : memref<10000xf32, #tpu.memory_space<vmem>>[vector<16xi32>], vector<16xf32>,
      %get3A_925 = arith.constant 64 : index
      %get3A_926 = tpu.vector_load %arg12[%get3A_925] {strides = array<i32>} : memref<80xi32, #tpu.memory_space<vmem>>, vector<16xi32>,
      tpu.vector_store_idx %arg18[%get3A_926], %broadcast_in_dim3A_5 {add = true} : memref<10000xf32, #tpu.memory_space<vmem>>[vector<16xi32>], vector<16xf32>,
      %add3A_927 = arith.constant 1 : i32
      %add3A_928 = arith.addi %add3A_893, %add3A_927 : i32
      %add3A_929 = arith.constant 1 : i32
      %add3A_930 = arith.addi %add3A_928, %add3A_929 : i32
      %mul3A_931 = arith.constant 80 : i32
      %mul3A_932 = arith.muli %add3A_930, %mul3A_931 : i32
      %add3A_933 = arith.addi %mul3A_2, %mul3A_932 : i32
      %dma_start3A_934 = tpu.memref_slice %arg3[%add3A_933] : memref<320000xi32, #tpu.memory_space<hbm>> -> memref<80xi32, #tpu.memory_space<hbm>>
      %dma_start3A_935 = tpu.memref_slice %arg3[%add3A_933] : memref<320000xi32, #tpu.memory_space<hbm>> -> memref<80xi32, #tpu.memory_space<hbm>>
      tpu.enqueue_dma source(%dma_start3A_935 : memref<80xi32, #tpu.memory_space<hbm>>) target(%arg10 : memref<80xi32, #tpu.memory_space<vmem>>) target_semaphore(%arg26 : memref<!tpu.dma_semaphore, #tpu.memory_space<semaphore_mem>>)
      %mul3A_936 = arith.constant 80 : i32
      %mul3A_937 = arith.muli %add3A_930, %mul3A_936 : i32
      %add3A_938 = arith.addi %mul3A_2, %mul3A_937 : i32
      %dma_start3A_939 = tpu.memref_slice %arg4[%add3A_938] : memref<320000xi32, #tpu.memory_space<hbm>> -> memref<80xi32, #tpu.memory_space<hbm>>
      %dma_start3A_940 = tpu.memref_slice %arg4[%add3A_938] : memref<320000xi32, #tpu.memory_space<hbm>> -> memref<80xi32, #tpu.memory_space<hbm>>
      tpu.enqueue_dma source(%dma_start3A_940 : memref<80xi32, #tpu.memory_space<hbm>>) target(%arg14 : memref<80xi32, #tpu.memory_space<vmem>>) target_semaphore(%arg26 : memref<!tpu.dma_semaphore, #tpu.memory_space<semaphore_mem>>)
      %scan3A_941 = arith.constant 0 : i32
      scf.yield %scan3A_941 : i32
    }
    %scan3A_171 = arith.constant 10 : i32
    %dma_wait3A_172 = arith.constant 0 : i32
    %dma_wait3A_173 = arith.constant 0 : i32
    %dma_wait3A_174 = tpu.memref_slice %arg19[%dma_wait3A_172, %dma_wait3A_173] : memref<10240x128xf32, #tpu.memory_space<vmem_shared>> -> memref<80x128xf32, #tpu.memory_space<vmem_shared>>
    %dma_wait3A_175 = arith.constant 0 : i32
    %dma_wait3A_176 = arith.constant 0 : i32
    %dma_wait3A_177 = tpu.memref_slice %arg19[%dma_wait3A_175, %dma_wait3A_176] : memref<10240x128xf32, #tpu.memory_space<vmem_shared>> -> memref<80x128xf32, #tpu.memory_space<vmem_shared>>
    tpu.wait_dma2 semaphore(%arg27 : memref<!tpu.dma_semaphore, #tpu.memory_space<semaphore_mem>>) src(%arg15 : memref<80x128xf32, #tpu.memory_space<vmem>>) dst(%dma_wait3A_177 : memref<80x128xf32, #tpu.memory_space<vmem_shared>>)
    %dma_wait3A_178 = arith.constant 0 : i32
    %dma_wait3A_179 = tpu.memref_slice %arg3[%dma_wait3A_178] : memref<320000xi32, #tpu.memory_space<hbm>> -> memref<80xi32, #tpu.memory_space<hbm>>
    %dma_wait3A_180 = arith.constant 0 : i32
    %dma_wait3A_181 = tpu.memref_slice %arg3[%dma_wait3A_180] : memref<320000xi32, #tpu.memory_space<hbm>> -> memref<80xi32, #tpu.memory_space<hbm>>
    tpu.wait_dma2 semaphore(%arg26 : memref<!tpu.dma_semaphore, #tpu.memory_space<semaphore_mem>>) src(%dma_wait3A_181 : memref<80xi32, #tpu.memory_space<hbm>>) dst(%arg10 : memref<80xi32, #tpu.memory_space<vmem>>)
    %dma_wait3A_182 = arith.constant 0 : i32
    %dma_wait3A_183 = tpu.memref_slice %arg4[%dma_wait3A_182] : memref<320000xi32, #tpu.memory_space<hbm>> -> memref<80xi32, #tpu.memory_space<hbm>>
    %dma_wait3A_184 = arith.constant 0 : i32
    %dma_wait3A_185 = tpu.memref_slice %arg4[%dma_wait3A_184] : memref<320000xi32, #tpu.memory_space<hbm>> -> memref<80xi32, #tpu.memory_space<hbm>>
    tpu.wait_dma2 semaphore(%arg26 : memref<!tpu.dma_semaphore, #tpu.memory_space<semaphore_mem>>) src(%dma_wait3A_185 : memref<80xi32, #tpu.memory_space<hbm>>) dst(%arg14 : memref<80xi32, #tpu.memory_space<vmem>>)
    %dma_start3A_186 = arith.constant 0 : i32
    %dma_start3A_187 = arith.constant 0 : i32
    %dma_start3A_188 = tpu.memref_slice %arg2[%dma_start3A_186, %dma_start3A_187] : memref<10000x128xf32, #tpu.memory_space<hbm>> -> memref<10000x128xf32, #tpu.memory_space<hbm>>
    tpu.enqueue_indirect_dma source(%dma_start3A_188 : memref<10000x128xf32, #tpu.memory_space<hbm>>) target(%arg15 : memref<80x128xf32, #tpu.memory_space<vmem>>) offsets(%arg10 : memref<80xi32, #tpu.memory_space<vmem>>) semaphore(%arg20 : memref<!tpu.dma_semaphore, #tpu.memory_space<semaphore_mem>>)
    %dma_wait3A_189 = arith.constant 0 : i32
    %dma_wait3A_190 = arith.constant 0 : i32
    %dma_wait3A_191 = tpu.memref_slice %arg2[%dma_wait3A_189, %dma_wait3A_190] : memref<10000x128xf32, #tpu.memory_space<hbm>> -> memref<10000x128xf32, #tpu.memory_space<hbm>>
    tpu.wait_indirect_dma semaphore(%arg22 : memref<!tpu.dma_semaphore, #tpu.memory_space<semaphore_mem>>) src(%dma_wait3A_191 : memref<10000x128xf32, #tpu.memory_space<hbm>>) dst(%arg17 : memref<80x128xf32, #tpu.memory_space<vmem>>)
    %dma_start3A_192 = arith.constant 0 : i32
    %dma_start3A_193 = arith.constant 0 : i32
    %dma_start3A_194 = tpu.memref_slice %arg19[%dma_start3A_192, %dma_start3A_193] : memref<10240x128xf32, #tpu.memory_space<vmem_shared>> -> memref<10240x128xf32, #tpu.memory_space<vmem_shared>>
    tpu.enqueue_indirect_dma source(%arg17 : memref<80x128xf32, #tpu.memory_space<vmem>>) target(%dma_start3A_194 : memref<10240x128xf32, #tpu.memory_space<vmem_shared>>) offsets(%arg13 : memref<80xi32, #tpu.memory_space<vmem>>) semaphore(%arg29 : memref<!tpu.dma_semaphore, #tpu.memory_space<semaphore_mem>>) {add = true}
    %get3A_195 = arith.constant 0 : index
    %get3A_196 = tpu.vector_load %arg13[%get3A_195] {strides = array<i32>} : memref<80xi32, #tpu.memory_space<vmem>>, vector<16xi32>,
    tpu.vector_store_idx %arg18[%get3A_196], %broadcast_in_dim3A_5 {add = true} : memref<10000xf32, #tpu.memory_space<vmem>>[vector<16xi32>], vector<16xf32>,
    %get3A_197 = arith.constant 16 : index
    %get3A_198 = tpu.vector_load %arg13[%get3A_197] {strides = array<i32>} : memref<80xi32, #tpu.memory_space<vmem>>, vector<16xi32>,
    tpu.vector_store_idx %arg18[%get3A_198], %broadcast_in_dim3A_5 {add = true} : memref<10000xf32, #tpu.memory_space<vmem>>[vector<16xi32>], vector<16xf32>,
    %get3A_199 = arith.constant 32 : index
    %get3A_200 = tpu.vector_load %arg13[%get3A_199] {strides = array<i32>} : memref<80xi32, #tpu.memory_space<vmem>>, vector<16xi32>,
    tpu.vector_store_idx %arg18[%get3A_200], %broadcast_in_dim3A_5 {add = true} : memref<10000xf32, #tpu.memory_space<vmem>>[vector<16xi32>], vector<16xf32>,
    %get3A_201 = arith.constant 48 : index
    %get3A_202 = tpu.vector_load %arg13[%get3A_201] {strides = array<i32>} : memref<80xi32, #tpu.memory_space<vmem>>, vector<16xi32>,
    tpu.vector_store_idx %arg18[%get3A_202], %broadcast_in_dim3A_5 {add = true} : memref<10000xf32, #tpu.memory_space<vmem>>[vector<16xi32>], vector<16xf32>,
    %get3A_203 = arith.constant 64 : index
    %get3A_204 = tpu.vector_load %arg13[%get3A_203] {strides = array<i32>} : memref<80xi32, #tpu.memory_space<vmem>>, vector<16xi32>,
    tpu.vector_store_idx %arg18[%get3A_204], %broadcast_in_dim3A_5 {add = true} : memref<10000xf32, #tpu.memory_space<vmem>>[vector<16xi32>], vector<16xf32>,
    %add3A_205 = arith.constant 9920 : i32
    %add3A_206 = arith.addi %mul3A_2, %add3A_205 : i32
    %dma_start3A_207 = tpu.memref_slice %arg3[%add3A_206] : memref<320000xi32, #tpu.memory_space<hbm>> -> memref<80xi32, #tpu.memory_space<hbm>>
    %dma_start3A_208 = tpu.memref_slice %arg3[%add3A_206] : memref<320000xi32, #tpu.memory_space<hbm>> -> memref<80xi32, #tpu.memory_space<hbm>>
    tpu.enqueue_dma source(%dma_start3A_208 : memref<80xi32, #tpu.memory_space<hbm>>) target(%arg7 : memref<80xi32, #tpu.memory_space<vmem>>) target_semaphore(%arg23 : memref<!tpu.dma_semaphore, #tpu.memory_space<semaphore_mem>>)
    %add3A_209 = arith.constant 9920 : i32
    %add3A_210 = arith.addi %mul3A_2, %add3A_209 : i32
    %dma_start3A_211 = tpu.memref_slice %arg4[%add3A_210] : memref<320000xi32, #tpu.memory_space<hbm>> -> memref<80xi32, #tpu.memory_space<hbm>>
    %dma_start3A_212 = tpu.memref_slice %arg4[%add3A_210] : memref<320000xi32, #tpu.memory_space<hbm>> -> memref<80xi32, #tpu.memory_space<hbm>>
    tpu.enqueue_dma source(%dma_start3A_212 : memref<80xi32, #tpu.memory_space<hbm>>) target(%arg11 : memref<80xi32, #tpu.memory_space<vmem>>) target_semaphore(%arg23 : memref<!tpu.dma_semaphore, #tpu.memory_space<semaphore_mem>>)
    %dma_wait3A_213 = arith.constant 0 : i32
    %dma_wait3A_214 = arith.constant 0 : i32
    %dma_wait3A_215 = tpu.memref_slice %arg19[%dma_wait3A_213, %dma_wait3A_214] : memref<10240x128xf32, #tpu.memory_space<vmem_shared>> -> memref<80x128xf32, #tpu.memory_space<vmem_shared>>
    %dma_wait3A_216 = arith.constant 0 : i32
    %dma_wait3A_217 = arith.constant 0 : i32
    %dma_wait3A_218 = tpu.memref_slice %arg19[%dma_wait3A_216, %dma_wait3A_217] : memref<10240x128xf32, #tpu.memory_space<vmem_shared>> -> memref<80x128xf32, #tpu.memory_space<vmem_shared>>
    tpu.wait_dma2 semaphore(%arg28 : memref<!tpu.dma_semaphore, #tpu.memory_space<semaphore_mem>>) src(%arg16 : memref<80x128xf32, #tpu.memory_space<vmem>>) dst(%dma_wait3A_218 : memref<80x128xf32, #tpu.memory_space<vmem_shared>>)
    %dma_wait3A_219 = arith.constant 0 : i32
    %dma_wait3A_220 = tpu.memref_slice %arg3[%dma_wait3A_219] : memref<320000xi32, #tpu.memory_space<hbm>> -> memref<80xi32, #tpu.memory_space<hbm>>
    %dma_wait3A_221 = arith.constant 0 : i32
    %dma_wait3A_222 = tpu.memref_slice %arg3[%dma_wait3A_221] : memref<320000xi32, #tpu.memory_space<hbm>> -> memref<80xi32, #tpu.memory_space<hbm>>
    tpu.wait_dma2 semaphore(%arg23 : memref<!tpu.dma_semaphore, #tpu.memory_space<semaphore_mem>>) src(%dma_wait3A_222 : memref<80xi32, #tpu.memory_space<hbm>>) dst(%arg7 : memref<80xi32, #tpu.memory_space<vmem>>)
    %dma_wait3A_223 = arith.constant 0 : i32
    %dma_wait3A_224 = tpu.memref_slice %arg4[%dma_wait3A_223] : memref<320000xi32, #tpu.memory_space<hbm>> -> memref<80xi32, #tpu.memory_space<hbm>>
    %dma_wait3A_225 = arith.constant 0 : i32
    %dma_wait3A_226 = tpu.memref_slice %arg4[%dma_wait3A_225] : memref<320000xi32, #tpu.memory_space<hbm>> -> memref<80xi32, #tpu.memory_space<hbm>>
    tpu.wait_dma2 semaphore(%arg23 : memref<!tpu.dma_semaphore, #tpu.memory_space<semaphore_mem>>) src(%dma_wait3A_226 : memref<80xi32, #tpu.memory_space<hbm>>) dst(%arg11 : memref<80xi32, #tpu.memory_space<vmem>>)
    %dma_start3A_227 = arith.constant 0 : i32
    %dma_start3A_228 = arith.constant 0 : i32
    %dma_start3A_229 = tpu.memref_slice %arg2[%dma_start3A_227, %dma_start3A_228] : memref<10000x128xf32, #tpu.memory_space<hbm>> -> memref<10000x128xf32, #tpu.memory_space<hbm>>
    tpu.enqueue_indirect_dma source(%dma_start3A_229 : memref<10000x128xf32, #tpu.memory_space<hbm>>) target(%arg16 : memref<80x128xf32, #tpu.memory_space<vmem>>) offsets(%arg7 : memref<80xi32, #tpu.memory_space<vmem>>) semaphore(%arg21 : memref<!tpu.dma_semaphore, #tpu.memory_space<semaphore_mem>>)
    %dma_wait3A_230 = arith.constant 0 : i32
    %dma_wait3A_231 = arith.constant 0 : i32
    %dma_wait3A_232 = tpu.memref_slice %arg2[%dma_wait3A_230, %dma_wait3A_231] : memref<10000x128xf32, #tpu.memory_space<hbm>> -> memref<10000x128xf32, #tpu.memory_space<hbm>>
    tpu.wait_indirect_dma semaphore(%arg20 : memref<!tpu.dma_semaphore, #tpu.memory_space<semaphore_mem>>) src(%dma_wait3A_232 : memref<10000x128xf32, #tpu.memory_space<hbm>>) dst(%arg15 : memref<80x128xf32, #tpu.memory_space<vmem>>)
    %dma_start3A_233 = arith.constant 0 : i32
    %dma_start3A_234 = arith.constant 0 : i32
    %dma_start3A_235 = tpu.memref_slice %arg19[%dma_start3A_233, %dma_start3A_234] : memref<10240x128xf32, #tpu.memory_space<vmem_shared>> -> memref<10240x128xf32, #tpu.memory_space<vmem_shared>>
    tpu.enqueue_indirect_dma source(%arg15 : memref<80x128xf32, #tpu.memory_space<vmem>>) target(%dma_start3A_235 : memref<10240x128xf32, #tpu.memory_space<vmem_shared>>) offsets(%arg14 : memref<80xi32, #tpu.memory_space<vmem>>) semaphore(%arg27 : memref<!tpu.dma_semaphore, #tpu.memory_space<semaphore_mem>>) {add = true}
    %get3A_236 = arith.constant 0 : index
    %get3A_237 = tpu.vector_load %arg14[%get3A_236] {strides = array<i32>} : memref<80xi32, #tpu.memory_space<vmem>>, vector<16xi32>,
    tpu.vector_store_idx %arg18[%get3A_237], %broadcast_in_dim3A_5 {add = true} : memref<10000xf32, #tpu.memory_space<vmem>>[vector<16xi32>], vector<16xf32>,
    %get3A_238 = arith.constant 16 : index
    %get3A_239 = tpu.vector_load %arg14[%get3A_238] {strides = array<i32>} : memref<80xi32, #tpu.memory_space<vmem>>, vector<16xi32>,
    tpu.vector_store_idx %arg18[%get3A_239], %broadcast_in_dim3A_5 {add = true} : memref<10000xf32, #tpu.memory_space<vmem>>[vector<16xi32>], vector<16xf32>,
    %get3A_240 = arith.constant 32 : index
    %get3A_241 = tpu.vector_load %arg14[%get3A_240] {strides = array<i32>} : memref<80xi32, #tpu.memory_space<vmem>>, vector<16xi32>,
    tpu.vector_store_idx %arg18[%get3A_241], %broadcast_in_dim3A_5 {add = true} : memref<10000xf32, #tpu.memory_space<vmem>>[vector<16xi32>], vector<16xf32>,
    %get3A_242 = arith.constant 48 : index
    %get3A_243 = tpu.vector_load %arg14[%get3A_242] {strides = array<i32>} : memref<80xi32, #tpu.memory_space<vmem>>, vector<16xi32>,
    tpu.vector_store_idx %arg18[%get3A_243], %broadcast_in_dim3A_5 {add = true} : memref<10000xf32, #tpu.memory_space<vmem>>[vector<16xi32>], vector<16xf32>,
    %get3A_244 = arith.constant 64 : index
    %get3A_245 = tpu.vector_load %arg14[%get3A_244] {strides = array<i32>} : memref<80xi32, #tpu.memory_space<vmem>>, vector<16xi32>,
    tpu.vector_store_idx %arg18[%get3A_245], %broadcast_in_dim3A_5 {add = true} : memref<10000xf32, #tpu.memory_space<vmem>>[vector<16xi32>], vector<16xf32>,
    %dma_wait3A_246 = arith.constant 0 : i32
    %dma_wait3A_247 = arith.constant 0 : i32
    %dma_wait3A_248 = tpu.memref_slice %arg2[%dma_wait3A_246, %dma_wait3A_247] : memref<10000x128xf32, #tpu.memory_space<hbm>> -> memref<10000x128xf32, #tpu.memory_space<hbm>>
    tpu.wait_indirect_dma semaphore(%arg21 : memref<!tpu.dma_semaphore, #tpu.memory_space<semaphore_mem>>) src(%dma_wait3A_248 : memref<10000x128xf32, #tpu.memory_space<hbm>>) dst(%arg16 : memref<80x128xf32, #tpu.memory_space<vmem>>)
    %dma_start3A_249 = arith.constant 0 : i32
    %dma_start3A_250 = arith.constant 0 : i32
    %dma_start3A_251 = tpu.memref_slice %arg19[%dma_start3A_249, %dma_start3A_250] : memref<10240x128xf32, #tpu.memory_space<vmem_shared>> -> memref<10240x128xf32, #tpu.memory_space<vmem_shared>>
    tpu.enqueue_indirect_dma source(%arg16 : memref<80x128xf32, #tpu.memory_space<vmem>>) target(%dma_start3A_251 : memref<10240x128xf32, #tpu.memory_space<vmem_shared>>) offsets(%arg11 : memref<80xi32, #tpu.memory_space<vmem>>) semaphore(%arg28 : memref<!tpu.dma_semaphore, #tpu.memory_space<semaphore_mem>>) {add = true}
    %get3A_252 = arith.constant 0 : index
    %get3A_253 = tpu.vector_load %arg11[%get3A_252] {strides = array<i32>} : memref<80xi32, #tpu.memory_space<vmem>>, vector<16xi32>,
    tpu.vector_store_idx %arg18[%get3A_253], %broadcast_in_dim3A_5 {add = true} : memref<10000xf32, #tpu.memory_space<vmem>>[vector<16xi32>], vector<16xf32>,
    %get3A_254 = arith.constant 16 : index
    %get3A_255 = tpu.vector_load %arg11[%get3A_254] {strides = array<i32>} : memref<80xi32, #tpu.memory_space<vmem>>, vector<16xi32>,
    tpu.vector_store_idx %arg18[%get3A_255], %broadcast_in_dim3A_5 {add = true} : memref<10000xf32, #tpu.memory_space<vmem>>[vector<16xi32>], vector<16xf32>,
    %get3A_256 = arith.constant 32 : index
    %get3A_257 = tpu.vector_load %arg11[%get3A_256] {strides = array<i32>} : memref<80xi32, #tpu.memory_space<vmem>>, vector<16xi32>,
    tpu.vector_store_idx %arg18[%get3A_257], %broadcast_in_dim3A_5 {add = true} : memref<10000xf32, #tpu.memory_space<vmem>>[vector<16xi32>], vector<16xf32>,
    %get3A_258 = arith.constant 48 : index
    %get3A_259 = tpu.vector_load %arg11[%get3A_258] {strides = array<i32>} : memref<80xi32, #tpu.memory_space<vmem>>, vector<16xi32>,
    tpu.vector_store_idx %arg18[%get3A_259], %broadcast_in_dim3A_5 {add = true} : memref<10000xf32, #tpu.memory_space<vmem>>[vector<16xi32>], vector<16xf32>,
    %get3A_260 = arith.constant 64 : index
    %get3A_261 = tpu.vector_load %arg11[%get3A_260] {strides = array<i32>} : memref<80xi32, #tpu.memory_space<vmem>>, vector<16xi32>,
    tpu.vector_store_idx %arg18[%get3A_261], %broadcast_in_dim3A_5 {add = true} : memref<10000xf32, #tpu.memory_space<vmem>>[vector<16xi32>], vector<16xf32>,
    %dma_wait3A_262 = arith.constant 0 : i32
    %dma_wait3A_263 = arith.constant 0 : i32
    %dma_wait3A_264 = tpu.memref_slice %arg19[%dma_wait3A_262, %dma_wait3A_263] : memref<10240x128xf32, #tpu.memory_space<vmem_shared>> -> memref<80x128xf32, #tpu.memory_space<vmem_shared>>
    %dma_wait3A_265 = arith.constant 0 : i32
    %dma_wait3A_266 = arith.constant 0 : i32
    %dma_wait3A_267 = tpu.memref_slice %arg19[%dma_wait3A_265, %dma_wait3A_266] : memref<10240x128xf32, #tpu.memory_space<vmem_shared>> -> memref<80x128xf32, #tpu.memory_space<vmem_shared>>
    tpu.wait_dma2 semaphore(%arg29 : memref<!tpu.dma_semaphore, #tpu.memory_space<semaphore_mem>>) src(%arg17 : memref<80x128xf32, #tpu.memory_space<vmem>>) dst(%dma_wait3A_267 : memref<80x128xf32, #tpu.memory_space<vmem_shared>>)
    %dma_wait3A_268 = arith.constant 0 : i32
    %dma_wait3A_269 = arith.constant 0 : i32
    %dma_wait3A_270 = tpu.memref_slice %arg19[%dma_wait3A_268, %dma_wait3A_269] : memref<10240x128xf32, #tpu.memory_space<vmem_shared>> -> memref<80x128xf32, #tpu.memory_space<vmem_shared>>
    %dma_wait3A_271 = arith.constant 0 : i32
    %dma_wait3A_272 = arith.constant 0 : i32
    %dma_wait3A_273 = tpu.memref_slice %arg19[%dma_wait3A_271, %dma_wait3A_272] : memref<10240x128xf32, #tpu.memory_space<vmem_shared>> -> memref<80x128xf32, #tpu.memory_space<vmem_shared>>
    tpu.wait_dma2 semaphore(%arg27 : memref<!tpu.dma_semaphore, #tpu.memory_space<semaphore_mem>>) src(%arg15 : memref<80x128xf32, #tpu.memory_space<vmem>>) dst(%dma_wait3A_273 : memref<80x128xf32, #tpu.memory_space<vmem_shared>>)
    %dma_wait3A_274 = arith.constant 0 : i32
    %dma_wait3A_275 = arith.constant 0 : i32
    %dma_wait3A_276 = tpu.memref_slice %arg19[%dma_wait3A_274, %dma_wait3A_275] : memref<10240x128xf32, #tpu.memory_space<vmem_shared>> -> memref<80x128xf32, #tpu.memory_space<vmem_shared>>
    %dma_wait3A_277 = arith.constant 0 : i32
    %dma_wait3A_278 = arith.constant 0 : i32
    %dma_wait3A_279 = tpu.memref_slice %arg19[%dma_wait3A_277, %dma_wait3A_278] : memref<10240x128xf32, #tpu.memory_space<vmem_shared>> -> memref<80x128xf32, #tpu.memory_space<vmem_shared>>
    tpu.wait_dma2 semaphore(%arg28 : memref<!tpu.dma_semaphore, #tpu.memory_space<semaphore_mem>>) src(%arg16 : memref<80x128xf32, #tpu.memory_space<vmem>>) dst(%dma_wait3A_279 : memref<80x128xf32, #tpu.memory_space<vmem_shared>>)
    %barrier3A_280 = arith.constant 0 : index
    tpu.barrier barrier_id(%barrier3A_280)
    %mul3A_281 = arith.constant 640 : i32
    %mul3A_282 = arith.muli %arg1, %mul3A_281 : i32
    %add3A_283 = arith.constant 0 : i32
    %add3A_284 = arith.addi %mul3A_282, %add3A_283 : i32
    "tpu.region"() ({
      %run_scoped3A = tpu.sem_alloc : memref<!tpu.dma_semaphore, #tpu.memory_space<semaphore_mem>>
      %dma_start3A_347 = arith.constant 0 : i32
      %dma_start3A_348 = tpu.memref_slice %arg5[%arg0, %add3A_284, %dma_start3A_347] : memref<2x10240x128xf32, #tpu.memory_space<hbm>> -> memref<1x40x128xf32, #tpu.memory_space<hbm>>
      %dma_start3A_349 = tpu.memref_squeeze %dma_start3A_348 : memref<1x40x128xf32, #tpu.memory_space<hbm>> -> memref<40x128xf32, #tpu.memory_space<hbm>>
      %dma_start3A_350 = arith.constant 0 : i32
      %dma_start3A_351 = tpu.memref_slice %arg19[%add3A_284, %dma_start3A_350] : memref<10240x128xf32, #tpu.memory_space<vmem_shared>> -> memref<40x128xf32, #tpu.memory_space<vmem_shared>>
      tpu.enqueue_dma source(%dma_start3A_351 : memref<40x128xf32, #tpu.memory_space<vmem_shared>>) target(%dma_start3A_349 : memref<40x128xf32, #tpu.memory_space<hbm>>) target_semaphore(%run_scoped3A : memref<!tpu.dma_semaphore, #tpu.memory_space<semaphore_mem>>)
      %dma_wait3A_352 = arith.constant 0 : i32
      %dma_wait3A_353 = tpu.memref_slice %arg5[%arg0, %add3A_284, %dma_wait3A_352] : memref<2x10240x128xf32, #tpu.memory_space<hbm>> -> memref<1x40x128xf32, #tpu.memory_space<hbm>>
      %dma_wait3A_354 = tpu.memref_squeeze %dma_wait3A_353 : memref<1x40x128xf32, #tpu.memory_space<hbm>> -> memref<40x128xf32, #tpu.memory_space<hbm>>
      %dma_wait3A_355 = arith.constant 0 : i32
      %dma_wait3A_356 = tpu.memref_slice %arg19[%add3A_284, %dma_wait3A_355] : memref<10240x128xf32, #tpu.memory_space<vmem_shared>> -> memref<40x128xf32, #tpu.memory_space<vmem_shared>>
      tpu.wait_dma2 semaphore(%run_scoped3A : memref<!tpu.dma_semaphore, #tpu.memory_space<semaphore_mem>>) src(%dma_wait3A_356 : memref<40x128xf32, #tpu.memory_space<vmem_shared>>) dst(%dma_wait3A_354 : memref<40x128xf32, #tpu.memory_space<hbm>>)
      tpu.yield
    }) : () -> ()
    %mul3A_285 = arith.constant 640 : i32
    %mul3A_286 = arith.muli %arg1, %mul3A_285 : i32
    %add3A_287 = arith.constant 40 : i32
    %add3A_288 = arith.addi %mul3A_286, %add3A_287 : i32
    "tpu.region"() ({
      %run_scoped3A = tpu.sem_alloc : memref<!tpu.dma_semaphore, #tpu.memory_space<semaphore_mem>>
      %dma_start3A_347 = arith.constant 0 : i32
      %dma_start3A_348 = tpu.memref_slice %arg5[%arg0, %add3A_288, %dma_start3A_347] : memref<2x10240x128xf32, #tpu.memory_space<hbm>> -> memref<1x40x128xf32, #tpu.memory_space<hbm>>
      %dma_start3A_349 = tpu.memref_squeeze %dma_start3A_348 : memref<1x40x128xf32, #tpu.memory_space<hbm>> -> memref<40x128xf32, #tpu.memory_space<hbm>>
      %dma_start3A_350 = arith.constant 0 : i32
      %dma_start3A_351 = tpu.memref_slice %arg19[%add3A_288, %dma_start3A_350] : memref<10240x128xf32, #tpu.memory_space<vmem_shared>> -> memref<40x128xf32, #tpu.memory_space<vmem_shared>>
      tpu.enqueue_dma source(%dma_start3A_351 : memref<40x128xf32, #tpu.memory_space<vmem_shared>>) target(%dma_start3A_349 : memref<40x128xf32, #tpu.memory_space<hbm>>) target_semaphore(%run_scoped3A : memref<!tpu.dma_semaphore, #tpu.memory_space<semaphore_mem>>)
      %dma_wait3A_352 = arith.constant 0 : i32
      %dma_wait3A_353 = tpu.memref_slice %arg5[%arg0, %add3A_288, %dma_wait3A_352] : memref<2x10240x128xf32, #tpu.memory_space<hbm>> -> memref<1x40x128xf32, #tpu.memory_space<hbm>>
      %dma_wait3A_354 = tpu.memref_squeeze %dma_wait3A_353 : memref<1x40x128xf32, #tpu.memory_space<hbm>> -> memref<40x128xf32, #tpu.memory_space<hbm>>
      %dma_wait3A_355 = arith.constant 0 : i32
      %dma_wait3A_356 = tpu.memref_slice %arg19[%add3A_288, %dma_wait3A_355] : memref<10240x128xf32, #tpu.memory_space<vmem_shared>> -> memref<40x128xf32, #tpu.memory_space<vmem_shared>>
      tpu.wait_dma2 semaphore(%run_scoped3A : memref<!tpu.dma_semaphore, #tpu.memory_space<semaphore_mem>>) src(%dma_wait3A_356 : memref<40x128xf32, #tpu.memory_space<vmem_shared>>) dst(%dma_wait3A_354 : memref<40x128xf32, #tpu.memory_space<hbm>>)
      tpu.yield
    }) : () -> ()
    %mul3A_289 = arith.constant 640 : i32
    %mul3A_290 = arith.muli %arg1, %mul3A_289 : i32
    %add3A_291 = arith.constant 80 : i32
    %add3A_292 = arith.addi %mul3A_290, %add3A_291 : i32
    "tpu.region"() ({
      %run_scoped3A = tpu.sem_alloc : memref<!tpu.dma_semaphore, #tpu.memory_space<semaphore_mem>>
      %dma_start3A_347 = arith.constant 0 : i32
      %dma_start3A_348 = tpu.memref_slice %arg5[%arg0, %add3A_292, %dma_start3A_347] : memref<2x10240x128xf32, #tpu.memory_space<hbm>> -> memref<1x40x128xf32, #tpu.memory_space<hbm>>
      %dma_start3A_349 = tpu.memref_squeeze %dma_start3A_348 : memref<1x40x128xf32, #tpu.memory_space<hbm>> -> memref<40x128xf32, #tpu.memory_space<hbm>>
      %dma_start3A_350 = arith.constant 0 : i32
      %dma_start3A_351 = tpu.memref_slice %arg19[%add3A_292, %dma_start3A_350] : memref<10240x128xf32, #tpu.memory_space<vmem_shared>> -> memref<40x128xf32, #tpu.memory_space<vmem_shared>>
      tpu.enqueue_dma source(%dma_start3A_351 : memref<40x128xf32, #tpu.memory_space<vmem_shared>>) target(%dma_start3A_349 : memref<40x128xf32, #tpu.memory_space<hbm>>) target_semaphore(%run_scoped3A : memref<!tpu.dma_semaphore, #tpu.memory_space<semaphore_mem>>)
      %dma_wait3A_352 = arith.constant 0 : i32
      %dma_wait3A_353 = tpu.memref_slice %arg5[%arg0, %add3A_292, %dma_wait3A_352] : memref<2x10240x128xf32, #tpu.memory_space<hbm>> -> memref<1x40x128xf32, #tpu.memory_space<hbm>>
      %dma_wait3A_354 = tpu.memref_squeeze %dma_wait3A_353 : memref<1x40x128xf32, #tpu.memory_space<hbm>> -> memref<40x128xf32, #tpu.memory_space<hbm>>
      %dma_wait3A_355 = arith.constant 0 : i32
      %dma_wait3A_356 = tpu.memref_slice %arg19[%add3A_292, %dma_wait3A_355] : memref<10240x128xf32, #tpu.memory_space<vmem_shared>> -> memref<40x128xf32, #tpu.memory_space<vmem_shared>>
      tpu.wait_dma2 semaphore(%run_scoped3A : memref<!tpu.dma_semaphore, #tpu.memory_space<semaphore_mem>>) src(%dma_wait3A_356 : memref<40x128xf32, #tpu.memory_space<vmem_shared>>) dst(%dma_wait3A_354 : memref<40x128xf32, #tpu.memory_space<hbm>>)
      tpu.yield
    }) : () -> ()
    %mul3A_293 = arith.constant 640 : i32
    %mul3A_294 = arith.muli %arg1, %mul3A_293 : i32
    %add3A_295 = arith.constant 120 : i32
    %add3A_296 = arith.addi %mul3A_294, %add3A_295 : i32
    "tpu.region"() ({
      %run_scoped3A = tpu.sem_alloc : memref<!tpu.dma_semaphore, #tpu.memory_space<semaphore_mem>>
      %dma_start3A_347 = arith.constant 0 : i32
      %dma_start3A_348 = tpu.memref_slice %arg5[%arg0, %add3A_296, %dma_start3A_347] : memref<2x10240x128xf32, #tpu.memory_space<hbm>> -> memref<1x40x128xf32, #tpu.memory_space<hbm>>
      %dma_start3A_349 = tpu.memref_squeeze %dma_start3A_348 : memref<1x40x128xf32, #tpu.memory_space<hbm>> -> memref<40x128xf32, #tpu.memory_space<hbm>>
      %dma_start3A_350 = arith.constant 0 : i32
      %dma_start3A_351 = tpu.memref_slice %arg19[%add3A_296, %dma_start3A_350] : memref<10240x128xf32, #tpu.memory_space<vmem_shared>> -> memref<40x128xf32, #tpu.memory_space<vmem_shared>>
      tpu.enqueue_dma source(%dma_start3A_351 : memref<40x128xf32, #tpu.memory_space<vmem_shared>>) target(%dma_start3A_349 : memref<40x128xf32, #tpu.memory_space<hbm>>) target_semaphore(%run_scoped3A : memref<!tpu.dma_semaphore, #tpu.memory_space<semaphore_mem>>)
      %dma_wait3A_352 = arith.constant 0 : i32
      %dma_wait3A_353 = tpu.memref_slice %arg5[%arg0, %add3A_296, %dma_wait3A_352] : memref<2x10240x128xf32, #tpu.memory_space<hbm>> -> memref<1x40x128xf32, #tpu.memory_space<hbm>>
      %dma_wait3A_354 = tpu.memref_squeeze %dma_wait3A_353 : memref<1x40x128xf32, #tpu.memory_space<hbm>> -> memref<40x128xf32, #tpu.memory_space<hbm>>
      %dma_wait3A_355 = arith.constant 0 : i32
      %dma_wait3A_356 = tpu.memref_slice %arg19[%add3A_296, %dma_wait3A_355] : memref<10240x128xf32, #tpu.memory_space<vmem_shared>> -> memref<40x128xf32, #tpu.memory_space<vmem_shared>>
      tpu.wait_dma2 semaphore(%run_scoped3A : memref<!tpu.dma_semaphore, #tpu.memory_space<semaphore_mem>>) src(%dma_wait3A_356 : memref<40x128xf32, #tpu.memory_space<vmem_shared>>) dst(%dma_wait3A_354 : memref<40x128xf32, #tpu.memory_space<hbm>>)
      tpu.yield
    }) : () -> ()
    %mul3A_297 = arith.constant 640 : i32
    %mul3A_298 = arith.muli %arg1, %mul3A_297 : i32
    %add3A_299 = arith.constant 160 : i32
    %add3A_300 = arith.addi %mul3A_298, %add3A_299 : i32
    "tpu.region"() ({
      %run_scoped3A = tpu.sem_alloc : memref<!tpu.dma_semaphore, #tpu.memory_space<semaphore_mem>>
      %dma_start3A_347 = arith.constant 0 : i32
      %dma_start3A_348 = tpu.memref_slice %arg5[%arg0, %add3A_300, %dma_start3A_347] : memref<2x10240x128xf32, #tpu.memory_space<hbm>> -> memref<1x40x128xf32, #tpu.memory_space<hbm>>
      %dma_start3A_349 = tpu.memref_squeeze %dma_start3A_348 : memref<1x40x128xf32, #tpu.memory_space<hbm>> -> memref<40x128xf32, #tpu.memory_space<hbm>>
      %dma_start3A_350 = arith.constant 0 : i32
      %dma_start3A_351 = tpu.memref_slice %arg19[%add3A_300, %dma_start3A_350] : memref<10240x128xf32, #tpu.memory_space<vmem_shared>> -> memref<40x128xf32, #tpu.memory_space<vmem_shared>>
      tpu.enqueue_dma source(%dma_start3A_351 : memref<40x128xf32, #tpu.memory_space<vmem_shared>>) target(%dma_start3A_349 : memref<40x128xf32, #tpu.memory_space<hbm>>) target_semaphore(%run_scoped3A : memref<!tpu.dma_semaphore, #tpu.memory_space<semaphore_mem>>)
      %dma_wait3A_352 = arith.constant 0 : i32
      %dma_wait3A_353 = tpu.memref_slice %arg5[%arg0, %add3A_300, %dma_wait3A_352] : memref<2x10240x128xf32, #tpu.memory_space<hbm>> -> memref<1x40x128xf32, #tpu.memory_space<hbm>>
      %dma_wait3A_354 = tpu.memref_squeeze %dma_wait3A_353 : memref<1x40x128xf32, #tpu.memory_space<hbm>> -> memref<40x128xf32, #tpu.memory_space<hbm>>
      %dma_wait3A_355 = arith.constant 0 : i32
      %dma_wait3A_356 = tpu.memref_slice %arg19[%add3A_300, %dma_wait3A_355] : memref<10240x128xf32, #tpu.memory_space<vmem_shared>> -> memref<40x128xf32, #tpu.memory_space<vmem_shared>>
      tpu.wait_dma2 semaphore(%run_scoped3A : memref<!tpu.dma_semaphore, #tpu.memory_space<semaphore_mem>>) src(%dma_wait3A_356 : memref<40x128xf32, #tpu.memory_space<vmem_shared>>) dst(%dma_wait3A_354 : memref<40x128xf32, #tpu.memory_space<hbm>>)
      tpu.yield
    }) : () -> ()
    %mul3A_301 = arith.constant 640 : i32
    %mul3A_302 = arith.muli %arg1, %mul3A_301 : i32
    %add3A_303 = arith.constant 200 : i32
    %add3A_304 = arith.addi %mul3A_302, %add3A_303 : i32
    "tpu.region"() ({
      %run_scoped3A = tpu.sem_alloc : memref<!tpu.dma_semaphore, #tpu.memory_space<semaphore_mem>>
      %dma_start3A_347 = arith.constant 0 : i32
      %dma_start3A_348 = tpu.memref_slice %arg5[%arg0, %add3A_304, %dma_start3A_347] : memref<2x10240x128xf32, #tpu.memory_space<hbm>> -> memref<1x40x128xf32, #tpu.memory_space<hbm>>
      %dma_start3A_349 = tpu.memref_squeeze %dma_start3A_348 : memref<1x40x128xf32, #tpu.memory_space<hbm>> -> memref<40x128xf32, #tpu.memory_space<hbm>>
      %dma_start3A_350 = arith.constant 0 : i32
      %dma_start3A_351 = tpu.memref_slice %arg19[%add3A_304, %dma_start3A_350] : memref<10240x128xf32, #tpu.memory_space<vmem_shared>> -> memref<40x128xf32, #tpu.memory_space<vmem_shared>>
      tpu.enqueue_dma source(%dma_start3A_351 : memref<40x128xf32, #tpu.memory_space<vmem_shared>>) target(%dma_start3A_349 : memref<40x128xf32, #tpu.memory_space<hbm>>) target_semaphore(%run_scoped3A : memref<!tpu.dma_semaphore, #tpu.memory_space<semaphore_mem>>)
      %dma_wait3A_352 = arith.constant 0 : i32
      %dma_wait3A_353 = tpu.memref_slice %arg5[%arg0, %add3A_304, %dma_wait3A_352] : memref<2x10240x128xf32, #tpu.memory_space<hbm>> -> memref<1x40x128xf32, #tpu.memory_space<hbm>>
      %dma_wait3A_354 = tpu.memref_squeeze %dma_wait3A_353 : memref<1x40x128xf32, #tpu.memory_space<hbm>> -> memref<40x128xf32, #tpu.memory_space<hbm>>
      %dma_wait3A_355 = arith.constant 0 : i32
      %dma_wait3A_356 = tpu.memref_slice %arg19[%add3A_304, %dma_wait3A_355] : memref<10240x128xf32, #tpu.memory_space<vmem_shared>> -> memref<40x128xf32, #tpu.memory_space<vmem_shared>>
      tpu.wait_dma2 semaphore(%run_scoped3A : memref<!tpu.dma_semaphore, #tpu.memory_space<semaphore_mem>>) src(%dma_wait3A_356 : memref<40x128xf32, #tpu.memory_space<vmem_shared>>) dst(%dma_wait3A_354 : memref<40x128xf32, #tpu.memory_space<hbm>>)
      tpu.yield
    }) : () -> ()
    %mul3A_305 = arith.constant 640 : i32
    %mul3A_306 = arith.muli %arg1, %mul3A_305 : i32
    %add3A_307 = arith.constant 240 : i32
    %add3A_308 = arith.addi %mul3A_306, %add3A_307 : i32
    "tpu.region"() ({
      %run_scoped3A = tpu.sem_alloc : memref<!tpu.dma_semaphore, #tpu.memory_space<semaphore_mem>>
      %dma_start3A_347 = arith.constant 0 : i32
      %dma_start3A_348 = tpu.memref_slice %arg5[%arg0, %add3A_308, %dma_start3A_347] : memref<2x10240x128xf32, #tpu.memory_space<hbm>> -> memref<1x40x128xf32, #tpu.memory_space<hbm>>
      %dma_start3A_349 = tpu.memref_squeeze %dma_start3A_348 : memref<1x40x128xf32, #tpu.memory_space<hbm>> -> memref<40x128xf32, #tpu.memory_space<hbm>>
      %dma_start3A_350 = arith.constant 0 : i32
      %dma_start3A_351 = tpu.memref_slice %arg19[%add3A_308, %dma_start3A_350] : memref<10240x128xf32, #tpu.memory_space<vmem_shared>> -> memref<40x128xf32, #tpu.memory_space<vmem_shared>>
      tpu.enqueue_dma source(%dma_start3A_351 : memref<40x128xf32, #tpu.memory_space<vmem_shared>>) target(%dma_start3A_349 : memref<40x128xf32, #tpu.memory_space<hbm>>) target_semaphore(%run_scoped3A : memref<!tpu.dma_semaphore, #tpu.memory_space<semaphore_mem>>)
      %dma_wait3A_352 = arith.constant 0 : i32
      %dma_wait3A_353 = tpu.memref_slice %arg5[%arg0, %add3A_308, %dma_wait3A_352] : memref<2x10240x128xf32, #tpu.memory_space<hbm>> -> memref<1x40x128xf32, #tpu.memory_space<hbm>>
      %dma_wait3A_354 = tpu.memref_squeeze %dma_wait3A_353 : memref<1x40x128xf32, #tpu.memory_space<hbm>> -> memref<40x128xf32, #tpu.memory_space<hbm>>
      %dma_wait3A_355 = arith.constant 0 : i32
      %dma_wait3A_356 = tpu.memref_slice %arg19[%add3A_308, %dma_wait3A_355] : memref<10240x128xf32, #tpu.memory_space<vmem_shared>> -> memref<40x128xf32, #tpu.memory_space<vmem_shared>>
      tpu.wait_dma2 semaphore(%run_scoped3A : memref<!tpu.dma_semaphore, #tpu.memory_space<semaphore_mem>>) src(%dma_wait3A_356 : memref<40x128xf32, #tpu.memory_space<vmem_shared>>) dst(%dma_wait3A_354 : memref<40x128xf32, #tpu.memory_space<hbm>>)
      tpu.yield
    }) : () -> ()
    %mul3A_309 = arith.constant 640 : i32
    %mul3A_310 = arith.muli %arg1, %mul3A_309 : i32
    %add3A_311 = arith.constant 280 : i32
    %add3A_312 = arith.addi %mul3A_310, %add3A_311 : i32
    "tpu.region"() ({
      %run_scoped3A = tpu.sem_alloc : memref<!tpu.dma_semaphore, #tpu.memory_space<semaphore_mem>>
      %dma_start3A_347 = arith.constant 0 : i32
      %dma_start3A_348 = tpu.memref_slice %arg5[%arg0, %add3A_312, %dma_start3A_347] : memref<2x10240x128xf32, #tpu.memory_space<hbm>> -> memref<1x40x128xf32, #tpu.memory_space<hbm>>
      %dma_start3A_349 = tpu.memref_squeeze %dma_start3A_348 : memref<1x40x128xf32, #tpu.memory_space<hbm>> -> memref<40x128xf32, #tpu.memory_space<hbm>>
      %dma_start3A_350 = arith.constant 0 : i32
      %dma_start3A_351 = tpu.memref_slice %arg19[%add3A_312, %dma_start3A_350] : memref<10240x128xf32, #tpu.memory_space<vmem_shared>> -> memref<40x128xf32, #tpu.memory_space<vmem_shared>>
      tpu.enqueue_dma source(%dma_start3A_351 : memref<40x128xf32, #tpu.memory_space<vmem_shared>>) target(%dma_start3A_349 : memref<40x128xf32, #tpu.memory_space<hbm>>) target_semaphore(%run_scoped3A : memref<!tpu.dma_semaphore, #tpu.memory_space<semaphore_mem>>)
      %dma_wait3A_352 = arith.constant 0 : i32
      %dma_wait3A_353 = tpu.memref_slice %arg5[%arg0, %add3A_312, %dma_wait3A_352] : memref<2x10240x128xf32, #tpu.memory_space<hbm>> -> memref<1x40x128xf32, #tpu.memory_space<hbm>>
      %dma_wait3A_354 = tpu.memref_squeeze %dma_wait3A_353 : memref<1x40x128xf32, #tpu.memory_space<hbm>> -> memref<40x128xf32, #tpu.memory_space<hbm>>
      %dma_wait3A_355 = arith.constant 0 : i32
      %dma_wait3A_356 = tpu.memref_slice %arg19[%add3A_312, %dma_wait3A_355] : memref<10240x128xf32, #tpu.memory_space<vmem_shared>> -> memref<40x128xf32, #tpu.memory_space<vmem_shared>>
      tpu.wait_dma2 semaphore(%run_scoped3A : memref<!tpu.dma_semaphore, #tpu.memory_space<semaphore_mem>>) src(%dma_wait3A_356 : memref<40x128xf32, #tpu.memory_space<vmem_shared>>) dst(%dma_wait3A_354 : memref<40x128xf32, #tpu.memory_space<hbm>>)
      tpu.yield
    }) : () -> ()
    %mul3A_313 = arith.constant 640 : i32
    %mul3A_314 = arith.muli %arg1, %mul3A_313 : i32
    %add3A_315 = arith.constant 320 : i32
    %add3A_316 = arith.addi %mul3A_314, %add3A_315 : i32
    "tpu.region"() ({
      %run_scoped3A = tpu.sem_alloc : memref<!tpu.dma_semaphore, #tpu.memory_space<semaphore_mem>>
      %dma_start3A_347 = arith.constant 0 : i32
      %dma_start3A_348 = tpu.memref_slice %arg5[%arg0, %add3A_316, %dma_start3A_347] : memref<2x10240x128xf32, #tpu.memory_space<hbm>> -> memref<1x40x128xf32, #tpu.memory_space<hbm>>
      %dma_start3A_349 = tpu.memref_squeeze %dma_start3A_348 : memref<1x40x128xf32, #tpu.memory_space<hbm>> -> memref<40x128xf32, #tpu.memory_space<hbm>>
      %dma_start3A_350 = arith.constant 0 : i32
      %dma_start3A_351 = tpu.memref_slice %arg19[%add3A_316, %dma_start3A_350] : memref<10240x128xf32, #tpu.memory_space<vmem_shared>> -> memref<40x128xf32, #tpu.memory_space<vmem_shared>>
      tpu.enqueue_dma source(%dma_start3A_351 : memref<40x128xf32, #tpu.memory_space<vmem_shared>>) target(%dma_start3A_349 : memref<40x128xf32, #tpu.memory_space<hbm>>) target_semaphore(%run_scoped3A : memref<!tpu.dma_semaphore, #tpu.memory_space<semaphore_mem>>)
      %dma_wait3A_352 = arith.constant 0 : i32
      %dma_wait3A_353 = tpu.memref_slice %arg5[%arg0, %add3A_316, %dma_wait3A_352] : memref<2x10240x128xf32, #tpu.memory_space<hbm>> -> memref<1x40x128xf32, #tpu.memory_space<hbm>>
      %dma_wait3A_354 = tpu.memref_squeeze %dma_wait3A_353 : memref<1x40x128xf32, #tpu.memory_space<hbm>> -> memref<40x128xf32, #tpu.memory_space<hbm>>
      %dma_wait3A_355 = arith.constant 0 : i32
      %dma_wait3A_356 = tpu.memref_slice %arg19[%add3A_316, %dma_wait3A_355] : memref<10240x128xf32, #tpu.memory_space<vmem_shared>> -> memref<40x128xf32, #tpu.memory_space<vmem_shared>>
      tpu.wait_dma2 semaphore(%run_scoped3A : memref<!tpu.dma_semaphore, #tpu.memory_space<semaphore_mem>>) src(%dma_wait3A_356 : memref<40x128xf32, #tpu.memory_space<vmem_shared>>) dst(%dma_wait3A_354 : memref<40x128xf32, #tpu.memory_space<hbm>>)
      tpu.yield
    }) : () -> ()
    %mul3A_317 = arith.constant 640 : i32
    %mul3A_318 = arith.muli %arg1, %mul3A_317 : i32
    %add3A_319 = arith.constant 360 : i32
    %add3A_320 = arith.addi %mul3A_318, %add3A_319 : i32
    "tpu.region"() ({
      %run_scoped3A = tpu.sem_alloc : memref<!tpu.dma_semaphore, #tpu.memory_space<semaphore_mem>>
      %dma_start3A_347 = arith.constant 0 : i32
      %dma_start3A_348 = tpu.memref_slice %arg5[%arg0, %add3A_320, %dma_start3A_347] : memref<2x10240x128xf32, #tpu.memory_space<hbm>> -> memref<1x40x128xf32, #tpu.memory_space<hbm>>
      %dma_start3A_349 = tpu.memref_squeeze %dma_start3A_348 : memref<1x40x128xf32, #tpu.memory_space<hbm>> -> memref<40x128xf32, #tpu.memory_space<hbm>>
      %dma_start3A_350 = arith.constant 0 : i32
      %dma_start3A_351 = tpu.memref_slice %arg19[%add3A_320, %dma_start3A_350] : memref<10240x128xf32, #tpu.memory_space<vmem_shared>> -> memref<40x128xf32, #tpu.memory_space<vmem_shared>>
      tpu.enqueue_dma source(%dma_start3A_351 : memref<40x128xf32, #tpu.memory_space<vmem_shared>>) target(%dma_start3A_349 : memref<40x128xf32, #tpu.memory_space<hbm>>) target_semaphore(%run_scoped3A : memref<!tpu.dma_semaphore, #tpu.memory_space<semaphore_mem>>)
      %dma_wait3A_352 = arith.constant 0 : i32
      %dma_wait3A_353 = tpu.memref_slice %arg5[%arg0, %add3A_320, %dma_wait3A_352] : memref<2x10240x128xf32, #tpu.memory_space<hbm>> -> memref<1x40x128xf32, #tpu.memory_space<hbm>>
      %dma_wait3A_354 = tpu.memref_squeeze %dma_wait3A_353 : memref<1x40x128xf32, #tpu.memory_space<hbm>> -> memref<40x128xf32, #tpu.memory_space<hbm>>
      %dma_wait3A_355 = arith.constant 0 : i32
      %dma_wait3A_356 = tpu.memref_slice %arg19[%add3A_320, %dma_wait3A_355] : memref<10240x128xf32, #tpu.memory_space<vmem_shared>> -> memref<40x128xf32, #tpu.memory_space<vmem_shared>>
      tpu.wait_dma2 semaphore(%run_scoped3A : memref<!tpu.dma_semaphore, #tpu.memory_space<semaphore_mem>>) src(%dma_wait3A_356 : memref<40x128xf32, #tpu.memory_space<vmem_shared>>) dst(%dma_wait3A_354 : memref<40x128xf32, #tpu.memory_space<hbm>>)
      tpu.yield
    }) : () -> ()
    %mul3A_321 = arith.constant 640 : i32
    %mul3A_322 = arith.muli %arg1, %mul3A_321 : i32
    %add3A_323 = arith.constant 400 : i32
    %add3A_324 = arith.addi %mul3A_322, %add3A_323 : i32
    "tpu.region"() ({
      %run_scoped3A = tpu.sem_alloc : memref<!tpu.dma_semaphore, #tpu.memory_space<semaphore_mem>>
      %dma_start3A_347 = arith.constant 0 : i32
      %dma_start3A_348 = tpu.memref_slice %arg5[%arg0, %add3A_324, %dma_start3A_347] : memref<2x10240x128xf32, #tpu.memory_space<hbm>> -> memref<1x40x128xf32, #tpu.memory_space<hbm>>
      %dma_start3A_349 = tpu.memref_squeeze %dma_start3A_348 : memref<1x40x128xf32, #tpu.memory_space<hbm>> -> memref<40x128xf32, #tpu.memory_space<hbm>>
      %dma_start3A_350 = arith.constant 0 : i32
      %dma_start3A_351 = tpu.memref_slice %arg19[%add3A_324, %dma_start3A_350] : memref<10240x128xf32, #tpu.memory_space<vmem_shared>> -> memref<40x128xf32, #tpu.memory_space<vmem_shared>>
      tpu.enqueue_dma source(%dma_start3A_351 : memref<40x128xf32, #tpu.memory_space<vmem_shared>>) target(%dma_start3A_349 : memref<40x128xf32, #tpu.memory_space<hbm>>) target_semaphore(%run_scoped3A : memref<!tpu.dma_semaphore, #tpu.memory_space<semaphore_mem>>)
      %dma_wait3A_352 = arith.constant 0 : i32
      %dma_wait3A_353 = tpu.memref_slice %arg5[%arg0, %add3A_324, %dma_wait3A_352] : memref<2x10240x128xf32, #tpu.memory_space<hbm>> -> memref<1x40x128xf32, #tpu.memory_space<hbm>>
      %dma_wait3A_354 = tpu.memref_squeeze %dma_wait3A_353 : memref<1x40x128xf32, #tpu.memory_space<hbm>> -> memref<40x128xf32, #tpu.memory_space<hbm>>
      %dma_wait3A_355 = arith.constant 0 : i32
      %dma_wait3A_356 = tpu.memref_slice %arg19[%add3A_324, %dma_wait3A_355] : memref<10240x128xf32, #tpu.memory_space<vmem_shared>> -> memref<40x128xf32, #tpu.memory_space<vmem_shared>>
      tpu.wait_dma2 semaphore(%run_scoped3A : memref<!tpu.dma_semaphore, #tpu.memory_space<semaphore_mem>>) src(%dma_wait3A_356 : memref<40x128xf32, #tpu.memory_space<vmem_shared>>) dst(%dma_wait3A_354 : memref<40x128xf32, #tpu.memory_space<hbm>>)
      tpu.yield
    }) : () -> ()
    %mul3A_325 = arith.constant 640 : i32
    %mul3A_326 = arith.muli %arg1, %mul3A_325 : i32
    %add3A_327 = arith.constant 440 : i32
    %add3A_328 = arith.addi %mul3A_326, %add3A_327 : i32
    "tpu.region"() ({
      %run_scoped3A = tpu.sem_alloc : memref<!tpu.dma_semaphore, #tpu.memory_space<semaphore_mem>>
      %dma_start3A_347 = arith.constant 0 : i32
      %dma_start3A_348 = tpu.memref_slice %arg5[%arg0, %add3A_328, %dma_start3A_347] : memref<2x10240x128xf32, #tpu.memory_space<hbm>> -> memref<1x40x128xf32, #tpu.memory_space<hbm>>
      %dma_start3A_349 = tpu.memref_squeeze %dma_start3A_348 : memref<1x40x128xf32, #tpu.memory_space<hbm>> -> memref<40x128xf32, #tpu.memory_space<hbm>>
      %dma_start3A_350 = arith.constant 0 : i32
      %dma_start3A_351 = tpu.memref_slice %arg19[%add3A_328, %dma_start3A_350] : memref<10240x128xf32, #tpu.memory_space<vmem_shared>> -> memref<40x128xf32, #tpu.memory_space<vmem_shared>>
      tpu.enqueue_dma source(%dma_start3A_351 : memref<40x128xf32, #tpu.memory_space<vmem_shared>>) target(%dma_start3A_349 : memref<40x128xf32, #tpu.memory_space<hbm>>) target_semaphore(%run_scoped3A : memref<!tpu.dma_semaphore, #tpu.memory_space<semaphore_mem>>)
      %dma_wait3A_352 = arith.constant 0 : i32
      %dma_wait3A_353 = tpu.memref_slice %arg5[%arg0, %add3A_328, %dma_wait3A_352] : memref<2x10240x128xf32, #tpu.memory_space<hbm>> -> memref<1x40x128xf32, #tpu.memory_space<hbm>>
      %dma_wait3A_354 = tpu.memref_squeeze %dma_wait3A_353 : memref<1x40x128xf32, #tpu.memory_space<hbm>> -> memref<40x128xf32, #tpu.memory_space<hbm>>
      %dma_wait3A_355 = arith.constant 0 : i32
      %dma_wait3A_356 = tpu.memref_slice %arg19[%add3A_328, %dma_wait3A_355] : memref<10240x128xf32, #tpu.memory_space<vmem_shared>> -> memref<40x128xf32, #tpu.memory_space<vmem_shared>>
      tpu.wait_dma2 semaphore(%run_scoped3A : memref<!tpu.dma_semaphore, #tpu.memory_space<semaphore_mem>>) src(%dma_wait3A_356 : memref<40x128xf32, #tpu.memory_space<vmem_shared>>) dst(%dma_wait3A_354 : memref<40x128xf32, #tpu.memory_space<hbm>>)
      tpu.yield
    }) : () -> ()
    %mul3A_329 = arith.constant 640 : i32
    %mul3A_330 = arith.muli %arg1, %mul3A_329 : i32
    %add3A_331 = arith.constant 480 : i32
    %add3A_332 = arith.addi %mul3A_330, %add3A_331 : i32
    "tpu.region"() ({
      %run_scoped3A = tpu.sem_alloc : memref<!tpu.dma_semaphore, #tpu.memory_space<semaphore_mem>>
      %dma_start3A_347 = arith.constant 0 : i32
      %dma_start3A_348 = tpu.memref_slice %arg5[%arg0, %add3A_332, %dma_start3A_347] : memref<2x10240x128xf32, #tpu.memory_space<hbm>> -> memref<1x40x128xf32, #tpu.memory_space<hbm>>
      %dma_start3A_349 = tpu.memref_squeeze %dma_start3A_348 : memref<1x40x128xf32, #tpu.memory_space<hbm>> -> memref<40x128xf32, #tpu.memory_space<hbm>>
      %dma_start3A_350 = arith.constant 0 : i32
      %dma_start3A_351 = tpu.memref_slice %arg19[%add3A_332, %dma_start3A_350] : memref<10240x128xf32, #tpu.memory_space<vmem_shared>> -> memref<40x128xf32, #tpu.memory_space<vmem_shared>>
      tpu.enqueue_dma source(%dma_start3A_351 : memref<40x128xf32, #tpu.memory_space<vmem_shared>>) target(%dma_start3A_349 : memref<40x128xf32, #tpu.memory_space<hbm>>) target_semaphore(%run_scoped3A : memref<!tpu.dma_semaphore, #tpu.memory_space<semaphore_mem>>)
      %dma_wait3A_352 = arith.constant 0 : i32
      %dma_wait3A_353 = tpu.memref_slice %arg5[%arg0, %add3A_332, %dma_wait3A_352] : memref<2x10240x128xf32, #tpu.memory_space<hbm>> -> memref<1x40x128xf32, #tpu.memory_space<hbm>>
      %dma_wait3A_354 = tpu.memref_squeeze %dma_wait3A_353 : memref<1x40x128xf32, #tpu.memory_space<hbm>> -> memref<40x128xf32, #tpu.memory_space<hbm>>
      %dma_wait3A_355 = arith.constant 0 : i32
      %dma_wait3A_356 = tpu.memref_slice %arg19[%add3A_332, %dma_wait3A_355] : memref<10240x128xf32, #tpu.memory_space<vmem_shared>> -> memref<40x128xf32, #tpu.memory_space<vmem_shared>>
      tpu.wait_dma2 semaphore(%run_scoped3A : memref<!tpu.dma_semaphore, #tpu.memory_space<semaphore_mem>>) src(%dma_wait3A_356 : memref<40x128xf32, #tpu.memory_space<vmem_shared>>) dst(%dma_wait3A_354 : memref<40x128xf32, #tpu.memory_space<hbm>>)
      tpu.yield
    }) : () -> ()
    %mul3A_333 = arith.constant 640 : i32
    %mul3A_334 = arith.muli %arg1, %mul3A_333 : i32
    %add3A_335 = arith.constant 520 : i32
    %add3A_336 = arith.addi %mul3A_334, %add3A_335 : i32
    "tpu.region"() ({
      %run_scoped3A = tpu.sem_alloc : memref<!tpu.dma_semaphore, #tpu.memory_space<semaphore_mem>>
      %dma_start3A_347 = arith.constant 0 : i32
      %dma_start3A_348 = tpu.memref_slice %arg5[%arg0, %add3A_336, %dma_start3A_347] : memref<2x10240x128xf32, #tpu.memory_space<hbm>> -> memref<1x40x128xf32, #tpu.memory_space<hbm>>
      %dma_start3A_349 = tpu.memref_squeeze %dma_start3A_348 : memref<1x40x128xf32, #tpu.memory_space<hbm>> -> memref<40x128xf32, #tpu.memory_space<hbm>>
      %dma_start3A_350 = arith.constant 0 : i32
      %dma_start3A_351 = tpu.memref_slice %arg19[%add3A_336, %dma_start3A_350] : memref<10240x128xf32, #tpu.memory_space<vmem_shared>> -> memref<40x128xf32, #tpu.memory_space<vmem_shared>>
      tpu.enqueue_dma source(%dma_start3A_351 : memref<40x128xf32, #tpu.memory_space<vmem_shared>>) target(%dma_start3A_349 : memref<40x128xf32, #tpu.memory_space<hbm>>) target_semaphore(%run_scoped3A : memref<!tpu.dma_semaphore, #tpu.memory_space<semaphore_mem>>)
      %dma_wait3A_352 = arith.constant 0 : i32
      %dma_wait3A_353 = tpu.memref_slice %arg5[%arg0, %add3A_336, %dma_wait3A_352] : memref<2x10240x128xf32, #tpu.memory_space<hbm>> -> memref<1x40x128xf32, #tpu.memory_space<hbm>>
      %dma_wait3A_354 = tpu.memref_squeeze %dma_wait3A_353 : memref<1x40x128xf32, #tpu.memory_space<hbm>> -> memref<40x128xf32, #tpu.memory_space<hbm>>
      %dma_wait3A_355 = arith.constant 0 : i32
      %dma_wait3A_356 = tpu.memref_slice %arg19[%add3A_336, %dma_wait3A_355] : memref<10240x128xf32, #tpu.memory_space<vmem_shared>> -> memref<40x128xf32, #tpu.memory_space<vmem_shared>>
      tpu.wait_dma2 semaphore(%run_scoped3A : memref<!tpu.dma_semaphore, #tpu.memory_space<semaphore_mem>>) src(%dma_wait3A_356 : memref<40x128xf32, #tpu.memory_space<vmem_shared>>) dst(%dma_wait3A_354 : memref<40x128xf32, #tpu.memory_space<hbm>>)
      tpu.yield
    }) : () -> ()
    %mul3A_337 = arith.constant 640 : i32
    %mul3A_338 = arith.muli %arg1, %mul3A_337 : i32
    %add3A_339 = arith.constant 560 : i32
    %add3A_340 = arith.addi %mul3A_338, %add3A_339 : i32
    "tpu.region"() ({
      %run_scoped3A = tpu.sem_alloc : memref<!tpu.dma_semaphore, #tpu.memory_space<semaphore_mem>>
      %dma_start3A_347 = arith.constant 0 : i32
      %dma_start3A_348 = tpu.memref_slice %arg5[%arg0, %add3A_340, %dma_start3A_347] : memref<2x10240x128xf32, #tpu.memory_space<hbm>> -> memref<1x40x128xf32, #tpu.memory_space<hbm>>
      %dma_start3A_349 = tpu.memref_squeeze %dma_start3A_348 : memref<1x40x128xf32, #tpu.memory_space<hbm>> -> memref<40x128xf32, #tpu.memory_space<hbm>>
      %dma_start3A_350 = arith.constant 0 : i32
      %dma_start3A_351 = tpu.memref_slice %arg19[%add3A_340, %dma_start3A_350] : memref<10240x128xf32, #tpu.memory_space<vmem_shared>> -> memref<40x128xf32, #tpu.memory_space<vmem_shared>>
      tpu.enqueue_dma source(%dma_start3A_351 : memref<40x128xf32, #tpu.memory_space<vmem_shared>>) target(%dma_start3A_349 : memref<40x128xf32, #tpu.memory_space<hbm>>) target_semaphore(%run_scoped3A : memref<!tpu.dma_semaphore, #tpu.memory_space<semaphore_mem>>)
      %dma_wait3A_352 = arith.constant 0 : i32
      %dma_wait3A_353 = tpu.memref_slice %arg5[%arg0, %add3A_340, %dma_wait3A_352] : memref<2x10240x128xf32, #tpu.memory_space<hbm>> -> memref<1x40x128xf32, #tpu.memory_space<hbm>>
      %dma_wait3A_354 = tpu.memref_squeeze %dma_wait3A_353 : memref<1x40x128xf32, #tpu.memory_space<hbm>> -> memref<40x128xf32, #tpu.memory_space<hbm>>
      %dma_wait3A_355 = arith.constant 0 : i32
      %dma_wait3A_356 = tpu.memref_slice %arg19[%add3A_340, %dma_wait3A_355] : memref<10240x128xf32, #tpu.memory_space<vmem_shared>> -> memref<40x128xf32, #tpu.memory_space<vmem_shared>>
      tpu.wait_dma2 semaphore(%run_scoped3A : memref<!tpu.dma_semaphore, #tpu.memory_space<semaphore_mem>>) src(%dma_wait3A_356 : memref<40x128xf32, #tpu.memory_space<vmem_shared>>) dst(%dma_wait3A_354 : memref<40x128xf32, #tpu.memory_space<hbm>>)
      tpu.yield
    }) : () -> ()
    %mul3A_341 = arith.constant 640 : i32
    %mul3A_342 = arith.muli %arg1, %mul3A_341 : i32
    %add3A_343 = arith.constant 600 : i32
    %add3A_344 = arith.addi %mul3A_342, %add3A_343 : i32
    "tpu.region"() ({
      %run_scoped3A = tpu.sem_alloc : memref<!tpu.dma_semaphore, #tpu.memory_space<semaphore_mem>>
      %dma_start3A_347 = arith.constant 0 : i32
      %dma_start3A_348 = tpu.memref_slice %arg5[%arg0, %add3A_344, %dma_start3A_347] : memref<2x10240x128xf32, #tpu.memory_space<hbm>> -> memref<1x40x128xf32, #tpu.memory_space<hbm>>
      %dma_start3A_349 = tpu.memref_squeeze %dma_start3A_348 : memref<1x40x128xf32, #tpu.memory_space<hbm>> -> memref<40x128xf32, #tpu.memory_space<hbm>>
      %dma_start3A_350 = arith.constant 0 : i32
      %dma_start3A_351 = tpu.memref_slice %arg19[%add3A_344, %dma_start3A_350] : memref<10240x128xf32, #tpu.memory_space<vmem_shared>> -> memref<40x128xf32, #tpu.memory_space<vmem_shared>>
      tpu.enqueue_dma source(%dma_start3A_351 : memref<40x128xf32, #tpu.memory_space<vmem_shared>>) target(%dma_start3A_349 : memref<40x128xf32, #tpu.memory_space<hbm>>) target_semaphore(%run_scoped3A : memref<!tpu.dma_semaphore, #tpu.memory_space<semaphore_mem>>)
      %dma_wait3A_352 = arith.constant 0 : i32
      %dma_wait3A_353 = tpu.memref_slice %arg5[%arg0, %add3A_344, %dma_wait3A_352] : memref<2x10240x128xf32, #tpu.memory_space<hbm>> -> memref<1x40x128xf32, #tpu.memory_space<hbm>>
      %dma_wait3A_354 = tpu.memref_squeeze %dma_wait3A_353 : memref<1x40x128xf32, #tpu.memory_space<hbm>> -> memref<40x128xf32, #tpu.memory_space<hbm>>
      %dma_wait3A_355 = arith.constant 0 : i32
      %dma_wait3A_356 = tpu.memref_slice %arg19[%add3A_344, %dma_wait3A_355] : memref<10240x128xf32, #tpu.memory_space<vmem_shared>> -> memref<40x128xf32, #tpu.memory_space<vmem_shared>>
      tpu.wait_dma2 semaphore(%run_scoped3A : memref<!tpu.dma_semaphore, #tpu.memory_space<semaphore_mem>>) src(%dma_wait3A_356 : memref<40x128xf32, #tpu.memory_space<vmem_shared>>) dst(%dma_wait3A_354 : memref<40x128xf32, #tpu.memory_space<hbm>>)
      tpu.yield
    }) : () -> ()
    %mul3A_345 = arith.constant 10000 : i32
    %mul3A_346 = arith.muli %add3A, %mul3A_345 : i32
    "tpu.region"() ({
      %run_scoped3A = tpu.sem_alloc : memref<!tpu.dma_semaphore, #tpu.memory_space<semaphore_mem>>
      %dma_start3A_347 = tpu.memref_slice %arg6[%mul3A_346] : memref<320000xf32, #tpu.memory_space<hbm>> -> memref<10000xf32, #tpu.memory_space<hbm>>
      %dma_start3A_348 = tpu.memref_slice %arg6[%mul3A_346] : memref<320000xf32, #tpu.memory_space<hbm>> -> memref<10000xf32, #tpu.memory_space<hbm>>
      tpu.enqueue_dma source(%arg18 : memref<10000xf32, #tpu.memory_space<vmem>>) target(%dma_start3A_348 : memref<10000xf32, #tpu.memory_space<hbm>>) target_semaphore(%run_scoped3A : memref<!tpu.dma_semaphore, #tpu.memory_space<semaphore_mem>>)
      %dma_wait3A_349 = tpu.memref_slice %arg6[%mul3A_346] : memref<320000xf32, #tpu.memory_space<hbm>> -> memref<10000xf32, #tpu.memory_space<hbm>>
      %dma_wait3A_350 = tpu.memref_slice %arg6[%mul3A_346] : memref<320000xf32, #tpu.memory_space<hbm>> -> memref<10000xf32, #tpu.memory_space<hbm>>
      tpu.wait_dma2 semaphore(%run_scoped3A : memref<!tpu.dma_semaphore, #tpu.memory_space<semaphore_mem>>) src(%arg18 : memref<10000xf32, #tpu.memory_space<vmem>>) dst(%dma_wait3A_350 : memref<10000xf32, #tpu.memory_space<hbm>>)
      tpu.yield
    }) : () -> ()
    return
  }
}

module attributes {stable_mosaic.version = 14 : i64} {
  func.func @_tc_combine(%arg0: i32, %arg1: memref<2x400x128xf32, #tpu.memory_space<vmem>>, %arg2: memref<400x32xf32, #tpu.memory_space<vmem>>, %arg3: memref<128x128xf32, #tpu.memory_space<vmem>>, %arg4: memref<400x128xf32, #tpu.memory_space<vmem>>) attributes {dimension_semantics = [#tpu.dimension_semantics<arbitrary>], iteration_bounds = array<i64: 25>, scalar_prefetch = 0 : i64, scratch_operands = 0 : i64, tpu.core_type = #tpu.core_type<tc>, window_params = [{transform_indices = @transform_0, window_bounds = array<i64: 2, 400, 128>}, {transform_indices = @transform_1, window_bounds = array<i64: 400, 32>}, {pipeline_mode = #tpu.pipeline_mode<synchronous>, transform_indices = @transform_2, window_bounds = array<i64: 128, 128>}, {transform_indices = @transform_3, window_bounds = array<i64: 400, 128>}]} {
    %get3A = arith.constant 0 : index
    %get3A_0 = arith.constant 0 : index
    %get3A_1 = arith.constant 0 : index
    %get3A_2 = vector.load %arg1[%get3A, %get3A_0, %get3A_1] : memref<2x400x128xf32, #tpu.memory_space<vmem>>, vector<2x400x128xf32>
    %slice3A = vector.extract_strided_slice %get3A_2 {offsets = [0, 0, 0], sizes = [1, 400, 128], strides = [1, 1, 1]} : vector<2x400x128xf32> to vector<1x400x128xf32>
    %squeeze3A = vector.shape_cast %slice3A : vector<1x400x128xf32> to vector<400x128xf32>
    %slice3A_3 = vector.extract_strided_slice %get3A_2 {offsets = [1, 0, 0], sizes = [1, 400, 128], strides = [1, 1, 1]} : vector<2x400x128xf32> to vector<1x400x128xf32>
    %squeeze3A_4 = vector.shape_cast %slice3A_3 : vector<1x400x128xf32> to vector<400x128xf32>
    %add3A = arith.addf %squeeze3A, %squeeze3A_4 : vector<400x128xf32>
    %get3A_5 = arith.constant 0 : index
    %get3A_6 = arith.constant 0 : index
    %get3A_7 = vector.load %arg2[%get3A_5, %get3A_6] : memref<400x32xf32, #tpu.memory_space<vmem>>, vector<400x32xf32>
    %reduce_sum3A = arith.constant dense<0.000000e+00> : vector<400xf32>
    %reduce_sum3A_8 = vector.multi_reduction <add>, %get3A_7, %reduce_sum3A [1] : vector<400x32xf32> to vector<400xf32>
    %max3A = arith.constant 1.000000e+00 : f32
    %max3A_9 = vector.broadcast %max3A : f32 to vector<400xf32>
    %max3A_10 = arith.maximumf %reduce_sum3A_8, %max3A_9 : vector<400xf32>
    %broadcast_in_dim3A = vector.shape_cast %max3A_10 : vector<400xf32> to vector<400x1xf32>
    %div3A = vector.broadcast %broadcast_in_dim3A : vector<400x1xf32> to vector<400x128xf32>
    %div3A_11 = arith.divf %add3A, %div3A : vector<400x128xf32>
    %get3A_12 = arith.constant 0 : index
    %get3A_13 = arith.constant 0 : index
    %get3A_14 = vector.load %arg3[%get3A_12, %get3A_13] : memref<128x128xf32, #tpu.memory_space<vmem>>, vector<128x128xf32>
    %dot_general3A = arith.constant dense<0.000000e+00> : vector<400x128xf32>
    %dot_general3A_15 = tpu.matmul %div3A_11, %get3A_14, %dot_general3A {dimension_numbers = #tpu.dot_dimension_numbers<[1], [1], [0], [0], [0, 0, 1, 0], [], []>, transpose_lhs_hint = false} : vector<400x128xf32>, vector<128x128xf32>, vector<400x128xf32> -> vector<400x128xf32>
    %swap3A = arith.constant 0 : index
    %swap3A_16 = arith.constant 0 : index
    %swap3A_17 = vector.load %arg4[%swap3A, %swap3A_16] : memref<400x128xf32, #tpu.memory_space<vmem>>, vector<400x128xf32>
    tpu.vector_store %arg4[%swap3A, %swap3A_16], %dot_general3A_15 {strides = array<i32>} : memref<400x128xf32, #tpu.memory_space<vmem>>, vector<400x128xf32>,
    return
  }
  func.func @transform_0(%arg0: i32) -> (i32, i32, i32) {
    %c0_i32 = arith.constant 0 : i32
    %c0_i32_0 = arith.constant 0 : i32
    %c0_i32_1 = arith.constant 0 : i32
    return %c0_i32, %arg0, %c0_i32_0 : i32, i32, i32
  }
  func.func @transform_1(%arg0: i32) -> (i32, i32) {
    %c0_i32 = arith.constant 0 : i32
    %c0_i32_0 = arith.constant 0 : i32
    return %arg0, %c0_i32 : i32, i32
  }
  func.func @transform_2(%arg0: i32) -> (i32, i32) {
    %c0_i32 = arith.constant 0 : i32
    %c0_i32_0 = arith.constant 0 : i32
    %c0_i32_1 = arith.constant 0 : i32
    return %c0_i32, %c0_i32_0 : i32, i32
  }
  func.func @transform_3(%arg0: i32) -> (i32, i32) {
    %c0_i32 = arith.constant 0 : i32
    %c0_i32_0 = arith.constant 0 : i32
    return %arg0, %c0_i32 : i32, i32
  }
}

</mosaic_0001>

<sc_bundles>
// kernel: kernel.4.cloned.1.call-start
scs
__scs_entry_jumppad:
0x0: {  	(pc) =	sbr.rel $0x88, $3  }
0x1: {  	(tag) =	ssettag $0x0;
	lr =	simm.s32 $0x1  }
0x2: {  	[smem:$0x3F9E] =	sst lr;
	_ =	strace $0xD0000000  }
0x3: {  	_ = 	snop  }
0x4: {  	_ = 	snop  }
0x5: {  	_ = 	snop  }
0x6: {  	_ = 	snop  }
0x7: {  	_ = 	snop  }
__scs_overlays_trampoline_lowered:
0x8: {  	[smem:$0x3FAD] =	sst s0  }
0x9: {  	[smem:$0x3FAE] =	sst s1  }
0xa: {  	[smem:$0x3FAF] =	sst s2  }
0xb: {  	[smem:$0x3FB0] =	sst s3  }
0xc: {  	[smem:$0x3FB1] =	sst s4  }
0xd: {  	[smem:$0x3FB2] =	sst s5  }
0xe: {  	[smem:$0x3FB3] =	sst s6  }
0xf: {  	[smem:$0x3FB4] =	sst s7  }
0x10: {  	[smem:$0x3FB5] =	sst s8  }
0x11: {  	[smem:$0x3FB6] =	sst s9;
	s0 =	simm.s32 @!p0 $0x0  }
0x12: {  	s1 =	sld [smem:$0x3F9C];
	s0 =	simm.s32 @p0 $0x1  }
0x13: {  	[smem:$0x3FB7] =	sst s0;
	s0 =	simm.s32 @!p1 $0x0  }
0x14: {  	s2 =	sld [smem:$0x3F9B];
	s0 =	simm.s32 @p1 $0x1  }
0x15: {  	[smem:$0x3FB8] =	sst s0;
	s0 =	simm.s32 @!p2 $0x0  }
0x16: {  	s3 =	sld [smem:$0x3FDB];
	s0 =	simm.s32 @p2 $0x1  }
0x17: {  	s4 =	simm.s32 $0x1BF5;
	[smem:$0x3FBA] =	sst s0  }
0x18: {  	s0 =	sld [smem:$0x3F9D];
	_ =	swait.ge [sflag:s4], $0x0  }
0x19: {  	s7 =	sld [smem:$0x3F9E]  }
0x1a: {  	s8 =	sadd.s32 $0xFFFFE003, lr  }
0x1b: {  	s9 =	sadd.s32 $0xFFFFFEF7, lr;
	s5 =	simm.s32 $0xFFFFFFFF;
	p2 =	slt.u32 s8, $0xFFFFF086  }
0x1c: {  	p1 =	slt.u32 s9, $0xF7A;
	s5 =	simm.s32 @!p2 $0x0  }
0x1d: {  	s5 =	simm.s32 @p1 $0x1;
	p0 =	seq.s32 s7, s2  }
0x1e: {  	s7 =	smul.u32 @!p0 $0xF7A, s2;
	p2 =	seq.s32 @!p0 s5, $0x0  }
0x1f: {  	s9 =	smul.u32 $0xF7A, s1;
	s8 =	simm.s32 @!p0 $0x1BF5;
	p2 =	por !p2, p0  }
0x20: {  	[sflag:s8] =	ssyncset.s32 @!p0 $0xFFFFF086;
	s6 =	sadd.s32 @!p0 s3, s7;
	s7 =	simm.s32 @!p0 $0x108  }
0x21: {  	s3 =	sadd.s32 s3, s9;
	s6 =	sadd.s32 @!p0 $0x88, s6;
	s7 =	simm.s32 @p2 $0x1082  }
0x22: {  	[simem:s7], [sflag:s8] =	dma.local @!p0 [hbm:s6], $0xF7A  }
0x23: {  	s9 =	sor.u32 $0xD0000000, s2;
	s6 =	simm.s32 $0x108;
	_ =	swait.ge @!p0 [sflag:s8], $0x0  }
0x24: {  	s3 =	sadd.s32 $0x88, s3;
	s6 =	simm.s32 @!p1 $0x1082;
	[sflag:s4] =	ssyncset.s32 $0xFFFFF086  }
0x25: {  	[simem:s6], [sflag:s4] =	dma.local [hbm:s3], $0xF7A  }
0x26: {  	[smem:$0x3F9E] =	sst s1;
	(tag) =	ssettag s2;
	_ =	strace s9  }
0x27: {  	s1 =	sld [smem:$0x3FAE]  }
0x28: {  	s2 =	sld [smem:$0x3FAF]  }
0x29: {  	s4 =	sld [smem:$0x3FB1]  }
0x2a: {  	p0 =	seq.s32 s5, $0x0;
	s5 =	sld [smem:$0x3FB2]  }
0x2b: {  	s6 =	sld [smem:$0x3FB3]  }
0x2c: {  	s7 =	sld [smem:$0x3FB4]  }
0x2d: {  	s3 =	simm.s32 $0x108;
	s8 =	sld [smem:$0x3FB5]  }
0x2e: {  	s3 =	simm.s32 @!p0 $0x1082;
	s9 =	sld [smem:$0x3FB6]  }
0x2f: {  	lr =	sadd.s32 s0, s3;
	s0 =	sld [smem:$0x3FAD]  }
0x30: {  	s3 =	sld [smem:$0x3FB0]  }
0x31: {  	[smem:$0x3FB9] =	sst s10  }
0x32: {  	s10 =	sld [smem:$0x3FB7];
	_ =	sdelay $0x3  }
0x33: {  	p0 =	seq.s32 s10, $0x1;
	s10 =	sld [smem:$0x3FB9];
	_ =	sdelay $0x3  }
0x34: {  	[smem:$0x3FB9] =	sst s10  }
0x35: {  	s10 =	sld [smem:$0x3FB8];
	_ =	sdelay $0x3  }
0x36: {  	p1 =	seq.s32 s10, $0x1;
	s10 =	sld [smem:$0x3FB9];
	_ =	sdelay $0x3  }
0x37: {  	[smem:$0x3FB9] =	sst s10  }
0x38: {  	s10 =	sld [smem:$0x3FBA]  }
0x39: {  	_ = 	snop;
	(pc) =	sbr.ind lr, $3  }
0x3a: {  	_ = 	snop  }
0x3b: {  	_ = 	snop  }
0x3c: {  	p2 =	seq.s32 s10, $0x1;
	s10 =	sld [smem:$0x3FB9]  }
0x3d: {  	_ =	shalt  }
0x3e: {  	_ =	shalt  }
0x3f: {  	_ =	shalt  }
0x40: {  	_ =	shalt  }
0x41: {  	_ =	shalt  }
0x42: {  	_ =	shalt  }
0x43: {  	_ =	shalt  }
0x44: {  	_ =	shalt  }
0x45: {  	_ =	shalt  }
0x46: {  	_ =	shalt  }
0x47: {  	_ =	shalt  }
0x48: {  	_ =	shalt  }
0x49: {  	_ =	shalt  }
0x4a: {  	_ =	shalt  }
0x4b: {  	_ =	shalt  }
0x4c: {  	_ =	shalt  }
0x4d: {  	_ =	shalt  }
0x4e: {  	_ =	shalt  }
0x4f: {  	_ =	shalt  }
0x50: {  	_ =	shalt  }
0x51: {  	_ =	shalt  }
0x52: {  	_ =	shalt  }
0x53: {  	_ =	shalt  }
0x54: {  	_ =	shalt  }
0x55: {  	_ =	shalt  }
0x56: {  	_ =	shalt  }
0x57: {  	_ =	shalt  }
0x58: {  	_ =	shalt  }
0x59: {  	_ =	shalt  }
0x5a: {  	_ =	shalt  }
0x5b: {  	_ =	shalt  }
0x5c: {  	_ =	shalt  }
0x5d: {  	_ =	shalt  }
0x5e: {  	_ =	shalt  }
0x5f: {  	_ =	shalt  }
0x60: {  	_ =	shalt  }
0x61: {  	_ =	shalt  }
0x62: {  	_ =	shalt  }
0x63: {  	_ =	shalt  }
0x64: {  	_ =	shalt  }
0x65: {  	_ =	shalt  }
0x66: {  	_ =	shalt  }
0x67: {  	_ =	shalt  }
0x68: {  	_ =	shalt  }
0x69: {  	_ =	shalt  }
0x6a: {  	_ =	shalt  }
0x6b: {  	_ =	shalt  }
0x6c: {  	_ =	shalt  }
0x6d: {  	_ =	shalt  }
0x6e: {  	_ =	shalt  }
0x6f: {  	_ =	shalt  }
0x70: {  	_ =	shalt  }
0x71: {  	_ =	shalt  }
0x72: {  	_ =	shalt  }
0x73: {  	_ =	shalt  }
0x74: {  	_ =	shalt  }
0x75: {  	_ =	shalt  }
0x76: {  	_ =	shalt  }
0x77: {  	_ =	shalt  }
0x78: {  	_ =	shalt  }
0x79: {  	_ =	shalt  }
0x7a: {  	_ =	shalt  }
0x7b: {  	_ =	shalt  }
0x7c: {  	_ =	shalt  }
0x7d: {  	_ =	shalt  }
0x7e: {  	_ =	shalt  }
0x7f: {  	_ =	shalt  }
0x80: {  	_ =	shalt  }
0x81: {  	_ =	shalt  }
0x82: {  	_ =	shalt  }
0x83: {  	_ =	shalt  }
0x84: {  	_ =	shalt  }
0x85: {  	_ =	shalt  }
0x86: {  	_ =	shalt  }
0x87: {  	_ =	shalt  }
.Lfunc_end0:
.L_simem_size_0:
called_computation_lowered:
.L_overlay_start_0:
0x88: {  	s2 =	sld [smem:$0x3FD9]  }
0x89: {  	s3 =	sld [smem:$0x3FFE];
	_ =	sdelay $0x1  }
0x8a: {  	s1 =	srdreg.scid  }
0x8b: {  	s0 =	sand.u32 $0x1, s1  }
0x8c: {  	s17 =	sshll.u32 s0, $0xA;
	s2 =	sadd.s32 s3, s2  }
0x8d: {  	s2 =	sadd.s32 s2, s17  }
0x8e: {  	[smem:$0x3FC5] =	sst s2  }
0x8f: {  	_ = 	snop  }
0x90: {  	s2 =	sld [smem:$0x3FC9]  }
0x91: {  	s18 =	sld [smem:$0x3FD0];
	(tm) =	ssettm $0x1  }
0x92: {  	s4 =	sld [smem:$0x3FFB];
	_ =	sdelay $0x3  }
0x93: {  	_ =	strace s4  }
0x94: {  	s4 =	sld [smem:$0x3FFC];
	_ =	sdelay $0x3  }
0x95: {  	_ =	strace s4  }
0x96: {  	s4 =	sld [smem:$0x3FFD];
	_ =	sdelay $0x3  }
0x97: {  	_ =	strace s4  }
0x98: {  	_ =	strace $0x8FFFFFFF  }
0x99: {  	s19 =	sld [smem:$0x3FDB];
	_ =	sdelay $0x1  }
0x9a: {  	s5 =	simm.s32 $_scs_section_size  }
0x9b: {  	s6 =	simm.s32 $_size__tile_overlayer_lowered;
	s7 =	simm.s32 $_tile_overlayer_lowered  }
0x9c: {  	s22 =	simm.s32 $0x1BFF;
	s21 =	sshll.u32 s7, $0x1;
	s4 =	sadd.s32 s5, s19  }
0x9d: {  	s8 =	simm.s32 $0x0;
	s20 =	sshll.u32 s6, $0x1;
	s6 =	sadd.s32 s21, s4  }
0x9e: {  	[timem:s8], [sflag:s22] =	dma.local [hbm:s6], s20  }
0x9f: {  	_ =	swait.ge [sflag:s22], s20  }
0xa0: {  	s5 =	ssub.s32 $0x0, s20;
	[sflag:s22] =	ssyncset.done $0x0  }
0xa1: {  	[sflag:s22] =	ssyncadd.s32 s5;
	_ =	sdelay $0x1  }
0xa2: {  	s23 =	simm.s32 $0x1B8B  }
0xa3: {  	_ =	swait.ge [sflag:s23], $0x1  }
0xa4: {  	[sflag:s23] =	ssyncset.done $0x0  }
0xa5: {  	s25 =	simm.s32 $0x1B8E;
	s24 =	sld [smem:$0x3FFE];
	[sflag:s23] =	ssyncadd.s32 $0xFFFFFFFF  }
0xa6: {  	s26 =	simm.s32 $execute0_lowered;
	[smem:$0x3FD2] =	sst s25  }
0xa7: {  	s6 =	sshll.u32 s26, $0x1;
	_ =	strace $0x80000046;
	[dreg:$0x1] =	wrdreg $0xFFFFFFFF  }
0xa8: {  	s28 =	simm.s32 $_size_execute0_lowered;
	s4 =	sadd.s32 s4, s6;
	[dreg:$0x0] =	wrdreg $0x0  }
0xa9: {  	s6 =	sshll.u32 s28, $0x1;
	[dreg:$0x2] =	wrdreg s4  }
0xaa: {  	[dreg:$0x3] =	wrdreg s6  }
0xab: {  	[dreg:$0x4] =	wrdreg $0xC0  }
0xac: {  	_ =	task [dreg:s8], $0x5FFFF  }
0xad: {  	[dreg:$0x1] =	wrdreg $0xFFFFFFFF  }
0xae: {  	[dreg:$0x0] =	wrdreg $0x60  }
0xaf: {  	[dreg:$0x2] =	wrdreg s2  }
0xb0: {  	[dreg:$0x3] =	wrdreg s24  }
0xb1: {  	[dreg:$0x4] =	wrdreg s18  }
0xb2: {  	[dreg:$0x5] =	wrdreg $0xA3800  }
0xb3: {  	[dreg:$0x6] =	wrdreg $0x9  }
0xb4: {  	_ =	task.clear_ibuf [dreg:s8], $0x7FFFF;
	_ =	strace $0x90000046  }
0xb5: {  	s29 =	simm.s32 $0x9;
	_ =	strace $0x80000048  }
0xb6: {  	_ =	swait.ge [sflag:s29], $0x1  }
0xb7: {  	[sflag:s29] =	ssyncadd.s32 $0xFFFFFFFF  }
0xb8: {  	_ =	strace $0x90000048  }
0xb9: {  	_ =	sfence  }
0xba: {  	s30 =	sld [smem:$0x0];
	_ =	sdelay $0x2  }
0xbb: {  	s31 =	sshll.u32 s1, $0xD;
	s1 =	sshrl.u32 s1, $0x2  }
0xbc: {  	s3 =	sand.u32 $0x4000, s31;
	s1 =	sadd.s32 s1, s30  }
0xbd: {  	s0 =	sor.u32 s3, s0;
	s1 =	sshll.u32 s1, $0x11  }
0xbe: {  	s0 =	sor.u32 s1, s0  }
0xbf: {  	s0 =	sadd.s32 $0x8F2B, s0  }
0xc0: {  	[sflag:s0] =	ssyncadd.remote.s32 $0x1  }
0xc1: {  	_ =	sfence.sel $0xFFFF  }
0xc2: {  	[dreg:$0x0] =	wrdreg $0xFFFFFFFF;
	(pc) =	sbr.abs _section_cstart, $3  }
0xc3: {  	[dreg:$0x1] =	wrdreg $0xFFFFFFFF  }
0xc4: {  	_ =	task.clear_ibuf [dreg:s8], $0x2FFFF;
	_ =	strace $0x9FFFFFFF  }
0xc5: {  	(tm) =	ssettm $0x7FFFFFFF  }
tec
execute0_lowered:
.L_overlay_start_1:
0x0: {  	(tag) =	ssettag $0x1  }
0x1: {  	s0 =	srdreg.scid;
	s28 =	stileid.u32  }
0x2: {  	s3 =	rddreg [dreg:$0x1];
	s2 =	smul.u32 $0x14000, s28  }
0x3: {  	s1 =	simm.s32 $0x0;
	s23 =	sand.u32 $0x1, s0;
	s25 =	smul.u32 $0x2710, s28  }
0x4: {  	[smem:$0x7FF] =	sst s1;
	s0 =	ssub.s32 $0x2, s23;
	s20 =	smul.u32 $0x140000, s23  }
0x5: {  	s22 =	sadd.s32 $0x14000, s3;
	s18 =	smul.u32 $0x27100, s23;
	s4 =	sshrl.u32 s0, $0x1  }
0x6: {  	s5 =	sor.u32 $0x2800, s2;
	s6 =	sor.u32 $0x3C00, s2;
	s7 =	sadd.s32 $0x5000, s2  }
0x7: {  	s8 =	sadd.s32 $0x6400, s2;
	s9 =	sadd.s32 $0x7800, s2;
	s10 =	sadd.s32 $0x8C00, s2  }
0x8: {  	s11 =	sadd.s32 $0xA000, s2;
	s12 =	sadd.s32 $0xB400, s2;
	s13 =	sadd.s32 $0xC800, s2  }
0x9: {  	s14 =	sadd.s32 $0xDC00, s2;
	s16 =	sadd.s32 $0xF000, s2;
	s17 =	sadd.s32 $0x10400, s2  }
0xa: {  	s19 =	sadd.s32 $0x11800, s2;
	s21 =	sadd.s32 $0x12C00, s2;
	s0 =	ssub.s32 s0, s4  }
0xb: {  	s4 =	sor.u32 $0x1400, s2;
	s15 =	sadd.s32 s2, s20;
	s2 =	sadd.s32 s25, s18  }
0xc: {  	s25 =	sadd.s32 s20, s5;
	s26 =	sadd.s32 s20, s6;
	s15 =	sshrl.u32 s15, $0x3  }
0xd: {  	s24 =	sadd.s32 s20, s4;
	s25 =	sshrl.u32 s25, $0x3;
	s26 =	sshrl.u32 s26, $0x3  }
0xe: {  	s15 =	sadd.s32 s22, s15;
	s24 =	sshrl.u32 s24, $0x3;
	s18 =	sadd.s32 s22, s26  }
0xf: {  	s26 =	sadd.s32 s20, s9;
	[dreg:$0x1b] =	wrdreg s15;
	s15 =	sadd.s32 s22, s24  }
0x10: {  	[dreg:$0x1e] =	wrdreg s18;
	s24 =	sadd.s32 s20, s7;
	s26 =	sshrl.u32 s26, $0x3  }
0x11: {  	[dreg:$0x1c] =	wrdreg s15;
	s15 =	sadd.s32 s22, s25;
	s25 =	sadd.s32 s20, s8  }
0x12: {  	s18 =	sadd.s32 s22, s26;
	s26 =	sadd.s32 s20, s12;
	[dreg:$0x1d] =	wrdreg s15  }
0x13: {  	s15 =	sshrl.u32 s24, $0x3;
	s25 =	sshrl.u32 s25, $0x3;
	[smem:$0x7D7] =	sst s18  }
0x14: {  	s24 =	sadd.s32 s20, s10;
	s26 =	sshrl.u32 s26, $0x3;
	s15 =	sadd.s32 s22, s15  }
0x15: {  	s18 =	sadd.s32 s22, s26;
	s26 =	sadd.s32 s20, s16;
	[dreg:$0x1f] =	wrdreg s15  }
0x16: {  	s15 =	sadd.s32 s22, s25;
	s25 =	sadd.s32 s20, s11;
	[smem:$0x7DA] =	sst s18  }
0x17: {  	s26 =	sshrl.u32 s26, $0x3;
	[smem:$0x7D6] =	sst s15;
	s15 =	sshrl.u32 s24, $0x3  }
0x18: {  	s25 =	sshrl.u32 s25, $0x3;
	s24 =	sadd.s32 s20, s13;
	s15 =	sadd.s32 s22, s15  }
0x19: {  	s18 =	sadd.s32 s22, s26;
	[smem:$0x7D8] =	sst s15;
	s15 =	sadd.s32 s22, s25  }
0x1a: {  	s25 =	sadd.s32 s20, s14;
	[smem:$0x7D9] =	sst s15;
	s15 =	sshrl.u32 s24, $0x3  }
0x1b: {  	[smem:$0x7DD] =	sst s18;
	s25 =	sshrl.u32 s25, $0x3;
	s15 =	sadd.s32 s22, s15  }
0x1c: {  	[smem:$0x7DB] =	sst s15;
	s15 =	sadd.s32 s22, s25  }
0x1d: {  	s26 =	sadd.s32 s20, s19;
	s24 =	sadd.s32 s20, s17;
	[smem:$0x7DC] =	sst s15  }
0x1e: {  	s25 =	sshrl.u32 s24, $0x3;
	s24 =	sshrl.u32 s26, $0x3;
	s15 =	rddreg [dreg:$0x0]  }
0x1f: {  	s18 =	sadd.s32 s22, s25;
	s25 =	sadd.s32 s20, s21;
	s20 =	rddreg [dreg:$0x3]  }
0x20: {  	s29 =	simm.s32 $0x180;
	s24 =	sadd.s32 s22, s24;
	[smem:$0x7DE] =	sst s18  }
0x21: {  	[smem:$0x7DF] =	sst s24;
	s24 =	sshrl.u32 s25, $0x3;
	s25 =	sadd.s32 $0x4B0, s2  }
0x22: {  	s18 =	rddreg [dreg:$0x2];
	s22 =	sadd.s32 s22, s24;
	s24 =	sshrl.u32 s25, $0x3  }
0x23: {  	s30 =	simm.s32 $0x380;
	[smem:$0x7E0] =	sst s22;
	s25 =	sadd.s32 s24, s18  }
0x24: {  	s4 =	sadd.s32 s4, s20;
	_ =	strace $0x80000047;
	[dreg:$0x5] =	wrdreg s25  }
0x25: {  	s31 =	simm.s32 $0x8;
	s5 =	sadd.s32 s5, s20;
	[smem:$0x7E2] =	sst s4  }
0x26: {  	s23 =	sshll.u32 s23, $0x4;
	s6 =	sadd.s32 s6, s20;
	[smem:$0x7E3] =	sst s5  }
0x27: {  	s23 =	sor.u32 s28, s23;
	s7 =	sadd.s32 s7, s20;
	[smem:$0x7E4] =	sst s6  }
0x28: {  	s23 =	smul.u32 $0x2710, s23;
	s8 =	sadd.s32 s8, s20;
	[smem:$0x7E5] =	sst s7  }
0x29: {  	s0 =	smax.u32 s0, $0x1;
	s9 =	sadd.s32 s9, s20;
	[smem:$0x7E6] =	sst s8  }
0x2a: {  	s23 =	sshrl.u32 s23, $0x3;
	s10 =	sadd.s32 s10, s20;
	[smem:$0x7E7] =	sst s9  }
0x2b: {  	s26 =	sadd.s32 $0x460, s2;
	s22 =	sadd.s32 $0x400, s3;
	[smem:$0x7E8] =	sst s10  }
0x2c: {  	s3 =	sadd.s32 s23, s3;
	s24 =	sadd.s32 s24, s22;
	[smem:$0x7FC] =	sst s0  }
0x2d: {  	s25 =	sshrl.u32 s26, $0x3;
	s5 =	sadd.s32 s14, s20;
	[dreg:$0x6] =	wrdreg s24  }
0x2e: {  	s26 =	sadd.s32 $0x410, s2;
	s6 =	sadd.s32 s16, s20;
	[smem:$0x7EC] =	sst s5  }
0x2f: {  	s7 =	sadd.s32 s17, s20;
	s8 =	sadd.s32 s19, s20;
	[smem:$0x7ED] =	sst s6  }
0x30: {  	s9 =	sadd.s32 s21, s20;
	s10 =	sadd.s32 $0xA, s23;
	[smem:$0x7EE] =	sst s7  }
0x31: {  	s16 =	sadd.s32 s22, s23;
	s17 =	sadd.s32 $0x1E, s23;
	[smem:$0x7EF] =	sst s8  }
0x32: {  	s19 =	sadd.s32 s18, s23;
	s21 =	sadd.s32 $0x4D8, s23;
	[smem:$0x7F0] =	sst s9  }
0x33: {  	s3 =	sadd.s32 $0xA200, s3;
	s0 =	simm.s32 $0x3;
	[smem:$0x7F5] =	sst s16  }
0x34: {  	s24 =	sadd.s32 s25, s18;
	s4 =	sadd.s32 s18, s10;
	[smem:$0x7F6] =	sst s19  }
0x35: {  	[smem:$0x7FB] =	sst s3;
	s16 =	simm.s32 $0x80;
	s19 =	simm.s32 $0x280  }
0x36: {  	s8 =	simm.s32 $0x2C00;
	[dreg:$0x7] =	wrdreg s24;
	s24 =	sadd.s32 s25, s22  }
0x37: {  	s25 =	sshrl.u32 s26, $0x3;
	s26 =	sadd.s32 $0x370, s2;
	[smem:$0x7F2] =	sst s4  }
0x38: {  	s4 =	sadd.s32 s18, s17;
	[dreg:$0x8] =	wrdreg s24;
	s24 =	sadd.s32 s25, s18  }
0x39: {  	[dreg:$0x9] =	wrdreg s24;
	s24 =	sadd.s32 s25, s22;
	s25 =	sshrl.u32 s26, $0x3  }
0x3a: {  	s26 =	sadd.s32 $0x320, s2;
	[dreg:$0xa] =	wrdreg s24;
	s24 =	sadd.s32 s25, s18  }
0x3b: {  	[dreg:$0xb] =	wrdreg s24;
	s24 =	sadd.s32 s25, s22;
	s25 =	sshrl.u32 s26, $0x3  }
0x3c: {  	s26 =	sadd.s32 $0x2D0, s2;
	[dreg:$0xc] =	wrdreg s24;
	s24 =	sadd.s32 s25, s18  }
0x3d: {  	[dreg:$0xd] =	wrdreg s24;
	s24 =	sadd.s32 s25, s22;
	s25 =	sshrl.u32 s26, $0x3  }
0x3e: {  	s26 =	sadd.s32 $0x280, s2;
	[dreg:$0xe] =	wrdreg s24;
	s24 =	sadd.s32 s25, s18  }
0x3f: {  	[dreg:$0xf] =	wrdreg s24;
	s24 =	sadd.s32 s25, s22;
	s25 =	sshrl.u32 s26, $0x3  }
0x40: {  	s26 =	sadd.s32 $0x230, s2;
	[dreg:$0x10] =	wrdreg s24;
	s24 =	sadd.s32 s25, s18  }
0x41: {  	[dreg:$0x11] =	wrdreg s24;
	s24 =	sadd.s32 s25, s22;
	s25 =	sshrl.u32 s26, $0x3  }
0x42: {  	s26 =	sadd.s32 $0x1E0, s2;
	[dreg:$0x12] =	wrdreg s24;
	s24 =	sadd.s32 s25, s18  }
0x43: {  	[dreg:$0x13] =	wrdreg s24;
	s24 =	sadd.s32 s25, s22;
	s25 =	sshrl.u32 s26, $0x3  }
0x44: {  	s26 =	sadd.s32 $0x190, s2;
	[dreg:$0x14] =	wrdreg s24;
	s24 =	sadd.s32 s25, s18  }
0x45: {  	[dreg:$0x15] =	wrdreg s24;
	s24 =	sadd.s32 s25, s22;
	s25 =	sshrl.u32 s26, $0x3  }
0x46: {  	s9 =	simm.s32 $0x1;
	[smem:$0x7F8] =	sst s4;
	s26 =	sadd.s32 s25, s18  }
0x47: {  	s3 =	simm.s32 $0x4;
	[dreg:$0x17] =	wrdreg s26;
	s26 =	sadd.s32 $0x140, s2  }
0x48: {  	[dreg:$0x16] =	wrdreg s24;
	s25 =	sadd.s32 s25, s22;
	s24 =	sshrl.u32 s26, $0x3  }
0x49: {  	[dreg:$0x18] =	wrdreg s25;
	s25 =	smul.u32 $0x50000, s28;
	s26 =	sadd.s32 s24, s18  }
0x4a: {  	s6 =	simm.s32 $0x0;
	s24 =	sadd.s32 s24, s22;
	[dreg:$0x19] =	wrdreg s26  }
0x4b: {  	[dreg:$0x1a] =	wrdreg s24;
	s26 =	sshrl.u32 s25, $0x2;
	s25 =	sadd.s32 s12, s20  }
0x4c: {  	s4 =	simm.s32 $0xA;
	s12 =	sadd.s32 s22, s10;
	[smem:$0x7EA] =	sst s25  }
0x4d: {  	s28 =	simm.s32 $0x2;
	s24 =	sadd.s32 s26, s20;
	[smem:$0x7F1] =	sst s12  }
0x4e: {  	s10 =	simm.s32 $0x7C00;
	s26 =	sadd.s32 s13, s20;
	[smem:$0x7E1] =	sst s24  }
0x4f: {  	s25 =	sadd.s32 s18, s21;
	s12 =	simm.s32 $0xB;
	[smem:$0x7EB] =	sst s26  }
0x50: {  	s24 =	sadd.s32 s11, s20;
	s11 =	sadd.s32 $0x14, s23;
	[smem:$0x7FA] =	sst s25  }
0x51: {  	s23 =	sadd.s32 s22, s17;
	s26 =	sadd.s32 $0x3C0, s2;
	[smem:$0x7E9] =	sst s24  }
0x52: {  	s25 =	simm.s32 $0x6;
	s17 =	simm.s32 $0x7;
	[smem:$0x7F7] =	sst s23  }
0x53: {  	s2 =	simm.s32 $0x9;
	s13 =	sadd.s32 s22, s11;
	[smem:$0x7FD] =	sst s26  }
0x54: {  	s14 =	sadd.s32 s18, s11;
	s24 =	sadd.s32 s22, s21;
	[smem:$0x7F3] =	sst s13  }
0x55: {  	s11 =	simm.s32 $0x400;
	s21 =	simm.s32 $0x5;
	[smem:$0x7F4] =	sst s14  }
0x56: {  	s23 =	simm.s32 $0x100;
	s26 =	simm.s32 $0x5400;
	[smem:$0x7F9] =	sst s24  }
0x57: {  	v0 =	vimm.f32 $0.0e+00;
	v1 =	vimm.f32 $1.000000000e+00;
	s13 =	simm.s32 $0x200;
	s14 =	simm.s32 $0x50;
	s24 =	simm.s32 $0x300  }
.LBB2_1:
0x58: {  	[smem:$0x7D5] =	sst s6;
	s6 =	simm.s32 $0x0;
	s7 =	simm.s32 $0x0  }
.LBB2_2:
0x59: {  	p0 =	sne.s32 s7, $0x9FC0  }
.Ltmp0:
0x5a: {  	_ = 	snop;
	(pc) =	sbr.rel @p0 .LBB2_2-.Ltmp0, $4  }
0x5b: {  	s5 =	sand.u32 $0xFE00, s7  }
0x5c: {  	s18 =	sand.u32 $0x70, s6;
	s5 =	sshrl.u32 s5, $0x2  }
0x5d: {  	s5 =	sor.u32 s18, s5  }
0x5e: {  	s6 =	sadd.s32 $0x10, s6;
	s7 =	sadd.s32 $0x40, s7;
	[tilespmem:s5+$0x400] =	vst v0  }
0x5f: {  	s6 =	simm.s32 $0x40;
	s7 =	simm.s32 $0x0  }
.LBB2_4:
0x60: {  	p0 =	sne.s32 s6, $0x9C00;
	[tilespmem:s7+$0x7C00] =	vst v0;
	s5 =	smov.u32 s6;
	s6 =	sadd.s32 $0x40, s6  }
.Ltmp1:
0x61: {  	(pc) =	sbr.rel @p0 .LBB2_4-.Ltmp1, $2  }
0x62: {  	_ =	sdelay $0x2  }
0x63: {  	s7 =	sshra.s32 s5, $0x2  }
0x64: {  	s5 =	sld [smem:$0x7E1];
	_ =	sdelay $0x1  }
0x65: {  	[tilespmem:s7+$0x7C00] =	vst v0  }
0x66: {  	[spmem:s5] =	stream.linear.scatter [tilespmem:s11], [sflag:$0xB], $0x1400, $0x38;
	[tilespmem:$0x1E380] =	vst v63  }
0x67: {  	_ =	swait.ge [sflag:s12], $0x1400  }
0x68: {  	s7 =	sld [smem:$0x7E2]  }
0x69: {  	[sflag:s12] =	ssyncset.done $0x0  }
0x6a: {  	[sflag:s12] =	ssyncadd.s32 $0xFFFFEC00  }
0x6b: {  	[spmem:s7] =	stream.linear.scatter [tilespmem:s11], [sflag:$0xB], $0x1400, $0x38;
	[tilespmem:$0x1E380] =	vst v63  }
0x6c: {  	_ =	swait.ge [sflag:s12], $0x1400  }
0x6d: {  	s18 =	sld [smem:$0x7E3]  }
0x6e: {  	[sflag:s12] =	ssyncset.done $0x0  }
0x6f: {  	[sflag:s12] =	ssyncadd.s32 $0xFFFFEC00  }
0x70: {  	[spmem:s18] =	stream.linear.scatter [tilespmem:s11], [sflag:$0xB], $0x1400, $0x38;
	[tilespmem:$0x1E380] =	vst v63  }
0x71: {  	_ =	swait.ge [sflag:s12], $0x1400  }
0x72: {  	s6 =	sld [smem:$0x7E4]  }
0x73: {  	[sflag:s12] =	ssyncset.done $0x0  }
0x74: {  	[sflag:s12] =	ssyncadd.s32 $0xFFFFEC00  }
0x75: {  	[spmem:s6] =	stream.linear.scatter [tilespmem:s11], [sflag:$0xB], $0x1400, $0x38;
	[tilespmem:$0x1E380] =	vst v63  }
0x76: {  	_ =	swait.ge [sflag:s12], $0x1400  }
0x77: {  	s7 =	sld [smem:$0x7E5]  }
0x78: {  	[sflag:s12] =	ssyncset.done $0x0  }
0x79: {  	[sflag:s12] =	ssyncadd.s32 $0xFFFFEC00  }
0x7a: {  	[spmem:s7] =	stream.linear.scatter [tilespmem:s11], [sflag:$0xB], $0x1400, $0x38;
	[tilespmem:$0x1E380] =	vst v63  }
0x7b: {  	_ =	swait.ge [sflag:s12], $0x1400  }
0x7c: {  	s18 =	sld [smem:$0x7E6]  }
0x7d: {  	[sflag:s12] =	ssyncset.done $0x0  }
0x7e: {  	[sflag:s12] =	ssyncadd.s32 $0xFFFFEC00  }
0x7f: {  	[spmem:s18] =	stream.linear.scatter [tilespmem:s11], [sflag:$0xB], $0x1400, $0x38;
	[tilespmem:$0x1E380] =	vst v63  }
0x80: {  	_ =	swait.ge [sflag:s12], $0x1400  }
0x81: {  	s6 =	sld [smem:$0x7E7]  }
0x82: {  	[sflag:s12] =	ssyncset.done $0x0  }
0x83: {  	[sflag:s12] =	ssyncadd.s32 $0xFFFFEC00  }
0x84: {  	[spmem:s6] =	stream.linear.scatter [tilespmem:s11], [sflag:$0xB], $0x1400, $0x38;
	[tilespmem:$0x1E380] =	vst v63  }
0x85: {  	_ =	swait.ge [sflag:s12], $0x1400  }
0x86: {  	s7 =	sld [smem:$0x7E8]  }
0x87: {  	[sflag:s12] =	ssyncset.done $0x0  }
0x88: {  	[sflag:s12] =	ssyncadd.s32 $0xFFFFEC00  }
0x89: {  	[spmem:s7] =	stream.linear.scatter [tilespmem:s11], [sflag:$0xB], $0x1400, $0x38;
	[tilespmem:$0x1E380] =	vst v63  }
0x8a: {  	_ =	swait.ge [sflag:s12], $0x1400  }
0x8b: {  	s18 =	sld [smem:$0x7E9]  }
0x8c: {  	[sflag:s12] =	ssyncset.done $0x0  }
0x8d: {  	[sflag:s12] =	ssyncadd.s32 $0xFFFFEC00  }
0x8e: {  	[spmem:s18] =	stream.linear.scatter [tilespmem:s11], [sflag:$0xB], $0x1400, $0x38;
	[tilespmem:$0x1E380] =	vst v63  }
0x8f: {  	_ =	swait.ge [sflag:s12], $0x1400  }
0x90: {  	s6 =	sld [smem:$0x7EA]  }
0x91: {  	[sflag:s12] =	ssyncset.done $0x0  }
0x92: {  	[sflag:s12] =	ssyncadd.s32 $0xFFFFEC00  }
0x93: {  	[spmem:s6] =	stream.linear.scatter [tilespmem:s11], [sflag:$0xB], $0x1400, $0x38;
	[tilespmem:$0x1E380] =	vst v63  }
0x94: {  	_ =	swait.ge [sflag:s12], $0x1400  }
0x95: {  	s7 =	sld [smem:$0x7EB]  }
0x96: {  	[sflag:s12] =	ssyncset.done $0x0  }
0x97: {  	[sflag:s12] =	ssyncadd.s32 $0xFFFFEC00  }
0x98: {  	[spmem:s7] =	stream.linear.scatter [tilespmem:s11], [sflag:$0xB], $0x1400, $0x38;
	[tilespmem:$0x1E380] =	vst v63  }
0x99: {  	_ =	swait.ge [sflag:s12], $0x1400  }
0x9a: {  	s18 =	sld [smem:$0x7EC]  }
0x9b: {  	[sflag:s12] =	ssyncset.done $0x0  }
0x9c: {  	[sflag:s12] =	ssyncadd.s32 $0xFFFFEC00  }
0x9d: {  	[spmem:s18] =	stream.linear.scatter [tilespmem:s11], [sflag:$0xB], $0x1400, $0x38;
	[tilespmem:$0x1E380] =	vst v63  }
0x9e: {  	_ =	swait.ge [sflag:s12], $0x1400  }
0x9f: {  	s6 =	sld [smem:$0x7ED]  }
0xa0: {  	[sflag:s12] =	ssyncset.done $0x0  }
0xa1: {  	[sflag:s12] =	ssyncadd.s32 $0xFFFFEC00  }
0xa2: {  	[spmem:s6] =	stream.linear.scatter [tilespmem:s11], [sflag:$0xB], $0x1400, $0x38;
	[tilespmem:$0x1E380] =	vst v63  }
0xa3: {  	_ =	swait.ge [sflag:s12], $0x1400  }
0xa4: {  	s7 =	sld [smem:$0x7EE]  }
0xa5: {  	[sflag:s12] =	ssyncset.done $0x0  }
0xa6: {  	[sflag:s12] =	ssyncadd.s32 $0xFFFFEC00  }
0xa7: {  	[spmem:s7] =	stream.linear.scatter [tilespmem:s11], [sflag:$0xB], $0x1400, $0x38;
	[tilespmem:$0x1E380] =	vst v63  }
0xa8: {  	_ =	swait.ge [sflag:s12], $0x1400  }
0xa9: {  	s18 =	sld [smem:$0x7EF]  }
0xaa: {  	[sflag:s12] =	ssyncset.done $0x0  }
0xab: {  	[sflag:s12] =	ssyncadd.s32 $0xFFFFEC00  }
0xac: {  	[spmem:s18] =	stream.linear.scatter [tilespmem:s11], [sflag:$0xB], $0x1400, $0x38;
	[tilespmem:$0x1E380] =	vst v63  }
0xad: {  	_ =	swait.ge [sflag:s12], $0x1400  }
0xae: {  	s6 =	sld [smem:$0x7F0]  }
0xaf: {  	[sflag:s12] =	ssyncset.done $0x0  }
0xb0: {  	[sflag:s12] =	ssyncadd.s32 $0xFFFFEC00  }
0xb1: {  	[spmem:s6] =	stream.linear.scatter [tilespmem:s11], [sflag:$0xB], $0x1400, $0x38;
	[tilespmem:$0x1E380] =	vst v63  }
0xb2: {  	_ =	swait.ge [sflag:s12], $0x1400  }
0xb3: {  	[sflag:s12] =	ssyncset.done $0x0  }
0xb4: {  	[sflag:s12] =	ssyncadd.s32 $0xFFFFEC00  }
0xb5: {  	[bflag:$0x0] =	sbarrier.arrive $0xFFFF  }
0xb6: {  	s7 =	sld [smem:$0x7F5];
	_ =	sdelay $0x1  }
0xb7: {  	s6 =	simm.s32 $0x0  }
0xb8: {  	[tilespmem:s6], [sflag:$0xB] =	stream.linear.gather [hbm4b:s7+s6], $0x50, $0x38;
	[tilespmem:$0x1E380] =	vst v63  }
0xb9: {  	_ =	swait.ge [sflag:s12], $0x50  }
0xba: {  	s18 =	sld [smem:$0x7F6]  }
0xbb: {  	[sflag:s12] =	ssyncset.done $0x0  }
0xbc: {  	[sflag:s12] =	ssyncadd.s32 $0xFFFFFFB0  }
0xbd: {  	[tilespmem:s13], [sflag:$0xB] =	stream.linear.gather [hbm4b:s18+s6], $0x50, $0x38;
	[tilespmem:$0x1E380] =	vst v63  }
0xbe: {  	_ =	swait.ge [sflag:s12], $0x50  }
0xbf: {  	[sflag:s12] =	ssyncset.done $0x0  }
0xc0: {  	s7 =	sld [smem:$0x7F1];
	[sflag:s12] =	ssyncadd.s32 $0xFFFFFFB0  }
0xc1: {  	[tilespmem:s11], [sflag:$0x1] =	stream.indirect.gather [hbm4b:s15+s14], $0x80, s6, s14, $0xb8;
	[tilespmem:$0x1E380] =	vst v63  }
0xc2: {  	s18 =	sld [smem:$0x7F2]  }
0xc3: {  	[tilespmem:s16], [sflag:$0x5] =	stream.linear.gather [hbm4b:s7+s6], $0x50, $0x38;
	[tilespmem:$0x1E380] =	vst v63  }
0xc4: {  	_ = 	snop  }
0xc5: {  	[tilespmem:s19], [sflag:$0x5] =	stream.linear.gather [hbm4b:s18+s6], $0x50, $0x38;
	[tilespmem:$0x1E380] =	vst v63  }
0xc6: {  	_ =	swait.ge [sflag:s21], $0x50  }
0xc7: {  	[sflag:s21] =	ssyncset.done $0x0  }
0xc8: {  	[sflag:s21] =	ssyncadd.s32 $0xFFFFFFB0  }
0xc9: {  	_ =	swait.ge [sflag:s21], $0x50  }
0xca: {  	[sflag:s21] =	ssyncset.done $0x0  }
0xcb: {  	[sflag:s21] =	ssyncadd.s32 $0xFFFFFFB0  }
0xcc: {  	[tilespmem:s8], [sflag:$0x2] =	stream.indirect.gather [hbm4b:s15+s14], $0x80, s16, s14, $0xb8;
	[tilespmem:$0x1E380] =	vst v63  }
0xcd: {  	_ =	swait.ge [sflag:s9], $0x2800  }
0xce: {  	[sflag:s9] =	ssyncset.done $0x0  }
0xcf: {  	[sflag:s9] =	ssyncadd.s32 $0xFFFFD800  }
0xd0: {  	[spmem:s20] =	stream.indirect.scatter.add.f32 [tilespmem:s11], [sflag:$0x8], $0x80, s13, s14, $0xb8;
	[tilespmem:$0x1E380] =	vst v63  }
0xd1: {  	v2 =	vld [tilespmem:$0x200];
	_ =	sdelay $0x7  }
0xd2: {  	[tilespmem:v2+s10+$0x0] =	vst.idx.add.f32.msk $0xffff, v1  }
0xd3: {  	v2 =	vld [tilespmem:$0x210];
	_ =	sdelay $0x7  }
0xd4: {  	[tilespmem:v2+s10+$0x0] =	vst.idx.add.f32.msk $0xffff, v1  }
0xd5: {  	v2 =	vld [tilespmem:$0x220];
	_ =	sdelay $0x7  }
0xd6: {  	[tilespmem:v2+s10+$0x0] =	vst.idx.add.f32.msk $0xffff, v1  }
0xd7: {  	v2 =	vld [tilespmem:$0x230];
	_ =	sdelay $0x7  }
0xd8: {  	[tilespmem:v2+s10+$0x0] =	vst.idx.add.f32.msk $0xffff, v1  }
0xd9: {  	v2 =	vld [tilespmem:$0x240];
	_ =	sdelay $0x5  }
0xda: {  	s7 =	sld [smem:$0x7F3];
	_ =	sdelay $0x1  }
0xdb: {  	s18 =	sld [smem:$0x7F4];
	[tilespmem:v2+s10+$0x0] =	vst.idx.add.f32.msk $0xffff, v1  }
0xdc: {  	[tilespmem:s23], [sflag:$0x6] =	stream.linear.gather [hbm4b:s7+s6], $0x50, $0x38;
	[tilespmem:$0x1E380] =	vst v63  }
0xdd: {  	_ = 	snop  }
0xde: {  	[tilespmem:s24], [sflag:$0x6] =	stream.linear.gather [hbm4b:s18+s6], $0x50, $0x38;
	[tilespmem:$0x1E380] =	vst v63  }
0xdf: {  	_ =	swait.ge [sflag:s25], $0x50  }
0xe0: {  	[sflag:s25] =	ssyncset.done $0x0  }
0xe1: {  	[sflag:s25] =	ssyncadd.s32 $0xFFFFFFB0  }
0xe2: {  	_ =	swait.ge [sflag:s25], $0x50  }
0xe3: {  	[sflag:s25] =	ssyncset.done $0x0  }
0xe4: {  	[sflag:s25] =	ssyncadd.s32 $0xFFFFFFB0  }
0xe5: {  	[tilespmem:s26], [sflag:$0x3] =	stream.indirect.gather [hbm4b:s15+s14], $0x80, s23, s14, $0xb8;
	[tilespmem:$0x1E380] =	vst v63  }
0xe6: {  	_ =	swait.ge [sflag:s28], $0x2800  }
0xe7: {  	[sflag:s28] =	ssyncset.done $0x0  }
0xe8: {  	[sflag:s28] =	ssyncadd.s32 $0xFFFFD800  }
0xe9: {  	[spmem:s20] =	stream.indirect.scatter.add.f32 [tilespmem:s8], [sflag:$0x9], $0x80, s19, s14, $0xb8;
	[tilespmem:$0x1E380] =	vst v63  }
0xea: {  	v2 =	vld [tilespmem:$0x280];
	_ =	sdelay $0x7  }
0xeb: {  	[tilespmem:v2+s10+$0x0] =	vst.idx.add.f32.msk $0xffff, v1  }
0xec: {  	v2 =	vld [tilespmem:$0x290];
	_ =	sdelay $0x7  }
0xed: {  	[tilespmem:v2+s10+$0x0] =	vst.idx.add.f32.msk $0xffff, v1  }
0xee: {  	v2 =	vld [tilespmem:$0x2A0];
	_ =	sdelay $0x7  }
0xef: {  	[tilespmem:v2+s10+$0x0] =	vst.idx.add.f32.msk $0xffff, v1  }
0xf0: {  	v2 =	vld [tilespmem:$0x2B0];
	_ =	sdelay $0x7  }
0xf1: {  	[tilespmem:v2+s10+$0x0] =	vst.idx.add.f32.msk $0xffff, v1  }
0xf2: {  	v2 =	vld [tilespmem:$0x2C0];
	_ =	sdelay $0x5  }
0xf3: {  	s7 =	sld [smem:$0x7F7];
	_ =	sdelay $0x1  }
0xf4: {  	s18 =	sld [smem:$0x7F8];
	[tilespmem:v2+s10+$0x0] =	vst.idx.add.f32.msk $0xffff, v1  }
0xf5: {  	[tilespmem:s29], [sflag:$0x7] =	stream.linear.gather [hbm4b:s7+s6], $0x50, $0x38;
	[tilespmem:$0x1E380] =	vst v63  }
0xf6: {  	s7 =	sld [smem:$0x7FD]  }
0xf7: {  	[tilespmem:s30], [sflag:$0x7] =	stream.linear.gather [hbm4b:s18+s6], $0x50, $0x38;
	[tilespmem:$0x1E380] =	vst v63  }
.LBB2_6:
0xf8: {  	_ =	swait.ge [sflag:s31], $0x2800  }
0xf9: {  	[sflag:s31] =	ssyncset.done $0x0  }
0xfa: {  	[sflag:s31] =	ssyncadd.s32 $0xFFFFD800  }
0xfb: {  	_ =	swait.ge [sflag:s17], $0x50  }
0xfc: {  	[sflag:s17] =	ssyncset.done $0x0  }
0xfd: {  	[sflag:s17] =	ssyncadd.s32 $0xFFFFFFB0  }
0xfe: {  	_ =	swait.ge [sflag:s17], $0x50  }
0xff: {  	[sflag:s17] =	ssyncset.done $0x0  }
0x100: {  	[sflag:s17] =	ssyncadd.s32 $0xFFFFFFB0  }
0x101: {  	[tilespmem:s11], [sflag:$0x1] =	stream.indirect.gather [hbm4b:s15+s14], $0x80, s29, s14, $0xb8;
	[tilespmem:$0x1E380] =	vst v63  }
0x102: {  	_ =	swait.ge [sflag:s0], $0x2800  }
0x103: {  	[sflag:s0] =	ssyncset.done $0x0  }
0x104: {  	[sflag:s0] =	ssyncadd.s32 $0xFFFFD800  }
0x105: {  	[spmem:s20] =	stream.indirect.scatter.add.f32 [tilespmem:s26], [sflag:$0xA], $0x80, s24, s14, $0xb8;
	[tilespmem:$0x1E380] =	vst v63  }
0x106: {  	v2 =	vld [tilespmem:$0x300];
	_ =	sdelay $0x7  }
0x107: {  	[tilespmem:v2+s10+$0x0] =	vst.idx.add.f32.msk $0xffff, v1  }
0x108: {  	v2 =	vld [tilespmem:$0x310];
	_ =	sdelay $0x7  }
0x109: {  	[tilespmem:v2+s10+$0x0] =	vst.idx.add.f32.msk $0xffff, v1  }
0x10a: {  	v2 =	vld [tilespmem:$0x320];
	_ =	sdelay $0x7  }
0x10b: {  	[tilespmem:v2+s10+$0x0] =	vst.idx.add.f32.msk $0xffff, v1  }
0x10c: {  	v2 =	vld [tilespmem:$0x330];
	_ =	sdelay $0x7  }
0x10d: {  	[tilespmem:v2+s10+$0x0] =	vst.idx.add.f32.msk $0xffff, v1  }
0x10e: {  	v2 =	vld [tilespmem:$0x340];
	_ =	sdelay $0x6  }
0x10f: {  	s5 =	rddreg [dreg:$0x1a]  }
0x110: {  	s18 =	rddreg [dreg:$0x19];
	s5 =	sadd.s32 s6, s5;
	[tilespmem:v2+s10+$0x0] =	vst.idx.add.f32.msk $0xffff, v1  }
0x111: {  	[tilespmem:s1], [sflag:$0x4] =	stream.linear.gather [hbm4b:s5+s1], $0x50, $0x38;
	[tilespmem:$0x1E380] =	vst v63  }
0x112: {  	s18 =	sadd.s32 s6, s18  }
0x113: {  	[tilespmem:s13], [sflag:$0x4] =	stream.linear.gather [hbm4b:s18+s1], $0x50, $0x38;
	[tilespmem:$0x1E380] =	vst v63  }
0x114: {  	_ =	swait.ge [sflag:s2], $0x2800  }
0x115: {  	[sflag:s2] =	ssyncset.done $0x0  }
0x116: {  	[sflag:s2] =	ssyncadd.s32 $0xFFFFD800  }
0x117: {  	_ =	swait.ge [sflag:s3], $0x50  }
0x118: {  	[sflag:s3] =	ssyncset.done $0x0  }
0x119: {  	[sflag:s3] =	ssyncadd.s32 $0xFFFFFFB0  }
0x11a: {  	_ =	swait.ge [sflag:s3], $0x50  }
0x11b: {  	[sflag:s3] =	ssyncset.done $0x0  }
0x11c: {  	[sflag:s3] =	ssyncadd.s32 $0xFFFFFFB0  }
0x11d: {  	[tilespmem:s8], [sflag:$0x2] =	stream.indirect.gather [hbm4b:s15+s14], $0x80, s1, s14, $0xb8;
	[tilespmem:$0x1E380] =	vst v63  }
0x11e: {  	_ =	swait.ge [sflag:s9], $0x2800  }
0x11f: {  	[sflag:s9] =	ssyncset.done $0x0  }
0x120: {  	[sflag:s9] =	ssyncadd.s32 $0xFFFFD800  }
0x121: {  	[spmem:s20] =	stream.indirect.scatter.add.f32 [tilespmem:s11], [sflag:$0x8], $0x80, s30, s14, $0xb8;
	[tilespmem:$0x1E380] =	vst v63  }
0x122: {  	v2 =	vld [tilespmem:$0x380];
	_ =	sdelay $0x7  }
0x123: {  	[tilespmem:v2+s10+$0x0] =	vst.idx.add.f32.msk $0xffff, v1  }
0x124: {  	v2 =	vld [tilespmem:$0x390];
	_ =	sdelay $0x7  }
0x125: {  	[tilespmem:v2+s10+$0x0] =	vst.idx.add.f32.msk $0xffff, v1  }
0x126: {  	v2 =	vld [tilespmem:$0x3A0];
	_ =	sdelay $0x7  }
0x127: {  	[tilespmem:v2+s10+$0x0] =	vst.idx.add.f32.msk $0xffff, v1  }
0x128: {  	v2 =	vld [tilespmem:$0x3B0];
	_ =	sdelay $0x7  }
0x129: {  	[tilespmem:v2+s10+$0x0] =	vst.idx.add.f32.msk $0xffff, v1  }
0x12a: {  	v2 =	vld [tilespmem:$0x3C0];
	_ =	sdelay $0x6  }
0x12b: {  	s5 =	rddreg [dreg:$0x18]  }
0x12c: {  	s18 =	rddreg [dreg:$0x17];
	s5 =	sadd.s32 s6, s5;
	[tilespmem:v2+s10+$0x0] =	vst.idx.add.f32.msk $0xffff, v1  }
0x12d: {  	[tilespmem:s16], [sflag:$0x5] =	stream.linear.gather [hbm4b:s5+s1], $0x50, $0x38;
	[tilespmem:$0x1E380] =	vst v63  }
0x12e: {  	s18 =	sadd.s32 s6, s18  }
0x12f: {  	[tilespmem:s19], [sflag:$0x5] =	stream.linear.gather [hbm4b:s18+s1], $0x50, $0x38;
	[tilespmem:$0x1E380] =	vst v63  }
0x130: {  	_ =	swait.ge [sflag:s4], $0x2800  }
0x131: {  	[sflag:s4] =	ssyncset.done $0x0  }
0x132: {  	[sflag:s4] =	ssyncadd.s32 $0xFFFFD800  }
0x133: {  	_ =	swait.ge [sflag:s21], $0x50  }
0x134: {  	[sflag:s21] =	ssyncset.done $0x0  }
0x135: {  	[sflag:s21] =	ssyncadd.s32 $0xFFFFFFB0  }
0x136: {  	_ =	swait.ge [sflag:s21], $0x50  }
0x137: {  	[sflag:s21] =	ssyncset.done $0x0  }
0x138: {  	[sflag:s21] =	ssyncadd.s32 $0xFFFFFFB0  }
0x139: {  	[tilespmem:s26], [sflag:$0x3] =	stream.indirect.gather [hbm4b:s15+s14], $0x80, s16, s14, $0xb8;
	[tilespmem:$0x1E380] =	vst v63  }
0x13a: {  	_ =	swait.ge [sflag:s28], $0x2800  }
0x13b: {  	[sflag:s28] =	ssyncset.done $0x0  }
0x13c: {  	[sflag:s28] =	ssyncadd.s32 $0xFFFFD800  }
0x13d: {  	[spmem:s20] =	stream.indirect.scatter.add.f32 [tilespmem:s8], [sflag:$0x9], $0x80, s13, s14, $0xb8;
	[tilespmem:$0x1E380] =	vst v63  }
0x13e: {  	v2 =	vld [tilespmem:$0x200];
	_ =	sdelay $0x7  }
0x13f: {  	[tilespmem:v2+s10+$0x0] =	vst.idx.add.f32.msk $0xffff, v1  }
0x140: {  	v2 =	vld [tilespmem:$0x210];
	_ =	sdelay $0x7  }
0x141: {  	[tilespmem:v2+s10+$0x0] =	vst.idx.add.f32.msk $0xffff, v1  }
0x142: {  	v2 =	vld [tilespmem:$0x220];
	_ =	sdelay $0x7  }
0x143: {  	[tilespmem:v2+s10+$0x0] =	vst.idx.add.f32.msk $0xffff, v1  }
0x144: {  	v2 =	vld [tilespmem:$0x230];
	_ =	sdelay $0x7  }
0x145: {  	[tilespmem:v2+s10+$0x0] =	vst.idx.add.f32.msk $0xffff, v1  }
0x146: {  	v2 =	vld [tilespmem:$0x240];
	_ =	sdelay $0x6  }
0x147: {  	s5 =	rddreg [dreg:$0x16]  }
0x148: {  	s18 =	rddreg [dreg:$0x15];
	s5 =	sadd.s32 s6, s5;
	[tilespmem:v2+s10+$0x0] =	vst.idx.add.f32.msk $0xffff, v1  }
0x149: {  	[tilespmem:s23], [sflag:$0x6] =	stream.linear.gather [hbm4b:s5+s1], $0x50, $0x38;
	[tilespmem:$0x1E380] =	vst v63  }
0x14a: {  	s18 =	sadd.s32 s6, s18  }
0x14b: {  	[tilespmem:s24], [sflag:$0x6] =	stream.linear.gather [hbm4b:s18+s1], $0x50, $0x38;
	[tilespmem:$0x1E380] =	vst v63  }
0x14c: {  	_ =	swait.ge [sflag:s31], $0x2800  }
0x14d: {  	[sflag:s31] =	ssyncset.done $0x0  }
0x14e: {  	[sflag:s31] =	ssyncadd.s32 $0xFFFFD800  }
0x14f: {  	_ =	swait.ge [sflag:s25], $0x50  }
0x150: {  	[sflag:s25] =	ssyncset.done $0x0  }
0x151: {  	[sflag:s25] =	ssyncadd.s32 $0xFFFFFFB0  }
0x152: {  	_ =	swait.ge [sflag:s25], $0x50  }
0x153: {  	[sflag:s25] =	ssyncset.done $0x0  }
0x154: {  	[sflag:s25] =	ssyncadd.s32 $0xFFFFFFB0  }
0x155: {  	[tilespmem:s11], [sflag:$0x1] =	stream.indirect.gather [hbm4b:s15+s14], $0x80, s23, s14, $0xb8;
	[tilespmem:$0x1E380] =	vst v63  }
0x156: {  	_ =	swait.ge [sflag:s0], $0x2800  }
0x157: {  	[sflag:s0] =	ssyncset.done $0x0  }
0x158: {  	[sflag:s0] =	ssyncadd.s32 $0xFFFFD800  }
0x159: {  	[spmem:s20] =	stream.indirect.scatter.add.f32 [tilespmem:s26], [sflag:$0xA], $0x80, s19, s14, $0xb8;
	[tilespmem:$0x1E380] =	vst v63  }
0x15a: {  	v2 =	vld [tilespmem:$0x280];
	_ =	sdelay $0x7  }
0x15b: {  	[tilespmem:v2+s10+$0x0] =	vst.idx.add.f32.msk $0xffff, v1  }
0x15c: {  	v2 =	vld [tilespmem:$0x290];
	_ =	sdelay $0x7  }
0x15d: {  	[tilespmem:v2+s10+$0x0] =	vst.idx.add.f32.msk $0xffff, v1  }
0x15e: {  	v2 =	vld [tilespmem:$0x2A0];
	_ =	sdelay $0x7  }
0x15f: {  	[tilespmem:v2+s10+$0x0] =	vst.idx.add.f32.msk $0xffff, v1  }
0x160: {  	v2 =	vld [tilespmem:$0x2B0];
	_ =	sdelay $0x7  }
0x161: {  	[tilespmem:v2+s10+$0x0] =	vst.idx.add.f32.msk $0xffff, v1  }
0x162: {  	v2 =	vld [tilespmem:$0x2C0];
	_ =	sdelay $0x6  }
0x163: {  	s5 =	rddreg [dreg:$0x14]  }
0x164: {  	s18 =	rddreg [dreg:$0x13];
	s5 =	sadd.s32 s6, s5;
	[tilespmem:v2+s10+$0x0] =	vst.idx.add.f32.msk $0xffff, v1  }
0x165: {  	[tilespmem:s29], [sflag:$0x7] =	stream.linear.gather [hbm4b:s5+s1], $0x50, $0x38;
	[tilespmem:$0x1E380] =	vst v63  }
0x166: {  	s18 =	sadd.s32 s6, s18  }
0x167: {  	[tilespmem:s30], [sflag:$0x7] =	stream.linear.gather [hbm4b:s18+s1], $0x50, $0x38;
	[tilespmem:$0x1E380] =	vst v63  }
0x168: {  	_ =	swait.ge [sflag:s2], $0x2800  }
0x169: {  	[sflag:s2] =	ssyncset.done $0x0  }
0x16a: {  	[sflag:s2] =	ssyncadd.s32 $0xFFFFD800  }
0x16b: {  	_ =	swait.ge [sflag:s17], $0x50  }
0x16c: {  	[sflag:s17] =	ssyncset.done $0x0  }
0x16d: {  	[sflag:s17] =	ssyncadd.s32 $0xFFFFFFB0  }
0x16e: {  	_ =	swait.ge [sflag:s17], $0x50  }
0x16f: {  	[sflag:s17] =	ssyncset.done $0x0  }
0x170: {  	[sflag:s17] =	ssyncadd.s32 $0xFFFFFFB0  }
0x171: {  	[tilespmem:s8], [sflag:$0x2] =	stream.indirect.gather [hbm4b:s15+s14], $0x80, s29, s14, $0xb8;
	[tilespmem:$0x1E380] =	vst v63  }
0x172: {  	_ =	swait.ge [sflag:s9], $0x2800  }
0x173: {  	[sflag:s9] =	ssyncset.done $0x0  }
0x174: {  	[sflag:s9] =	ssyncadd.s32 $0xFFFFD800  }
0x175: {  	[spmem:s20] =	stream.indirect.scatter.add.f32 [tilespmem:s11], [sflag:$0x8], $0x80, s24, s14, $0xb8;
	[tilespmem:$0x1E380] =	vst v63  }
0x176: {  	v2 =	vld [tilespmem:$0x300];
	_ =	sdelay $0x7  }
0x177: {  	[tilespmem:v2+s10+$0x0] =	vst.idx.add.f32.msk $0xffff, v1  }
0x178: {  	v2 =	vld [tilespmem:$0x310];
	_ =	sdelay $0x7  }
0x179: {  	[tilespmem:v2+s10+$0x0] =	vst.idx.add.f32.msk $0xffff, v1  }
0x17a: {  	v2 =	vld [tilespmem:$0x320];
	_ =	sdelay $0x7  }
0x17b: {  	[tilespmem:v2+s10+$0x0] =	vst.idx.add.f32.msk $0xffff, v1  }
0x17c: {  	v2 =	vld [tilespmem:$0x330];
	_ =	sdelay $0x7  }
0x17d: {  	[tilespmem:v2+s10+$0x0] =	vst.idx.add.f32.msk $0xffff, v1  }
0x17e: {  	v2 =	vld [tilespmem:$0x340];
	_ =	sdelay $0x6  }
0x17f: {  	s5 =	rddreg [dreg:$0x12]  }
0x180: {  	s18 =	rddreg [dreg:$0x11];
	s5 =	sadd.s32 s6, s5;
	[tilespmem:v2+s10+$0x0] =	vst.idx.add.f32.msk $0xffff, v1  }
0x181: {  	[tilespmem:s1], [sflag:$0x4] =	stream.linear.gather [hbm4b:s5+s1], $0x50, $0x38;
	[tilespmem:$0x1E380] =	vst v63  }
0x182: {  	s18 =	sadd.s32 s6, s18  }
0x183: {  	[tilespmem:s13], [sflag:$0x4] =	stream.linear.gather [hbm4b:s18+s1], $0x50, $0x38;
	[tilespmem:$0x1E380] =	vst v63  }
0x184: {  	_ =	swait.ge [sflag:s4], $0x2800  }
0x185: {  	[sflag:s4] =	ssyncset.done $0x0  }
0x186: {  	[sflag:s4] =	ssyncadd.s32 $0xFFFFD800  }
0x187: {  	_ =	swait.ge [sflag:s3], $0x50  }
0x188: {  	[sflag:s3] =	ssyncset.done $0x0  }
0x189: {  	[sflag:s3] =	ssyncadd.s32 $0xFFFFFFB0  }
0x18a: {  	_ =	swait.ge [sflag:s3], $0x50  }
0x18b: {  	[sflag:s3] =	ssyncset.done $0x0  }
0x18c: {  	[sflag:s3] =	ssyncadd.s32 $0xFFFFFFB0  }
0x18d: {  	[tilespmem:s26], [sflag:$0x3] =	stream.indirect.gather [hbm4b:s15+s14], $0x80, s1, s14, $0xb8;
	[tilespmem:$0x1E380] =	vst v63  }
0x18e: {  	_ =	swait.ge [sflag:s28], $0x2800  }
0x18f: {  	[sflag:s28] =	ssyncset.done $0x0  }
0x190: {  	[sflag:s28] =	ssyncadd.s32 $0xFFFFD800  }
0x191: {  	[spmem:s20] =	stream.indirect.scatter.add.f32 [tilespmem:s8], [sflag:$0x9], $0x80, s30, s14, $0xb8;
	[tilespmem:$0x1E380] =	vst v63  }
0x192: {  	v2 =	vld [tilespmem:$0x380];
	_ =	sdelay $0x7  }
0x193: {  	[tilespmem:v2+s10+$0x0] =	vst.idx.add.f32.msk $0xffff, v1  }
0x194: {  	v2 =	vld [tilespmem:$0x390];
	_ =	sdelay $0x7  }
0x195: {  	[tilespmem:v2+s10+$0x0] =	vst.idx.add.f32.msk $0xffff, v1  }
0x196: {  	v2 =	vld [tilespmem:$0x3A0];
	_ =	sdelay $0x7  }
0x197: {  	[tilespmem:v2+s10+$0x0] =	vst.idx.add.f32.msk $0xffff, v1  }
0x198: {  	v2 =	vld [tilespmem:$0x3B0];
	_ =	sdelay $0x7  }
0x199: {  	[tilespmem:v2+s10+$0x0] =	vst.idx.add.f32.msk $0xffff, v1  }
0x19a: {  	v2 =	vld [tilespmem:$0x3C0];
	_ =	sdelay $0x6  }
0x19b: {  	s5 =	rddreg [dreg:$0x10]  }
0x19c: {  	s18 =	rddreg [dreg:$0xf];
	s5 =	sadd.s32 s6, s5;
	[tilespmem:v2+s10+$0x0] =	vst.idx.add.f32.msk $0xffff, v1  }
0x19d: {  	[tilespmem:s16], [sflag:$0x5] =	stream.linear.gather [hbm4b:s5+s1], $0x50, $0x38;
	[tilespmem:$0x1E380] =	vst v63  }
0x19e: {  	s18 =	sadd.s32 s6, s18  }
0x19f: {  	[tilespmem:s19], [sflag:$0x5] =	stream.linear.gather [hbm4b:s18+s1], $0x50, $0x38;
	[tilespmem:$0x1E380] =	vst v63  }
0x1a0: {  	_ =	swait.ge [sflag:s31], $0x2800  }
0x1a1: {  	[sflag:s31] =	ssyncset.done $0x0  }
0x1a2: {  	[sflag:s31] =	ssyncadd.s32 $0xFFFFD800  }
0x1a3: {  	_ =	swait.ge [sflag:s21], $0x50  }
0x1a4: {  	[sflag:s21] =	ssyncset.done $0x0  }
0x1a5: {  	[sflag:s21] =	ssyncadd.s32 $0xFFFFFFB0  }
0x1a6: {  	_ =	swait.ge [sflag:s21], $0x50  }
0x1a7: {  	[sflag:s21] =	ssyncset.done $0x0  }
0x1a8: {  	[sflag:s21] =	ssyncadd.s32 $0xFFFFFFB0  }
0x1a9: {  	[tilespmem:s11], [sflag:$0x1] =	stream.indirect.gather [hbm4b:s15+s14], $0x80, s16, s14, $0xb8;
	[tilespmem:$0x1E380] =	vst v63  }
0x1aa: {  	_ =	swait.ge [sflag:s0], $0x2800  }
0x1ab: {  	[sflag:s0] =	ssyncset.done $0x0  }
0x1ac: {  	[sflag:s0] =	ssyncadd.s32 $0xFFFFD800  }
0x1ad: {  	[spmem:s20] =	stream.indirect.scatter.add.f32 [tilespmem:s26], [sflag:$0xA], $0x80, s13, s14, $0xb8;
	[tilespmem:$0x1E380] =	vst v63  }
0x1ae: {  	v2 =	vld [tilespmem:$0x200];
	_ =	sdelay $0x7  }
0x1af: {  	[tilespmem:v2+s10+$0x0] =	vst.idx.add.f32.msk $0xffff, v1  }
0x1b0: {  	v2 =	vld [tilespmem:$0x210];
	_ =	sdelay $0x7  }
0x1b1: {  	[tilespmem:v2+s10+$0x0] =	vst.idx.add.f32.msk $0xffff, v1  }
0x1b2: {  	v2 =	vld [tilespmem:$0x220];
	_ =	sdelay $0x7  }
0x1b3: {  	[tilespmem:v2+s10+$0x0] =	vst.idx.add.f32.msk $0xffff, v1  }
0x1b4: {  	v2 =	vld [tilespmem:$0x230];
	_ =	sdelay $0x7  }
0x1b5: {  	[tilespmem:v2+s10+$0x0] =	vst.idx.add.f32.msk $0xffff, v1  }
0x1b6: {  	v2 =	vld [tilespmem:$0x240];
	_ =	sdelay $0x6  }
0x1b7: {  	s5 =	rddreg [dreg:$0xe]  }
0x1b8: {  	s18 =	rddreg [dreg:$0xd];
	s5 =	sadd.s32 s6, s5;
	[tilespmem:v2+s10+$0x0] =	vst.idx.add.f32.msk $0xffff, v1  }
0x1b9: {  	[tilespmem:s23], [sflag:$0x6] =	stream.linear.gather [hbm4b:s5+s1], $0x50, $0x38;
	[tilespmem:$0x1E380] =	vst v63  }
0x1ba: {  	s18 =	sadd.s32 s6, s18  }
0x1bb: {  	[tilespmem:s24], [sflag:$0x6] =	stream.linear.gather [hbm4b:s18+s1], $0x50, $0x38;
	[tilespmem:$0x1E380] =	vst v63  }
0x1bc: {  	_ =	swait.ge [sflag:s2], $0x2800  }
0x1bd: {  	[sflag:s2] =	ssyncset.done $0x0  }
0x1be: {  	[sflag:s2] =	ssyncadd.s32 $0xFFFFD800  }
0x1bf: {  	_ =	swait.ge [sflag:s25], $0x50  }
0x1c0: {  	[sflag:s25] =	ssyncset.done $0x0  }
0x1c1: {  	[sflag:s25] =	ssyncadd.s32 $0xFFFFFFB0  }
0x1c2: {  	_ =	swait.ge [sflag:s25], $0x50  }
0x1c3: {  	[sflag:s25] =	ssyncset.done $0x0  }
0x1c4: {  	[sflag:s25] =	ssyncadd.s32 $0xFFFFFFB0  }
0x1c5: {  	[tilespmem:s8], [sflag:$0x2] =	stream.indirect.gather [hbm4b:s15+s14], $0x80, s23, s14, $0xb8;
	[tilespmem:$0x1E380] =	vst v63  }
0x1c6: {  	_ =	swait.ge [sflag:s9], $0x2800  }
0x1c7: {  	[sflag:s9] =	ssyncset.done $0x0  }
0x1c8: {  	[sflag:s9] =	ssyncadd.s32 $0xFFFFD800  }
0x1c9: {  	[spmem:s20] =	stream.indirect.scatter.add.f32 [tilespmem:s11], [sflag:$0x8], $0x80, s19, s14, $0xb8;
	[tilespmem:$0x1E380] =	vst v63  }
0x1ca: {  	v2 =	vld [tilespmem:$0x280];
	_ =	sdelay $0x7  }
0x1cb: {  	[tilespmem:v2+s10+$0x0] =	vst.idx.add.f32.msk $0xffff, v1  }
0x1cc: {  	v2 =	vld [tilespmem:$0x290];
	_ =	sdelay $0x7  }
0x1cd: {  	[tilespmem:v2+s10+$0x0] =	vst.idx.add.f32.msk $0xffff, v1  }
0x1ce: {  	v2 =	vld [tilespmem:$0x2A0];
	_ =	sdelay $0x7  }
0x1cf: {  	[tilespmem:v2+s10+$0x0] =	vst.idx.add.f32.msk $0xffff, v1  }
0x1d0: {  	v2 =	vld [tilespmem:$0x2B0];
	_ =	sdelay $0x7  }
0x1d1: {  	[tilespmem:v2+s10+$0x0] =	vst.idx.add.f32.msk $0xffff, v1  }
0x1d2: {  	v2 =	vld [tilespmem:$0x2C0];
	_ =	sdelay $0x6  }
0x1d3: {  	s5 =	rddreg [dreg:$0xc]  }
0x1d4: {  	s18 =	rddreg [dreg:$0xb];
	s5 =	sadd.s32 s6, s5;
	[tilespmem:v2+s10+$0x0] =	vst.idx.add.f32.msk $0xffff, v1  }
0x1d5: {  	[tilespmem:s29], [sflag:$0x7] =	stream.linear.gather [hbm4b:s5+s1], $0x50, $0x38;
	[tilespmem:$0x1E380] =	vst v63  }
0x1d6: {  	s18 =	sadd.s32 s6, s18  }
0x1d7: {  	[tilespmem:s30], [sflag:$0x7] =	stream.linear.gather [hbm4b:s18+s1], $0x50, $0x38;
	[tilespmem:$0x1E380] =	vst v63  }
0x1d8: {  	_ =	swait.ge [sflag:s4], $0x2800  }
0x1d9: {  	[sflag:s4] =	ssyncset.done $0x0  }
0x1da: {  	[sflag:s4] =	ssyncadd.s32 $0xFFFFD800  }
0x1db: {  	_ =	swait.ge [sflag:s17], $0x50  }
0x1dc: {  	[sflag:s17] =	ssyncset.done $0x0  }
0x1dd: {  	[sflag:s17] =	ssyncadd.s32 $0xFFFFFFB0  }
0x1de: {  	_ =	swait.ge [sflag:s17], $0x50  }
0x1df: {  	[sflag:s17] =	ssyncset.done $0x0  }
0x1e0: {  	[sflag:s17] =	ssyncadd.s32 $0xFFFFFFB0  }
0x1e1: {  	[tilespmem:s26], [sflag:$0x3] =	stream.indirect.gather [hbm4b:s15+s14], $0x80, s29, s14, $0xb8;
	[tilespmem:$0x1E380] =	vst v63  }
0x1e2: {  	_ =	swait.ge [sflag:s28], $0x2800  }
0x1e3: {  	[sflag:s28] =	ssyncset.done $0x0  }
0x1e4: {  	[sflag:s28] =	ssyncadd.s32 $0xFFFFD800  }
0x1e5: {  	[spmem:s20] =	stream.indirect.scatter.add.f32 [tilespmem:s8], [sflag:$0x9], $0x80, s24, s14, $0xb8;
	[tilespmem:$0x1E380] =	vst v63  }
0x1e6: {  	v2 =	vld [tilespmem:$0x300];
	_ =	sdelay $0x7  }
0x1e7: {  	[tilespmem:v2+s10+$0x0] =	vst.idx.add.f32.msk $0xffff, v1  }
0x1e8: {  	v2 =	vld [tilespmem:$0x310];
	_ =	sdelay $0x7  }
0x1e9: {  	[tilespmem:v2+s10+$0x0] =	vst.idx.add.f32.msk $0xffff, v1  }
0x1ea: {  	v2 =	vld [tilespmem:$0x320];
	_ =	sdelay $0x7  }
0x1eb: {  	[tilespmem:v2+s10+$0x0] =	vst.idx.add.f32.msk $0xffff, v1  }
0x1ec: {  	v2 =	vld [tilespmem:$0x330];
	_ =	sdelay $0x7  }
0x1ed: {  	[tilespmem:v2+s10+$0x0] =	vst.idx.add.f32.msk $0xffff, v1  }
0x1ee: {  	v2 =	vld [tilespmem:$0x340];
	_ =	sdelay $0x6  }
0x1ef: {  	s5 =	sshrl.u32 s7, $0x3  }
0x1f0: {  	s18 =	sadd.s32 s22, s5;
	[tilespmem:v2+s10+$0x0] =	vst.idx.add.f32.msk $0xffff, v1  }
0x1f1: {  	[tilespmem:s1], [sflag:$0x4] =	stream.linear.gather [hbm4b:s18+s1], $0x50, $0x38;
	[tilespmem:$0x1E380] =	vst v63  }
0x1f2: {  	s18 =	rddreg [dreg:$0x2]  }
0x1f3: {  	s5 =	sadd.s32 s18, s5  }
0x1f4: {  	[tilespmem:s13], [sflag:$0x4] =	stream.linear.gather [hbm4b:s5+s1], $0x50, $0x38;
	[tilespmem:$0x1E380] =	vst v63  }
0x1f5: {  	_ =	swait.ge [sflag:s31], $0x2800  }
0x1f6: {  	[sflag:s31] =	ssyncset.done $0x0  }
0x1f7: {  	[sflag:s31] =	ssyncadd.s32 $0xFFFFD800  }
0x1f8: {  	_ =	swait.ge [sflag:s3], $0x50  }
0x1f9: {  	[sflag:s3] =	ssyncset.done $0x0  }
0x1fa: {  	[sflag:s3] =	ssyncadd.s32 $0xFFFFFFB0  }
0x1fb: {  	_ =	swait.ge [sflag:s3], $0x50  }
0x1fc: {  	[sflag:s3] =	ssyncset.done $0x0  }
0x1fd: {  	[sflag:s3] =	ssyncadd.s32 $0xFFFFFFB0  }
0x1fe: {  	[tilespmem:s11], [sflag:$0x1] =	stream.indirect.gather [hbm4b:s15+s14], $0x80, s1, s14, $0xb8;
	[tilespmem:$0x1E380] =	vst v63  }
0x1ff: {  	_ =	swait.ge [sflag:s0], $0x2800  }
0x200: {  	[sflag:s0] =	ssyncset.done $0x0  }
0x201: {  	[sflag:s0] =	ssyncadd.s32 $0xFFFFD800  }
0x202: {  	[spmem:s20] =	stream.indirect.scatter.add.f32 [tilespmem:s26], [sflag:$0xA], $0x80, s30, s14, $0xb8;
	[tilespmem:$0x1E380] =	vst v63  }
0x203: {  	v2 =	vld [tilespmem:$0x380];
	_ =	sdelay $0x7  }
0x204: {  	[tilespmem:v2+s10+$0x0] =	vst.idx.add.f32.msk $0xffff, v1  }
0x205: {  	v2 =	vld [tilespmem:$0x390];
	_ =	sdelay $0x7  }
0x206: {  	[tilespmem:v2+s10+$0x0] =	vst.idx.add.f32.msk $0xffff, v1  }
0x207: {  	v2 =	vld [tilespmem:$0x3A0];
	_ =	sdelay $0x7  }
0x208: {  	[tilespmem:v2+s10+$0x0] =	vst.idx.add.f32.msk $0xffff, v1  }
0x209: {  	v2 =	vld [tilespmem:$0x3B0];
	_ =	sdelay $0x7  }
0x20a: {  	[tilespmem:v2+s10+$0x0] =	vst.idx.add.f32.msk $0xffff, v1  }
0x20b: {  	v2 =	vld [tilespmem:$0x3C0];
	_ =	sdelay $0x6  }
0x20c: {  	s5 =	rddreg [dreg:$0xa]  }
0x20d: {  	s18 =	rddreg [dreg:$0x9];
	s5 =	sadd.s32 s6, s5;
	[tilespmem:v2+s10+$0x0] =	vst.idx.add.f32.msk $0xffff, v1  }
0x20e: {  	[tilespmem:s16], [sflag:$0x5] =	stream.linear.gather [hbm4b:s5+s1], $0x50, $0x38;
	[tilespmem:$0x1E380] =	vst v63  }
0x20f: {  	s18 =	sadd.s32 s6, s18  }
0x210: {  	[tilespmem:s19], [sflag:$0x5] =	stream.linear.gather [hbm4b:s18+s1], $0x50, $0x38;
	[tilespmem:$0x1E380] =	vst v63  }
0x211: {  	_ =	swait.ge [sflag:s2], $0x2800  }
0x212: {  	[sflag:s2] =	ssyncset.done $0x0  }
0x213: {  	[sflag:s2] =	ssyncadd.s32 $0xFFFFD800  }
0x214: {  	_ =	swait.ge [sflag:s21], $0x50  }
0x215: {  	[sflag:s21] =	ssyncset.done $0x0  }
0x216: {  	[sflag:s21] =	ssyncadd.s32 $0xFFFFFFB0  }
0x217: {  	_ =	swait.ge [sflag:s21], $0x50  }
0x218: {  	[sflag:s21] =	ssyncset.done $0x0  }
0x219: {  	[sflag:s21] =	ssyncadd.s32 $0xFFFFFFB0  }
0x21a: {  	[tilespmem:s8], [sflag:$0x2] =	stream.indirect.gather [hbm4b:s15+s14], $0x80, s16, s14, $0xb8;
	[tilespmem:$0x1E380] =	vst v63  }
0x21b: {  	_ =	swait.ge [sflag:s9], $0x2800  }
0x21c: {  	[sflag:s9] =	ssyncset.done $0x0  }
0x21d: {  	[sflag:s9] =	ssyncadd.s32 $0xFFFFD800  }
0x21e: {  	[spmem:s20] =	stream.indirect.scatter.add.f32 [tilespmem:s11], [sflag:$0x8], $0x80, s13, s14, $0xb8;
	[tilespmem:$0x1E380] =	vst v63  }
0x21f: {  	v2 =	vld [tilespmem:$0x200];
	_ =	sdelay $0x7  }
0x220: {  	[tilespmem:v2+s10+$0x0] =	vst.idx.add.f32.msk $0xffff, v1  }
0x221: {  	v2 =	vld [tilespmem:$0x210];
	_ =	sdelay $0x7  }
0x222: {  	[tilespmem:v2+s10+$0x0] =	vst.idx.add.f32.msk $0xffff, v1  }
0x223: {  	v2 =	vld [tilespmem:$0x220];
	_ =	sdelay $0x7  }
0x224: {  	[tilespmem:v2+s10+$0x0] =	vst.idx.add.f32.msk $0xffff, v1  }
0x225: {  	v2 =	vld [tilespmem:$0x230];
	_ =	sdelay $0x7  }
0x226: {  	[tilespmem:v2+s10+$0x0] =	vst.idx.add.f32.msk $0xffff, v1  }
0x227: {  	v2 =	vld [tilespmem:$0x240];
	_ =	sdelay $0x6  }
0x228: {  	s5 =	rddreg [dreg:$0x8]  }
0x229: {  	s18 =	rddreg [dreg:$0x7];
	s5 =	sadd.s32 s6, s5;
	[tilespmem:v2+s10+$0x0] =	vst.idx.add.f32.msk $0xffff, v1  }
0x22a: {  	[tilespmem:s23], [sflag:$0x6] =	stream.linear.gather [hbm4b:s5+s1], $0x50, $0x38;
	[tilespmem:$0x1E380] =	vst v63  }
0x22b: {  	s18 =	sadd.s32 s6, s18  }
0x22c: {  	[tilespmem:s24], [sflag:$0x6] =	stream.linear.gather [hbm4b:s18+s1], $0x50, $0x38;
	[tilespmem:$0x1E380] =	vst v63  }
0x22d: {  	_ =	swait.ge [sflag:s4], $0x2800  }
0x22e: {  	[sflag:s4] =	ssyncset.done $0x0  }
0x22f: {  	[sflag:s4] =	ssyncadd.s32 $0xFFFFD800  }
0x230: {  	_ =	swait.ge [sflag:s25], $0x50  }
0x231: {  	[sflag:s25] =	ssyncset.done $0x0  }
0x232: {  	[sflag:s25] =	ssyncadd.s32 $0xFFFFFFB0  }
0x233: {  	_ =	swait.ge [sflag:s25], $0x50  }
0x234: {  	[sflag:s25] =	ssyncset.done $0x0  }
0x235: {  	[sflag:s25] =	ssyncadd.s32 $0xFFFFFFB0  }
0x236: {  	[tilespmem:s26], [sflag:$0x3] =	stream.indirect.gather [hbm4b:s15+s14], $0x80, s23, s14, $0xb8;
	[tilespmem:$0x1E380] =	vst v63  }
0x237: {  	_ =	swait.ge [sflag:s28], $0x2800  }
0x238: {  	[sflag:s28] =	ssyncset.done $0x0  }
0x239: {  	[sflag:s28] =	ssyncadd.s32 $0xFFFFD800  }
0x23a: {  	[spmem:s20] =	stream.indirect.scatter.add.f32 [tilespmem:s8], [sflag:$0x9], $0x80, s19, s14, $0xb8;
	[tilespmem:$0x1E380] =	vst v63  }
0x23b: {  	v2 =	vld [tilespmem:$0x280];
	_ =	sdelay $0x7  }
0x23c: {  	[tilespmem:v2+s10+$0x0] =	vst.idx.add.f32.msk $0xffff, v1  }
0x23d: {  	v2 =	vld [tilespmem:$0x290];
	_ =	sdelay $0x7  }
0x23e: {  	[tilespmem:v2+s10+$0x0] =	vst.idx.add.f32.msk $0xffff, v1  }
0x23f: {  	v2 =	vld [tilespmem:$0x2A0];
	_ =	sdelay $0x7  }
0x240: {  	[tilespmem:v2+s10+$0x0] =	vst.idx.add.f32.msk $0xffff, v1  }
0x241: {  	v2 =	vld [tilespmem:$0x2B0];
	_ =	sdelay $0x7  }
0x242: {  	[tilespmem:v2+s10+$0x0] =	vst.idx.add.f32.msk $0xffff, v1  }
0x243: {  	v2 =	vld [tilespmem:$0x2C0];
	_ =	sdelay $0x5  }
0x244: {  	p0 =	sne.s32 s6, $0x438  }
.Ltmp2:
0x245: {  	s5 =	rddreg [dreg:$0x6];
	(pc) =	sbr.rel @p0 .LBB2_6-.Ltmp2, $4  }
0x246: {  	s18 =	rddreg [dreg:$0x5];
	s5 =	sadd.s32 s6, s5;
	[tilespmem:v2+s10+$0x0] =	vst.idx.add.f32.msk $0xffff, v1  }
0x247: {  	[tilespmem:s29], [sflag:$0x7] =	stream.linear.gather [hbm4b:s5+s1], $0x50, $0x38;
	[tilespmem:$0x1E380] =	vst v63  }
0x248: {  	s7 =	sadd.s32 $0x3C0, s7;
	s18 =	sadd.s32 s6, s18;
	s6 =	sadd.s32 $0x78, s6  }
0x249: {  	[tilespmem:s30], [sflag:$0x7] =	stream.linear.gather [hbm4b:s18+s1], $0x50, $0x38;
	[tilespmem:$0x1E380] =	vst v63  }
0x24a: {  	_ =	swait.ge [sflag:s31], $0x2800  }
0x24b: {  	[sflag:s31] =	ssyncset.done $0x0  }
0x24c: {  	[sflag:s31] =	ssyncadd.s32 $0xFFFFD800  }
0x24d: {  	_ =	swait.ge [sflag:s17], $0x50  }
0x24e: {  	[sflag:s17] =	ssyncset.done $0x0  }
0x24f: {  	[sflag:s17] =	ssyncadd.s32 $0xFFFFFFB0  }
0x250: {  	_ =	swait.ge [sflag:s17], $0x50  }
0x251: {  	[sflag:s17] =	ssyncset.done $0x0  }
0x252: {  	[sflag:s17] =	ssyncadd.s32 $0xFFFFFFB0  }
0x253: {  	[tilespmem:s11], [sflag:$0x1] =	stream.indirect.gather [hbm4b:s15+s14], $0x80, s29, s14, $0xb8;
	[tilespmem:$0x1E380] =	vst v63  }
0x254: {  	_ =	swait.ge [sflag:s0], $0x2800  }
0x255: {  	[sflag:s0] =	ssyncset.done $0x0  }
0x256: {  	[sflag:s0] =	ssyncadd.s32 $0xFFFFD800  }
0x257: {  	[spmem:s20] =	stream.indirect.scatter.add.f32 [tilespmem:s26], [sflag:$0xA], $0x80, s24, s14, $0xb8;
	[tilespmem:$0x1E380] =	vst v63  }
0x258: {  	v2 =	vld [tilespmem:$0x300];
	_ =	sdelay $0x7  }
0x259: {  	[tilespmem:v2+s10+$0x0] =	vst.idx.add.f32.msk $0xffff, v1  }
0x25a: {  	v2 =	vld [tilespmem:$0x310];
	_ =	sdelay $0x7  }
0x25b: {  	[tilespmem:v2+s10+$0x0] =	vst.idx.add.f32.msk $0xffff, v1  }
0x25c: {  	v2 =	vld [tilespmem:$0x320];
	_ =	sdelay $0x7  }
0x25d: {  	[tilespmem:v2+s10+$0x0] =	vst.idx.add.f32.msk $0xffff, v1  }
0x25e: {  	v2 =	vld [tilespmem:$0x330];
	_ =	sdelay $0x7  }
0x25f: {  	[tilespmem:v2+s10+$0x0] =	vst.idx.add.f32.msk $0xffff, v1  }
0x260: {  	v2 =	vld [tilespmem:$0x340];
	_ =	sdelay $0x5  }
0x261: {  	s5 =	sld [smem:$0x7F9];
	_ =	sdelay $0x1  }
0x262: {  	s6 =	sld [smem:$0x7FA];
	[tilespmem:v2+s10+$0x0] =	vst.idx.add.f32.msk $0xffff, v1  }
0x263: {  	[tilespmem:s1], [sflag:$0x4] =	stream.linear.gather [hbm4b:s5+s1], $0x50, $0x38;
	[tilespmem:$0x1E380] =	vst v63  }
0x264: {  	_ = 	snop  }
0x265: {  	[tilespmem:s13], [sflag:$0x4] =	stream.linear.gather [hbm4b:s6+s1], $0x50, $0x38;
	[tilespmem:$0x1E380] =	vst v63  }
0x266: {  	_ =	swait.ge [sflag:s2], $0x2800  }
0x267: {  	[sflag:s2] =	ssyncset.done $0x0  }
0x268: {  	[sflag:s2] =	ssyncadd.s32 $0xFFFFD800  }
0x269: {  	_ =	swait.ge [sflag:s3], $0x50  }
0x26a: {  	[sflag:s3] =	ssyncset.done $0x0  }
0x26b: {  	[sflag:s3] =	ssyncadd.s32 $0xFFFFFFB0  }
0x26c: {  	_ =	swait.ge [sflag:s3], $0x50  }
0x26d: {  	[sflag:s3] =	ssyncset.done $0x0  }
0x26e: {  	[sflag:s3] =	ssyncadd.s32 $0xFFFFFFB0  }
0x26f: {  	[tilespmem:s8], [sflag:$0x2] =	stream.indirect.gather [hbm4b:s15+s14], $0x80, s1, s14, $0xb8;
	[tilespmem:$0x1E380] =	vst v63  }
0x270: {  	_ =	swait.ge [sflag:s9], $0x2800  }
0x271: {  	[sflag:s9] =	ssyncset.done $0x0  }
0x272: {  	[sflag:s9] =	ssyncadd.s32 $0xFFFFD800  }
0x273: {  	[spmem:s20] =	stream.indirect.scatter.add.f32 [tilespmem:s11], [sflag:$0x8], $0x80, s30, s14, $0xb8;
	[tilespmem:$0x1E380] =	vst v63  }
0x274: {  	v2 =	vld [tilespmem:$0x380];
	_ =	sdelay $0x7  }
0x275: {  	[tilespmem:v2+s10+$0x0] =	vst.idx.add.f32.msk $0xffff, v1  }
0x276: {  	v2 =	vld [tilespmem:$0x390];
	_ =	sdelay $0x7  }
0x277: {  	[tilespmem:v2+s10+$0x0] =	vst.idx.add.f32.msk $0xffff, v1  }
0x278: {  	v2 =	vld [tilespmem:$0x3A0];
	_ =	sdelay $0x7  }
0x279: {  	[tilespmem:v2+s10+$0x0] =	vst.idx.add.f32.msk $0xffff, v1  }
0x27a: {  	v2 =	vld [tilespmem:$0x3B0];
	_ =	sdelay $0x7  }
0x27b: {  	[tilespmem:v2+s10+$0x0] =	vst.idx.add.f32.msk $0xffff, v1  }
0x27c: {  	v2 =	vld [tilespmem:$0x3C0];
	_ =	sdelay $0x7  }
0x27d: {  	[tilespmem:v2+s10+$0x0] =	vst.idx.add.f32.msk $0xffff, v1  }
0x27e: {  	_ =	swait.ge [sflag:s28], $0x2800  }
0x27f: {  	[sflag:s28] =	ssyncset.done $0x0  }
0x280: {  	[sflag:s28] =	ssyncadd.s32 $0xFFFFD800  }
0x281: {  	[spmem:s20] =	stream.indirect.scatter.add.f32 [tilespmem:s8], [sflag:$0x9], $0x80, s13, s14, $0xb8;
	[tilespmem:$0x1E380] =	vst v63  }
0x282: {  	v2 =	vld [tilespmem:$0x200];
	_ =	sdelay $0x7  }
0x283: {  	[tilespmem:v2+s10+$0x0] =	vst.idx.add.f32.msk $0xffff, v1  }
0x284: {  	v2 =	vld [tilespmem:$0x210];
	_ =	sdelay $0x7  }
0x285: {  	[tilespmem:v2+s10+$0x0] =	vst.idx.add.f32.msk $0xffff, v1  }
0x286: {  	v2 =	vld [tilespmem:$0x220];
	_ =	sdelay $0x7  }
0x287: {  	[tilespmem:v2+s10+$0x0] =	vst.idx.add.f32.msk $0xffff, v1  }
0x288: {  	v2 =	vld [tilespmem:$0x230];
	_ =	sdelay $0x7  }
0x289: {  	[tilespmem:v2+s10+$0x0] =	vst.idx.add.f32.msk $0xffff, v1  }
0x28a: {  	v2 =	vld [tilespmem:$0x240];
	_ =	sdelay $0x7  }
0x28b: {  	[tilespmem:v2+s10+$0x0] =	vst.idx.add.f32.msk $0xffff, v1  }
0x28c: {  	_ =	swait.ge [sflag:s4], $0x2800  }
0x28d: {  	[sflag:s4] =	ssyncset.done $0x0  }
0x28e: {  	[sflag:s4] =	ssyncadd.s32 $0xFFFFD800  }
0x28f: {  	_ =	swait.ge [sflag:s31], $0x2800  }
0x290: {  	[sflag:s31] =	ssyncset.done $0x0  }
0x291: {  	[sflag:s31] =	ssyncadd.s32 $0xFFFFD800  }
0x292: {  	_ =	swait.ge [sflag:s2], $0x2800  }
0x293: {  	[sflag:s2] =	ssyncset.done $0x0  }
0x294: {  	[sflag:s2] =	ssyncadd.s32 $0xFFFFD800  }
0x295: {  	[bflag:$0x0] =	sbarrier.arrive $0xFFFF  }
0x296: {  	s18 =	sld [smem:$0x7E1]  }
0x297: {  	s7 =	stileid.u32  }
0x298: {  	s5 =	sshll.u32 s7, $0x6  }
0x299: {  	s6 =	sor.u32 $0x1C0B, s5;
	s7 =	rddreg [dreg:$0x1b];
	s5 =	sshrl.u32 s18, $0x3  }
0x29a: {  	[hbm:s7], [sflag:s6] =	dma.local [spmem:s5], $0x280  }
0x29b: {  	_ =	swait.ge [sflag:s12], $0x280  }
0x29c: {  	s7 =	sld [smem:$0x7E2];
	_ =	sdelay $0x1  }
0x29d: {  	[sflag:s12] =	ssyncset.done $0x0  }
0x29e: {  	s18 =	rddreg [dreg:$0x1c];
	[sflag:s12] =	ssyncadd.s32 $0xFFFFFD80;
	s5 =	sshrl.u32 s7, $0x3  }
0x29f: {  	[hbm:s18], [sflag:s6] =	dma.local [spmem:s5], $0x280  }
0x2a0: {  	_ =	swait.ge [sflag:s12], $0x280  }
0x2a1: {  	s7 =	sld [smem:$0x7E3];
	_ =	sdelay $0x1  }
0x2a2: {  	[sflag:s12] =	ssyncset.done $0x0  }
0x2a3: {  	s18 =	rddreg [dreg:$0x1d];
	[sflag:s12] =	ssyncadd.s32 $0xFFFFFD80;
	s5 =	sshrl.u32 s7, $0x3  }
0x2a4: {  	[hbm:s18], [sflag:s6] =	dma.local [spmem:s5], $0x280  }
0x2a5: {  	_ =	swait.ge [sflag:s12], $0x280  }
0x2a6: {  	s7 =	sld [smem:$0x7E4];
	_ =	sdelay $0x1  }
0x2a7: {  	[sflag:s12] =	ssyncset.done $0x0  }
0x2a8: {  	s18 =	rddreg [dreg:$0x1e];
	[sflag:s12] =	ssyncadd.s32 $0xFFFFFD80;
	s5 =	sshrl.u32 s7, $0x3  }
0x2a9: {  	[hbm:s18], [sflag:s6] =	dma.local [spmem:s5], $0x280  }
0x2aa: {  	_ =	swait.ge [sflag:s12], $0x280  }
0x2ab: {  	s7 =	sld [smem:$0x7E5];
	_ =	sdelay $0x1  }
0x2ac: {  	[sflag:s12] =	ssyncset.done $0x0  }
0x2ad: {  	s18 =	rddreg [dreg:$0x1f];
	[sflag:s12] =	ssyncadd.s32 $0xFFFFFD80;
	s5 =	sshrl.u32 s7, $0x3  }
0x2ae: {  	[hbm:s18], [sflag:s6] =	dma.local [spmem:s5], $0x280  }
0x2af: {  	_ =	swait.ge [sflag:s12], $0x280  }
0x2b0: {  	s7 =	sld [smem:$0x7E6]  }
0x2b1: {  	s18 =	sld [smem:$0x7D6]  }
0x2b2: {  	[sflag:s12] =	ssyncset.done $0x0  }
0x2b3: {  	[sflag:s12] =	ssyncadd.s32 $0xFFFFFD80;
	s5 =	sshrl.u32 s7, $0x3  }
0x2b4: {  	[hbm:s18], [sflag:s6] =	dma.local [spmem:s5], $0x280  }
0x2b5: {  	_ =	swait.ge [sflag:s12], $0x280  }
0x2b6: {  	s7 =	sld [smem:$0x7E7]  }
0x2b7: {  	s18 =	sld [smem:$0x7D7]  }
0x2b8: {  	[sflag:s12] =	ssyncset.done $0x0  }
0x2b9: {  	[sflag:s12] =	ssyncadd.s32 $0xFFFFFD80;
	s5 =	sshrl.u32 s7, $0x3  }
0x2ba: {  	[hbm:s18], [sflag:s6] =	dma.local [spmem:s5], $0x280  }
0x2bb: {  	_ =	swait.ge [sflag:s12], $0x280  }
0x2bc: {  	s7 =	sld [smem:$0x7E8]  }
0x2bd: {  	s18 =	sld [smem:$0x7D8]  }
0x2be: {  	[sflag:s12] =	ssyncset.done $0x0  }
0x2bf: {  	[sflag:s12] =	ssyncadd.s32 $0xFFFFFD80;
	s5 =	sshrl.u32 s7, $0x3  }
0x2c0: {  	[hbm:s18], [sflag:s6] =	dma.local [spmem:s5], $0x280  }
0x2c1: {  	_ =	swait.ge [sflag:s12], $0x280  }
0x2c2: {  	s7 =	sld [smem:$0x7E9]  }
0x2c3: {  	s18 =	sld [smem:$0x7D9]  }
0x2c4: {  	[sflag:s12] =	ssyncset.done $0x0  }
0x2c5: {  	[sflag:s12] =	ssyncadd.s32 $0xFFFFFD80;
	s5 =	sshrl.u32 s7, $0x3  }
0x2c6: {  	[hbm:s18], [sflag:s6] =	dma.local [spmem:s5], $0x280  }
0x2c7: {  	_ =	swait.ge [sflag:s12], $0x280  }
0x2c8: {  	s7 =	sld [smem:$0x7EA]  }
0x2c9: {  	s18 =	sld [smem:$0x7DA]  }
0x2ca: {  	[sflag:s12] =	ssyncset.done $0x0  }
0x2cb: {  	[sflag:s12] =	ssyncadd.s32 $0xFFFFFD80;
	s5 =	sshrl.u32 s7, $0x3  }
0x2cc: {  	[hbm:s18], [sflag:s6] =	dma.local [spmem:s5], $0x280  }
0x2cd: {  	_ =	swait.ge [sflag:s12], $0x280  }
0x2ce: {  	s7 =	sld [smem:$0x7EB]  }
0x2cf: {  	s18 =	sld [smem:$0x7DB]  }
0x2d0: {  	[sflag:s12] =	ssyncset.done $0x0  }
0x2d1: {  	[sflag:s12] =	ssyncadd.s32 $0xFFFFFD80;
	s5 =	sshrl.u32 s7, $0x3  }
0x2d2: {  	[hbm:s18], [sflag:s6] =	dma.local [spmem:s5], $0x280  }
0x2d3: {  	_ =	swait.ge [sflag:s12], $0x280  }
0x2d4: {  	s7 =	sld [smem:$0x7EC]  }
0x2d5: {  	s18 =	sld [smem:$0x7DC]  }
0x2d6: {  	[sflag:s12] =	ssyncset.done $0x0  }
0x2d7: {  	[sflag:s12] =	ssyncadd.s32 $0xFFFFFD80;
	s5 =	sshrl.u32 s7, $0x3  }
0x2d8: {  	[hbm:s18], [sflag:s6] =	dma.local [spmem:s5], $0x280  }
0x2d9: {  	_ =	swait.ge [sflag:s12], $0x280  }
0x2da: {  	s7 =	sld [smem:$0x7ED]  }
0x2db: {  	s18 =	sld [smem:$0x7DD]  }
0x2dc: {  	[sflag:s12] =	ssyncset.done $0x0  }
0x2dd: {  	[sflag:s12] =	ssyncadd.s32 $0xFFFFFD80;
	s5 =	sshrl.u32 s7, $0x3  }
0x2de: {  	[hbm:s18], [sflag:s6] =	dma.local [spmem:s5], $0x280  }
0x2df: {  	_ =	swait.ge [sflag:s12], $0x280  }
0x2e0: {  	s7 =	sld [smem:$0x7EE]  }
0x2e1: {  	s18 =	sld [smem:$0x7DE]  }
0x2e2: {  	[sflag:s12] =	ssyncset.done $0x0  }
0x2e3: {  	[sflag:s12] =	ssyncadd.s32 $0xFFFFFD80;
	s5 =	sshrl.u32 s7, $0x3  }
0x2e4: {  	[hbm:s18], [sflag:s6] =	dma.local [spmem:s5], $0x280  }
0x2e5: {  	_ =	swait.ge [sflag:s12], $0x280  }
0x2e6: {  	s7 =	sld [smem:$0x7EF]  }
0x2e7: {  	s18 =	sld [smem:$0x7DF]  }
0x2e8: {  	[sflag:s12] =	ssyncset.done $0x0  }
0x2e9: {  	[sflag:s12] =	ssyncadd.s32 $0xFFFFFD80;
	s5 =	sshrl.u32 s7, $0x3  }
0x2ea: {  	[hbm:s18], [sflag:s6] =	dma.local [spmem:s5], $0x280  }
0x2eb: {  	_ =	swait.ge [sflag:s12], $0x280  }
0x2ec: {  	s7 =	sld [smem:$0x7F0]  }
0x2ed: {  	s18 =	sld [smem:$0x7E0]  }
0x2ee: {  	[sflag:s12] =	ssyncset.done $0x0  }
0x2ef: {  	[sflag:s12] =	ssyncadd.s32 $0xFFFFFD80;
	s5 =	sshrl.u32 s7, $0x3  }
0x2f0: {  	[hbm:s18], [sflag:s6] =	dma.local [spmem:s5], $0x280  }
0x2f1: {  	_ =	swait.ge [sflag:s12], $0x280  }
0x2f2: {  	s6 =	sld [smem:$0x7FB]  }
0x2f3: {  	[sflag:s12] =	ssyncset.done $0x0  }
0x2f4: {  	[sflag:s12] =	ssyncadd.s32 $0xFFFFFD80  }
0x2f5: {  	[hbm4b:s6+s1] =	stream.linear.scatter [tilespmem:s10], [sflag:$0xB], $0x2710, $0x38;
	[tilespmem:$0x1E380] =	vst v63  }
0x2f6: {  	_ =	swait.ge [sflag:s12], $0x2710  }
0x2f7: {  	s7 =	sld [smem:$0x7D5]  }
0x2f8: {  	s18 =	sld [smem:$0x7FC];
	_ =	sdelay $0x1  }
0x2f9: {  	s6 =	sadd.s32 $0x1, s7  }
0x2fa: {  	p0 =	sne.s32 s6, s18  }
.Ltmp3:
0x2fb: {  	_ = 	snop;
	(pc) =	sbr.rel @p0 .LBB2_1-.Ltmp3, $3  }
0x2fc: {  	_ =	sdelay $0x1  }
0x2fd: {  	[sflag:s12] =	ssyncset.done $0x0  }
0x2fe: {  	[sflag:s12] =	ssyncadd.s32 $0xFFFFD8F0  }
0x2ff: {  	_ =	sfence.sel $0x180000  }
0x300: {  	[bflag:$0x0] =	sbarrier.arrive $0xFFFF  }
0x301: {  	_ =	strace $0x90000047  }
0x302: {  	s0 =	stileid.u32;
	[bflag:$0x2] =	sbarrier.arrive $0xFFFF  }
0x303: {  	p0 =	sne.s32 s0, $0x0;
	s0 =	rddreg [dreg:$0x4]  }
0x304: {  	s0 =	sadd.s32 @!p0 $0x100000, s0  }
0x305: {  	[sflag:s0] =	ssyncadd.tile.s32 @!p0 $0x1;
	_ =	shalt  }
.Lfunc_end2:
_tile_overlayer_lowered:
.L_overlay_start_2:
0x306: {  	(tag) =	ssettag $0x2  }
0x307: {  	s0 =	rddreg [dreg:$0x0];
	s2 =	stileid.u32  }
0x308: {  	s1 =	rddreg [dreg:$0x1];
	p0 =	sne.s32 s2, $0x0  }
0x309: {  	s3 =	rddreg [dreg:$0x2];
	[bflag:$0x3] =	sbarrier.arrive $0xFFFF;
	s2 =	simm.s32 @!p0 $0x1C0B  }
0x30a: {  	[timem:s3], [sflag:s2] =	dma.local @!p0 [hbm:s0], s1  }
0x30b: {  	s0 =	simm.s32 @!p0 $0xB  }
0x30c: {  	_ =	swait.ge @!p0 [sflag:s0], s1  }
0x30d: {  	s1 =	ssub.s32 @!p0 $0x0, s1;
	[sflag:s0] =	ssyncset.done @!p0 $0x0  }
0x30e: {  	[sflag:s0] =	ssyncadd.s32 @!p0 s1  }
0x30f: {  	[bflag:$0x3] =	sbarrier.arrive $0xFFFF  }
0x310: {  	_ =	shalt  }

</sc_bundles>
